<compile_context>
chip_gen: v7x
topology: tpu7x:2x2x1
jax: 0.10.2.dev20260603
libtpu: 0.0.44.dev20260713+nightly
codegen_flags: <defaults>
</compile_context>

<pallas_src>
import functools

import jax
import jax.numpy as jnp
from jax import lax
from jax.experimental import pallas as pl
from jax.experimental.pallas import tpu as pltpu
from jax.experimental.pallas import tpu_sc as plsc

N = 10000
E = 320000
D = 128

NC = 2
NS = 16
NW = NC * NS
EPW = E // NW
CH = 80
NCHUNK = EPW // CH
RPT = 624
ZROWS = 48
TAIL = N - NS * RPT


def _segment_sum_sc(x, src, dst):
    mesh = plsc.VectorSubcoreMesh(core_axis_name="c", subcore_axis_name="s")

    @functools.partial(
        pl.kernel,
        out_type=jax.ShapeDtypeStruct((NC, N, D), jnp.float32),
        mesh=mesh,
        scratch_types=[
            pltpu.VMEM((CH,), jnp.int32),
            pltpu.VMEM((CH,), jnp.int32),
            pltpu.VMEM((CH,), jnp.int32),
            pltpu.VMEM((CH,), jnp.int32),
            pltpu.VMEM((CH,), jnp.int32),
            pltpu.VMEM((CH,), jnp.int32),
            pltpu.VMEM((CH, D), jnp.float32),
            pltpu.VMEM((CH, D), jnp.float32),
            pltpu.VMEM((CH, D), jnp.float32),
            pltpu.VMEM((ZROWS, D), jnp.float32),
            pltpu.VMEM_SHARED((N, D), jnp.float32),
            pltpu.SemaphoreType.DMA,
            pltpu.SemaphoreType.DMA,
            pltpu.SemaphoreType.DMA,
            pltpu.SemaphoreType.DMA,
            pltpu.SemaphoreType.DMA,
            pltpu.SemaphoreType.DMA,
            pltpu.SemaphoreType.DMA,
            pltpu.SemaphoreType.DMA,
            pltpu.SemaphoreType.DMA,
        ],
    )
    def k(x_hbm, src_hbm, dst_hbm, out_hbm, si_0, si_1, si_2, di_0, di_1,
          di_2, rows_0, rows_1, rows_2, zero_v, acc, sg_0, sg_1, sg_2,
          ss_0, ss_1, ss_2, sio_0, sio_1, sio_2):
        cid = lax.axis_index("c")
        sid = lax.axis_index("s")
        wid = sid * NC + cid
        bufs = ((si_0, di_0, rows_0, sg_0, ss_0, sio_0),
                (si_1, di_1, rows_1, sg_1, ss_1, sio_1),
                (si_2, di_2, rows_2, sg_2, ss_2, sio_2))

        @pl.loop(0, ZROWS)
        def _(i):
            @pl.loop(0, D, step=16)
            def _(j):
                zero_v.at[pl.ds(i, 1), pl.ds(j, 16)][...] = (
                    jnp.zeros((1, 16), jnp.float32))

        @pl.loop(0, RPT // ZROWS)
        def _(t):
            pltpu.async_copy(zero_v,
                             acc.at[pl.ds(sid * RPT + t * ZROWS, ZROWS)],
                             ss_0)

        @pl.when(sid == 0)
        def _():
            pltpu.async_copy(zero_v.at[pl.ds(0, TAIL)],
                             acc.at[pl.ds(NS * RPT, TAIL)], ss_1)

        base0 = wid * EPW

        def idx_start(c, buf):
            si, di, _, _, _, sio = buf
            pltpu.async_copy(src_hbm.at[pl.ds(base0 + c * CH, CH)], si, sio)
            pltpu.async_copy(dst_hbm.at[pl.ds(base0 + c * CH, CH)], di, sio)

        def idx_wait(c, buf):
            si, di, _, _, _, sio = buf
            pltpu.make_async_copy(src_hbm.at[pl.ds(base0 + c * CH, CH)],
                                  si, sio).wait()
            pltpu.make_async_copy(dst_hbm.at[pl.ds(base0 + c * CH, CH)],
                                  di, sio).wait()

        def gather_start(buf):
            si, _, rows, sg, _, _ = buf
            pltpu.async_copy(x_hbm.at[si], rows, sg)

        def finish(buf):
            si, di, rows, sg, ss, _ = buf
            pltpu.make_async_copy(x_hbm.at[si], rows, sg).wait()
            pltpu.async_copy(rows, acc.at[di], add=True, sem=ss)

        def wait_scatter(buf):
            _, di, rows, _, ss, _ = buf
            pltpu.make_async_copy(rows, acc.at[di], ss).wait()

        def step(c, skip_scatter_wait=False):
            kk = c % 3
            kp = (c + 1) % 3
            k2 = (c + 2) % 3
            if not skip_scatter_wait:
                wait_scatter(bufs[k2])
            if c + 2 < NCHUNK:
                idx_start(c + 2, bufs[k2])
            if c + 1 < NCHUNK:
                idx_wait(c + 1, bufs[kp])
                gather_start(bufs[kp])
            finish(bufs[kk])

        idx_start(0, bufs[0])
        idx_start(1, bufs[1])

        @pl.loop(0, RPT // ZROWS)
        def _(t):
            pltpu.make_async_copy(
                zero_v, acc.at[pl.ds(sid * RPT + t * ZROWS, ZROWS)],
                ss_0).wait()

        @pl.when(sid == 0)
        def _():
            pltpu.make_async_copy(zero_v.at[pl.ds(0, TAIL)],
                                  acc.at[pl.ds(NS * RPT, TAIL)],
                                  ss_1).wait()

        idx_wait(0, bufs[0])
        gather_start(bufs[0])
        plsc.subcore_barrier()
        step(0, skip_scatter_wait=True)
        step(1)
        step(2)

        @pl.loop(1, (NCHUNK - 2) // 3)
        def _(q):
            for j in range(3):
                k2 = (j + 2) % 3
                kp = (j + 1) % 3
                wait_scatter(bufs[k2])
                si, di, _, _, _, sio = bufs[k2]
                b2 = base0 + (3 * q + j + 2) * CH
                pltpu.async_copy(src_hbm.at[pl.ds(b2, CH)], si, sio)
                pltpu.async_copy(dst_hbm.at[pl.ds(b2, CH)], di, sio)
                sip, dip, _, _, _, siop = bufs[kp]
                b1 = base0 + (3 * q + j + 1) * CH
                pltpu.make_async_copy(src_hbm.at[pl.ds(b1, CH)], sip,
                                      siop).wait()
                pltpu.make_async_copy(dst_hbm.at[pl.ds(b1, CH)], dip,
                                      siop).wait()
                gather_start(bufs[kp])
                finish(bufs[j])

        step(123)
        step(124)
        wait_scatter(bufs[124 % 3])

        plsc.subcore_barrier()

        pltpu.sync_copy(acc.at[pl.ds(sid * RPT, RPT)],
                        out_hbm.at[cid, pl.ds(sid * RPT, RPT)])

        @pl.when(sid == 0)
        def _():
            pltpu.sync_copy(acc.at[pl.ds(NS * RPT, TAIL)],
                            out_hbm.at[cid, pl.ds(NS * RPT, TAIL)])

    return k(x, src, dst)


def _pre_tc(xin, Wroot, Wlin, brel, blin, Wrel):
    BLK = 2000

    def body(x_ref, wq_ref, wl_ref, br_ref, bl_ref, wr_ref, t_ref, wc_ref):
        t = jnp.dot(x_ref[...], wq_ref[...],
                    preferred_element_type=jnp.float32) + br_ref[...]
        t_ref[...] = jnp.dot(t, wl_ref[...],
                             preferred_element_type=jnp.float32) + bl_ref[...]

        @pl.when(pl.program_id(0) == 0)
        def _():
            wc_ref[...] = jnp.dot(wr_ref[...], wl_ref[...],
                                  preferred_element_type=jnp.float32)

    mat_spec = pl.BlockSpec((D, D), lambda i: (0, 0))
    vec_spec = pl.BlockSpec((1, D), lambda i: (0, 0))
    return pl.pallas_call(
        body,
        grid=(N // BLK,),
        in_specs=[
            pl.BlockSpec((BLK, D), lambda i: (i, 0)),
            mat_spec, mat_spec, vec_spec, vec_spec, mat_spec,
        ],
        out_specs=[pl.BlockSpec((BLK, D), lambda i: (i, 0)), mat_spec],
        out_shape=[jax.ShapeDtypeStruct((N, D), jnp.float32),
                   jax.ShapeDtypeStruct((D, D), jnp.float32)],
    )(xin, Wroot, Wlin, brel.reshape(1, D), blin.reshape(1, D), Wrel)


def _main_tc(parts, t, wc):
    BLK = 2000

    def body(p0_ref, p1_ref, t_ref, wc_ref, o_ref):
        agg = p0_ref[...] + p1_ref[...]
        h = jnp.dot(agg, wc_ref[...], preferred_element_type=jnp.float32)
        o_ref[...] = jnp.maximum(h + t_ref[...], 0.0)

    return pl.pallas_call(
        body,
        grid=(N // BLK,),
        in_specs=[
            pl.BlockSpec((None, BLK, D), lambda i: (0, i, 0)),
            pl.BlockSpec((None, BLK, D), lambda i: (1, i, 0)),
            pl.BlockSpec((BLK, D), lambda i: (i, 0)),
            pl.BlockSpec((D, D), lambda i: (0, 0)),
        ],
        out_specs=pl.BlockSpec((BLK, D), lambda i: (i, 0)),
        out_shape=jax.ShapeDtypeStruct((N, D), jnp.float32),
    )(parts, parts, t, wc)


def kernel(x, edge_index, Wrel1, brel1, Wroot1, Wlin1, blin1,
           Wrel2, brel2, Wroot2, Wlin2, blin2):
    src = edge_index[0].astype(jnp.int32)
    dst = edge_index[1].astype(jnp.int32)
    parts1 = _segment_sum_sc(x, src, dst)
    t1, wc1 = _pre_tc(x, Wroot1, Wlin1, brel1, blin1, Wrel1)
    h = _main_tc(parts1, t1, wc1)
    parts2 = _segment_sum_sc(h, src, dst)
    t2, wc2 = _pre_tc(h, Wroot2, Wlin2, brel2, blin2, Wrel2)
    return _main_tc(parts2, t2, wc2)

# --- scband reference (transcript-rebuilt; emitter-appended) ---
"""Pipeline reference for scband-encoder-graph-conv-80015240725034 (READ-ONLY COPY).

The authoritative reference and input builder live on the scoring server;
editing this copy changes nothing except your own understanding.
"""

import jax, jax.numpy as jnp
import numpy as np

N_NODES = 10000
N_EDGES = 320000
D = 128


def setup_inputs(seed: int = 0) -> dict:
    key = jax.random.key(seed)
    ks = jax.random.split(key, 12)
    s = 1.0 / np.sqrt(D)
    x = jax.random.normal(ks[0], (N_NODES, D), dtype=jnp.float32)
    edge_index = jax.random.randint(ks[1], (2, N_EDGES), 0, N_NODES, dtype=jnp.int64)
    Wrel1 = jax.random.uniform(ks[2], (D, D), minval=-s, maxval=s, dtype=jnp.float32)
    brel1 = jax.random.uniform(ks[3], (D,), minval=-s, maxval=s, dtype=jnp.float32)
    Wroot1 = jax.random.uniform(ks[4], (D, D), minval=-s, maxval=s, dtype=jnp.float32)
    Wlin1 = jax.random.uniform(ks[5], (D, D), minval=-s, maxval=s, dtype=jnp.float32)
    blin1 = jax.random.uniform(ks[6], (D,), minval=-s, maxval=s, dtype=jnp.float32)
    Wrel2 = jax.random.uniform(ks[7], (D, D), minval=-s, maxval=s, dtype=jnp.float32)
    brel2 = jax.random.uniform(ks[8], (D,), minval=-s, maxval=s, dtype=jnp.float32)
    Wroot2 = jax.random.uniform(ks[9], (D, D), minval=-s, maxval=s, dtype=jnp.float32)
    Wlin2 = jax.random.uniform(ks[10], (D, D), minval=-s, maxval=s, dtype=jnp.float32)
    blin2 = jax.random.uniform(ks[11], (D,), minval=-s, maxval=s, dtype=jnp.float32)
    return {"x": x, "edge_index": edge_index,
            "Wrel1": Wrel1, "brel1": brel1, "Wroot1": Wroot1,
            "Wlin1": Wlin1, "blin1": blin1,
            "Wrel2": Wrel2, "brel2": brel2, "Wroot2": Wroot2,
            "Wlin2": Wlin2, "blin2": blin2}


def reference(x, edge_index, Wrel1, brel1, Wroot1, Wlin1, blin1,
              Wrel2, brel2, Wroot2, Wlin2, blin2):
    # GraphConv (PyG): out = lin_rel(sum_{j in N(i)} x_j) + lin_root(x_i)
    src = edge_index[0]
    dst = edge_index[1]
    # layer 1: conv1 -> lin1 -> relu
    agg1 = jax.ops.segment_sum(x[src], dst, num_segments=N_NODES)
    h = agg1 @ Wrel1 + brel1 + x @ Wroot1
    h = h @ Wlin1 + blin1
    h = jax.nn.relu(h)
    # layer 2: conv2 -> lin2 -> relu
    agg2 = jax.ops.segment_sum(h[src], dst, num_segments=N_NODES)
    h2 = agg2 @ Wrel2 + brel2 + h @ Wroot2
    h2 = h2 @ Wlin2 + blin2
    return jax.nn.relu(h2)

if __name__ == "__main__":
    import jax
    _d = setup_inputs()
    print(jax.jit(kernel)(*tuple(_d.values())))

</pallas_src>

<mosaic_0001>
#map = affine_map<(d0, d1) -> (0, 0)>
#map1 = affine_map<(d0, d1) -> (0)>
#map2 = affine_map<(d0, d1) -> (0, 0, 0)>
module attributes {stable_mosaic.version = 14 : i64} {
  func.func @k(%arg0: i32, %arg1: i32, %arg2: memref<10000x128xf32, #tpu.memory_space<hbm>>, %arg3: memref<320000xi32, #tpu.memory_space<hbm>>, %arg4: memref<320000xi32, #tpu.memory_space<hbm>>, %arg5: memref<2x10000x128xf32, #tpu.memory_space<hbm>>, %arg6: memref<80xi32, #tpu.memory_space<vmem>>, %arg7: memref<80xi32, #tpu.memory_space<vmem>>, %arg8: memref<80xi32, #tpu.memory_space<vmem>>, %arg9: memref<80xi32, #tpu.memory_space<vmem>>, %arg10: memref<80xi32, #tpu.memory_space<vmem>>, %arg11: memref<80xi32, #tpu.memory_space<vmem>>, %arg12: memref<80x128xf32, #tpu.memory_space<vmem>>, %arg13: memref<80x128xf32, #tpu.memory_space<vmem>>, %arg14: memref<80x128xf32, #tpu.memory_space<vmem>>, %arg15: memref<48x128xf32, #tpu.memory_space<vmem>>, %arg16: memref<10000x128xf32, #tpu.memory_space<vmem_shared>>, %arg17: memref<!tpu.dma_semaphore, #tpu.memory_space<semaphore_mem>>, %arg18: memref<!tpu.dma_semaphore, #tpu.memory_space<semaphore_mem>>, %arg19: memref<!tpu.dma_semaphore, #tpu.memory_space<semaphore_mem>>, %arg20: memref<!tpu.dma_semaphore, #tpu.memory_space<semaphore_mem>>, %arg21: memref<!tpu.dma_semaphore, #tpu.memory_space<semaphore_mem>>, %arg22: memref<!tpu.dma_semaphore, #tpu.memory_space<semaphore_mem>>, %arg23: memref<!tpu.dma_semaphore, #tpu.memory_space<semaphore_mem>>, %arg24: memref<!tpu.dma_semaphore, #tpu.memory_space<semaphore_mem>>, %arg25: memref<!tpu.dma_semaphore, #tpu.memory_space<semaphore_mem>>) attributes {dimension_semantics = [#tpu.dimension_semantics<core_parallel>, #tpu.dimension_semantics<subcore_parallel>], iteration_bounds = array<i64: 2, 16>, scalar_prefetch = 0 : i64, scratch_operands = 20 : i64, tpu.core_type = #tpu.core_type<sc_vector_subcore>, window_params = [{transform_indices = #map}, {transform_indices = #map1}, {transform_indices = #map1}, {transform_indices = #map2}]} {
    %mul3A = arith.constant 2 : i32
    %mul3A_0 = arith.muli %arg1, %mul3A : i32
    %add3A = arith.addi %mul3A_0, %arg0 : i32
    %scan3A = arith.constant 0 : i32
    %scan3A_1 = arith.constant 48 : i32
    %scan3A_2 = arith.addi %scan3A, %scan3A_1 : i32
    %scan3A_3 = arith.constant 1 : i32
    scf.for %scan3A_177 = %scan3A to %scan3A_2 step %scan3A_3  : i32 {
      %mul3A_178 = arith.constant 1 : i32
      %mul3A_179 = arith.muli %scan3A_177, %mul3A_178 : i32
      %add3A_180 = arith.constant 0 : i32
      %add3A_181 = arith.addi %add3A_180, %mul3A_179 : i32
      %scan3A_182 = arith.constant 0 : i32
      %scan3A_183 = arith.constant 8 : i32
      %scan3A_184 = arith.addi %scan3A_182, %scan3A_183 : i32
      %scan3A_185 = arith.constant 1 : i32
      scf.for %scan3A_187 = %scan3A_182 to %scan3A_184 step %scan3A_185  : i32 {
        %mul3A_188 = arith.constant 16 : i32
        %mul3A_189 = arith.muli %scan3A_187, %mul3A_188 : i32
        %add3A_190 = arith.constant 0 : i32
        %add3A_191 = arith.addi %add3A_190, %mul3A_189 : i32
        %broadcast_in_dim3A = arith.constant 0.000000e+00 : f32
        %broadcast_in_dim3A_192 = vector.broadcast %broadcast_in_dim3A : f32 to vector<1x16xf32>
        %swap3A = arith.index_cast %add3A_181 : i32 to index
        %swap3A_193 = arith.index_cast %add3A_191 : i32 to index
        %swap3A_194 = tpu.vector_load %arg15[%swap3A, %swap3A_193] {strides = array<i32>} : memref<48x128xf32, #tpu.memory_space<vmem>>, vector<1x16xf32>,
        %swap3A_195 = vector.shape_cast %swap3A_194 : vector<1x16xf32> to vector<1x16xf32>
        %swap3A_196 = vector.shape_cast %broadcast_in_dim3A_192 : vector<1x16xf32> to vector<1x16xf32>
        tpu.vector_store %arg15[%swap3A, %swap3A_193], %swap3A_196 {strides = array<i32>} : memref<48x128xf32, #tpu.memory_space<vmem>>, vector<1x16xf32>,
      }
      %scan3A_186 = arith.constant 8 : i32
    }
    %scan3A_4 = arith.constant 48 : i32
    %scan3A_5 = arith.constant 0 : i32
    %scan3A_6 = arith.constant 13 : i32
    %scan3A_7 = arith.addi %scan3A_5, %scan3A_6 : i32
    %scan3A_8 = arith.constant 1 : i32
    scf.for %scan3A_177 = %scan3A_5 to %scan3A_7 step %scan3A_8  : i32 {
      %mul3A_178 = arith.constant 1 : i32
      %mul3A_179 = arith.muli %scan3A_177, %mul3A_178 : i32
      %add3A_180 = arith.constant 0 : i32
      %add3A_181 = arith.addi %add3A_180, %mul3A_179 : i32
      %mul3A_182 = arith.constant 624 : i32
      %mul3A_183 = arith.muli %arg1, %mul3A_182 : i32
      %mul3A_184 = arith.constant 48 : i32
      %mul3A_185 = arith.muli %add3A_181, %mul3A_184 : i32
      %add3A_186 = arith.addi %mul3A_183, %mul3A_185 : i32
      %dma_start3A_187 = arith.constant 0 : i32
      %dma_start3A_188 = tpu.memref_slice %arg16[%add3A_186, %dma_start3A_187] : memref<10000x128xf32, #tpu.memory_space<vmem_shared>> -> memref<48x128xf32, #tpu.memory_space<vmem_shared>>
      %dma_start3A_189 = arith.constant 0 : i32
      %dma_start3A_190 = tpu.memref_slice %arg16[%add3A_186, %dma_start3A_189] : memref<10000x128xf32, #tpu.memory_space<vmem_shared>> -> memref<48x128xf32, #tpu.memory_space<vmem_shared>>
      tpu.enqueue_dma source(%arg15 : memref<48x128xf32, #tpu.memory_space<vmem>>) target(%dma_start3A_190 : memref<48x128xf32, #tpu.memory_space<vmem_shared>>) target_semaphore(%arg20 : memref<!tpu.dma_semaphore, #tpu.memory_space<semaphore_mem>>)
    }
    %scan3A_9 = arith.constant 13 : i32
    %eq3A = arith.constant 0 : i32
    %eq3A_10 = arith.cmpi eq, %arg1, %eq3A : i32
    %convert_element_type3A = arith.extui %eq3A_10 : i1 to i32
    %cond3A = arith.constant 0 : i32
    %cond3A_11 = arith.cmpi ne, %convert_element_type3A, %cond3A : i32
    scf.if %cond3A_11 {
      %dma_start3A_177 = arith.constant 0 : i32
      %dma_start3A_178 = arith.constant 0 : i32
      %dma_start3A_179 = tpu.memref_slice %arg15[%dma_start3A_177, %dma_start3A_178] : memref<48x128xf32, #tpu.memory_space<vmem>> -> memref<16x128xf32, #tpu.memory_space<vmem>>
      %dma_start3A_180 = arith.constant 9984 : i32
      %dma_start3A_181 = arith.constant 0 : i32
      %dma_start3A_182 = tpu.memref_slice %arg16[%dma_start3A_180, %dma_start3A_181] : memref<10000x128xf32, #tpu.memory_space<vmem_shared>> -> memref<16x128xf32, #tpu.memory_space<vmem_shared>>
      %dma_start3A_183 = arith.constant 9984 : i32
      %dma_start3A_184 = arith.constant 0 : i32
      %dma_start3A_185 = tpu.memref_slice %arg16[%dma_start3A_183, %dma_start3A_184] : memref<10000x128xf32, #tpu.memory_space<vmem_shared>> -> memref<16x128xf32, #tpu.memory_space<vmem_shared>>
      %dma_start3A_186 = arith.constant 0 : i32
      %dma_start3A_187 = arith.constant 0 : i32
      %dma_start3A_188 = tpu.memref_slice %arg15[%dma_start3A_186, %dma_start3A_187] : memref<48x128xf32, #tpu.memory_space<vmem>> -> memref<16x128xf32, #tpu.memory_space<vmem>>
      tpu.enqueue_dma source(%dma_start3A_188 : memref<16x128xf32, #tpu.memory_space<vmem>>) target(%dma_start3A_185 : memref<16x128xf32, #tpu.memory_space<vmem_shared>>) target_semaphore(%arg21 : memref<!tpu.dma_semaphore, #tpu.memory_space<semaphore_mem>>)
    } else {
    }
    %mul3A_12 = arith.constant 10000 : i32
    %mul3A_13 = arith.muli %add3A, %mul3A_12 : i32
    %add3A_14 = arith.constant 0 : i32
    %add3A_15 = arith.addi %mul3A_13, %add3A_14 : i32
    %dma_start3A = tpu.memref_slice %arg3[%add3A_15] : memref<320000xi32, #tpu.memory_space<hbm>> -> memref<80xi32, #tpu.memory_space<hbm>>
    %dma_start3A_16 = tpu.memref_slice %arg3[%add3A_15] : memref<320000xi32, #tpu.memory_space<hbm>> -> memref<80xi32, #tpu.memory_space<hbm>>
    tpu.enqueue_dma source(%dma_start3A_16 : memref<80xi32, #tpu.memory_space<hbm>>) target(%arg6 : memref<80xi32, #tpu.memory_space<vmem>>) target_semaphore(%arg23 : memref<!tpu.dma_semaphore, #tpu.memory_space<semaphore_mem>>)
    %add3A_17 = arith.constant 0 : i32
    %add3A_18 = arith.addi %mul3A_13, %add3A_17 : i32
    %dma_start3A_19 = tpu.memref_slice %arg4[%add3A_18] : memref<320000xi32, #tpu.memory_space<hbm>> -> memref<80xi32, #tpu.memory_space<hbm>>
    %dma_start3A_20 = tpu.memref_slice %arg4[%add3A_18] : memref<320000xi32, #tpu.memory_space<hbm>> -> memref<80xi32, #tpu.memory_space<hbm>>
    tpu.enqueue_dma source(%dma_start3A_20 : memref<80xi32, #tpu.memory_space<hbm>>) target(%arg9 : memref<80xi32, #tpu.memory_space<vmem>>) target_semaphore(%arg23 : memref<!tpu.dma_semaphore, #tpu.memory_space<semaphore_mem>>)
    %add3A_21 = arith.constant 80 : i32
    %add3A_22 = arith.addi %mul3A_13, %add3A_21 : i32
    %dma_start3A_23 = tpu.memref_slice %arg3[%add3A_22] : memref<320000xi32, #tpu.memory_space<hbm>> -> memref<80xi32, #tpu.memory_space<hbm>>
    %dma_start3A_24 = tpu.memref_slice %arg3[%add3A_22] : memref<320000xi32, #tpu.memory_space<hbm>> -> memref<80xi32, #tpu.memory_space<hbm>>
    tpu.enqueue_dma source(%dma_start3A_24 : memref<80xi32, #tpu.memory_space<hbm>>) target(%arg7 : memref<80xi32, #tpu.memory_space<vmem>>) target_semaphore(%arg24 : memref<!tpu.dma_semaphore, #tpu.memory_space<semaphore_mem>>)
    %add3A_25 = arith.constant 80 : i32
    %add3A_26 = arith.addi %mul3A_13, %add3A_25 : i32
    %dma_start3A_27 = tpu.memref_slice %arg4[%add3A_26] : memref<320000xi32, #tpu.memory_space<hbm>> -> memref<80xi32, #tpu.memory_space<hbm>>
    %dma_start3A_28 = tpu.memref_slice %arg4[%add3A_26] : memref<320000xi32, #tpu.memory_space<hbm>> -> memref<80xi32, #tpu.memory_space<hbm>>
    tpu.enqueue_dma source(%dma_start3A_28 : memref<80xi32, #tpu.memory_space<hbm>>) target(%arg10 : memref<80xi32, #tpu.memory_space<vmem>>) target_semaphore(%arg24 : memref<!tpu.dma_semaphore, #tpu.memory_space<semaphore_mem>>)
    %scan3A_29 = arith.constant 0 : i32
    %scan3A_30 = arith.constant 13 : i32
    %scan3A_31 = arith.addi %scan3A_29, %scan3A_30 : i32
    %scan3A_32 = arith.constant 1 : i32
    scf.for %scan3A_177 = %scan3A_29 to %scan3A_31 step %scan3A_32  : i32 {
      %mul3A_178 = arith.constant 1 : i32
      %mul3A_179 = arith.muli %scan3A_177, %mul3A_178 : i32
      %add3A_180 = arith.constant 0 : i32
      %add3A_181 = arith.addi %add3A_180, %mul3A_179 : i32
      %mul3A_182 = arith.constant 624 : i32
      %mul3A_183 = arith.muli %arg1, %mul3A_182 : i32
      %mul3A_184 = arith.constant 48 : i32
      %mul3A_185 = arith.muli %add3A_181, %mul3A_184 : i32
      %add3A_186 = arith.addi %mul3A_183, %mul3A_185 : i32
      %dma_wait3A_187 = arith.constant 0 : i32
      %dma_wait3A_188 = tpu.memref_slice %arg16[%add3A_186, %dma_wait3A_187] : memref<10000x128xf32, #tpu.memory_space<vmem_shared>> -> memref<48x128xf32, #tpu.memory_space<vmem_shared>>
      %dma_wait3A_189 = arith.constant 0 : i32
      %dma_wait3A_190 = tpu.memref_slice %arg16[%add3A_186, %dma_wait3A_189] : memref<10000x128xf32, #tpu.memory_space<vmem_shared>> -> memref<48x128xf32, #tpu.memory_space<vmem_shared>>
      tpu.wait_dma2 semaphore(%arg20 : memref<!tpu.dma_semaphore, #tpu.memory_space<semaphore_mem>>) src(%arg15 : memref<48x128xf32, #tpu.memory_space<vmem>>) dst(%dma_wait3A_190 : memref<48x128xf32, #tpu.memory_space<vmem_shared>>)
    }
    %scan3A_33 = arith.constant 13 : i32
    %eq3A_34 = arith.constant 0 : i32
    %eq3A_35 = arith.cmpi eq, %arg1, %eq3A_34 : i32
    %convert_element_type3A_36 = arith.extui %eq3A_35 : i1 to i32
    %cond3A_37 = arith.constant 0 : i32
    %cond3A_38 = arith.cmpi ne, %convert_element_type3A_36, %cond3A_37 : i32
    scf.if %cond3A_38 {
      %dma_wait3A_177 = arith.constant 0 : i32
      %dma_wait3A_178 = arith.constant 0 : i32
      %dma_wait3A_179 = tpu.memref_slice %arg15[%dma_wait3A_177, %dma_wait3A_178] : memref<48x128xf32, #tpu.memory_space<vmem>> -> memref<16x128xf32, #tpu.memory_space<vmem>>
      %dma_wait3A_180 = arith.constant 9984 : i32
      %dma_wait3A_181 = arith.constant 0 : i32
      %dma_wait3A_182 = tpu.memref_slice %arg16[%dma_wait3A_180, %dma_wait3A_181] : memref<10000x128xf32, #tpu.memory_space<vmem_shared>> -> memref<16x128xf32, #tpu.memory_space<vmem_shared>>
      %dma_wait3A_183 = arith.constant 9984 : i32
      %dma_wait3A_184 = arith.constant 0 : i32
      %dma_wait3A_185 = tpu.memref_slice %arg16[%dma_wait3A_183, %dma_wait3A_184] : memref<10000x128xf32, #tpu.memory_space<vmem_shared>> -> memref<16x128xf32, #tpu.memory_space<vmem_shared>>
      %dma_wait3A_186 = arith.constant 0 : i32
      %dma_wait3A_187 = arith.constant 0 : i32
      %dma_wait3A_188 = tpu.memref_slice %arg15[%dma_wait3A_186, %dma_wait3A_187] : memref<48x128xf32, #tpu.memory_space<vmem>> -> memref<16x128xf32, #tpu.memory_space<vmem>>
      tpu.wait_dma2 semaphore(%arg21 : memref<!tpu.dma_semaphore, #tpu.memory_space<semaphore_mem>>) src(%dma_wait3A_188 : memref<16x128xf32, #tpu.memory_space<vmem>>) dst(%dma_wait3A_185 : memref<16x128xf32, #tpu.memory_space<vmem_shared>>)
    } else {
    }
    %add3A_39 = arith.constant 0 : i32
    %add3A_40 = arith.addi %mul3A_13, %add3A_39 : i32
    %dma_wait3A = tpu.memref_slice %arg3[%add3A_40] : memref<320000xi32, #tpu.memory_space<hbm>> -> memref<80xi32, #tpu.memory_space<hbm>>
    %dma_wait3A_41 = tpu.memref_slice %arg3[%add3A_40] : memref<320000xi32, #tpu.memory_space<hbm>> -> memref<80xi32, #tpu.memory_space<hbm>>
    tpu.wait_dma2 semaphore(%arg23 : memref<!tpu.dma_semaphore, #tpu.memory_space<semaphore_mem>>) src(%dma_wait3A_41 : memref<80xi32, #tpu.memory_space<hbm>>) dst(%arg6 : memref<80xi32, #tpu.memory_space<vmem>>)
    %add3A_42 = arith.constant 0 : i32
    %add3A_43 = arith.addi %mul3A_13, %add3A_42 : i32
    %dma_wait3A_44 = tpu.memref_slice %arg4[%add3A_43] : memref<320000xi32, #tpu.memory_space<hbm>> -> memref<80xi32, #tpu.memory_space<hbm>>
    %dma_wait3A_45 = tpu.memref_slice %arg4[%add3A_43] : memref<320000xi32, #tpu.memory_space<hbm>> -> memref<80xi32, #tpu.memory_space<hbm>>
    tpu.wait_dma2 semaphore(%arg23 : memref<!tpu.dma_semaphore, #tpu.memory_space<semaphore_mem>>) src(%dma_wait3A_45 : memref<80xi32, #tpu.memory_space<hbm>>) dst(%arg9 : memref<80xi32, #tpu.memory_space<vmem>>)
    %dma_start3A_46 = arith.constant 0 : i32
    %dma_start3A_47 = arith.constant 0 : i32
    %dma_start3A_48 = tpu.memref_slice %arg2[%dma_start3A_46, %dma_start3A_47] : memref<10000x128xf32, #tpu.memory_space<hbm>> -> memref<10000x128xf32, #tpu.memory_space<hbm>>
    tpu.enqueue_indirect_dma source(%dma_start3A_48 : memref<10000x128xf32, #tpu.memory_space<hbm>>) target(%arg12 : memref<80x128xf32, #tpu.memory_space<vmem>>) offsets(%arg6 : memref<80xi32, #tpu.memory_space<vmem>>) semaphore(%arg17 : memref<!tpu.dma_semaphore, #tpu.memory_space<semaphore_mem>>)
    %barrier3A = arith.constant 0 : index
    tpu.barrier barrier_id(%barrier3A)
    %add3A_49 = arith.constant 160 : i32
    %add3A_50 = arith.addi %mul3A_13, %add3A_49 : i32
    %dma_start3A_51 = tpu.memref_slice %arg3[%add3A_50] : memref<320000xi32, #tpu.memory_space<hbm>> -> memref<80xi32, #tpu.memory_space<hbm>>
    %dma_start3A_52 = tpu.memref_slice %arg3[%add3A_50] : memref<320000xi32, #tpu.memory_space<hbm>> -> memref<80xi32, #tpu.memory_space<hbm>>
    tpu.enqueue_dma source(%dma_start3A_52 : memref<80xi32, #tpu.memory_space<hbm>>) target(%arg8 : memref<80xi32, #tpu.memory_space<vmem>>) target_semaphore(%arg25 : memref<!tpu.dma_semaphore, #tpu.memory_space<semaphore_mem>>)
    %add3A_53 = arith.constant 160 : i32
    %add3A_54 = arith.addi %mul3A_13, %add3A_53 : i32
    %dma_start3A_55 = tpu.memref_slice %arg4[%add3A_54] : memref<320000xi32, #tpu.memory_space<hbm>> -> memref<80xi32, #tpu.memory_space<hbm>>
    %dma_start3A_56 = tpu.memref_slice %arg4[%add3A_54] : memref<320000xi32, #tpu.memory_space<hbm>> -> memref<80xi32, #tpu.memory_space<hbm>>
    tpu.enqueue_dma source(%dma_start3A_56 : memref<80xi32, #tpu.memory_space<hbm>>) target(%arg11 : memref<80xi32, #tpu.memory_space<vmem>>) target_semaphore(%arg25 : memref<!tpu.dma_semaphore, #tpu.memory_space<semaphore_mem>>)
    %add3A_57 = arith.constant 80 : i32
    %add3A_58 = arith.addi %mul3A_13, %add3A_57 : i32
    %dma_wait3A_59 = tpu.memref_slice %arg3[%add3A_58] : memref<320000xi32, #tpu.memory_space<hbm>> -> memref<80xi32, #tpu.memory_space<hbm>>
    %dma_wait3A_60 = tpu.memref_slice %arg3[%add3A_58] : memref<320000xi32, #tpu.memory_space<hbm>> -> memref<80xi32, #tpu.memory_space<hbm>>
    tpu.wait_dma2 semaphore(%arg24 : memref<!tpu.dma_semaphore, #tpu.memory_space<semaphore_mem>>) src(%dma_wait3A_60 : memref<80xi32, #tpu.memory_space<hbm>>) dst(%arg7 : memref<80xi32, #tpu.memory_space<vmem>>)
    %add3A_61 = arith.constant 80 : i32
    %add3A_62 = arith.addi %mul3A_13, %add3A_61 : i32
    %dma_wait3A_63 = tpu.memref_slice %arg4[%add3A_62] : memref<320000xi32, #tpu.memory_space<hbm>> -> memref<80xi32, #tpu.memory_space<hbm>>
    %dma_wait3A_64 = tpu.memref_slice %arg4[%add3A_62] : memref<320000xi32, #tpu.memory_space<hbm>> -> memref<80xi32, #tpu.memory_space<hbm>>
    tpu.wait_dma2 semaphore(%arg24 : memref<!tpu.dma_semaphore, #tpu.memory_space<semaphore_mem>>) src(%dma_wait3A_64 : memref<80xi32, #tpu.memory_space<hbm>>) dst(%arg10 : memref<80xi32, #tpu.memory_space<vmem>>)
    %dma_start3A_65 = arith.constant 0 : i32
    %dma_start3A_66 = arith.constant 0 : i32
    %dma_start3A_67 = tpu.memref_slice %arg2[%dma_start3A_65, %dma_start3A_66] : memref<10000x128xf32, #tpu.memory_space<hbm>> -> memref<10000x128xf32, #tpu.memory_space<hbm>>
    tpu.enqueue_indirect_dma source(%dma_start3A_67 : memref<10000x128xf32, #tpu.memory_space<hbm>>) target(%arg13 : memref<80x128xf32, #tpu.memory_space<vmem>>) offsets(%arg7 : memref<80xi32, #tpu.memory_space<vmem>>) semaphore(%arg18 : memref<!tpu.dma_semaphore, #tpu.memory_space<semaphore_mem>>)
    %dma_wait3A_68 = arith.constant 0 : i32
    %dma_wait3A_69 = arith.constant 0 : i32
    %dma_wait3A_70 = tpu.memref_slice %arg2[%dma_wait3A_68, %dma_wait3A_69] : memref<10000x128xf32, #tpu.memory_space<hbm>> -> memref<10000x128xf32, #tpu.memory_space<hbm>>
    tpu.wait_indirect_dma semaphore(%arg17 : memref<!tpu.dma_semaphore, #tpu.memory_space<semaphore_mem>>) src(%dma_wait3A_70 : memref<10000x128xf32, #tpu.memory_space<hbm>>) dst(%arg12 : memref<80x128xf32, #tpu.memory_space<vmem>>)
    %dma_start3A_71 = arith.constant 0 : i32
    %dma_start3A_72 = arith.constant 0 : i32
    %dma_start3A_73 = tpu.memref_slice %arg16[%dma_start3A_71, %dma_start3A_72] : memref<10000x128xf32, #tpu.memory_space<vmem_shared>> -> memref<10000x128xf32, #tpu.memory_space<vmem_shared>>
    tpu.enqueue_indirect_dma source(%arg12 : memref<80x128xf32, #tpu.memory_space<vmem>>) target(%dma_start3A_73 : memref<10000x128xf32, #tpu.memory_space<vmem_shared>>) offsets(%arg9 : memref<80xi32, #tpu.memory_space<vmem>>) semaphore(%arg20 : memref<!tpu.dma_semaphore, #tpu.memory_space<semaphore_mem>>) {add = true}
    %dma_wait3A_74 = arith.constant 0 : i32
    %dma_wait3A_75 = arith.constant 0 : i32
    %dma_wait3A_76 = tpu.memref_slice %arg16[%dma_wait3A_74, %dma_wait3A_75] : memref<10000x128xf32, #tpu.memory_space<vmem_shared>> -> memref<10000x128xf32, #tpu.memory_space<vmem_shared>>
    tpu.wait_indirect_dma semaphore(%arg20 : memref<!tpu.dma_semaphore, #tpu.memory_space<semaphore_mem>>) src(%arg12 : memref<80x128xf32, #tpu.memory_space<vmem>>) dst(%dma_wait3A_76 : memref<10000x128xf32, #tpu.memory_space<vmem_shared>>)
    %add3A_77 = arith.constant 240 : i32
    %add3A_78 = arith.addi %mul3A_13, %add3A_77 : i32
    %dma_start3A_79 = tpu.memref_slice %arg3[%add3A_78] : memref<320000xi32, #tpu.memory_space<hbm>> -> memref<80xi32, #tpu.memory_space<hbm>>
    %dma_start3A_80 = tpu.memref_slice %arg3[%add3A_78] : memref<320000xi32, #tpu.memory_space<hbm>> -> memref<80xi32, #tpu.memory_space<hbm>>
    tpu.enqueue_dma source(%dma_start3A_80 : memref<80xi32, #tpu.memory_space<hbm>>) target(%arg6 : memref<80xi32, #tpu.memory_space<vmem>>) target_semaphore(%arg23 : memref<!tpu.dma_semaphore, #tpu.memory_space<semaphore_mem>>)
    %add3A_81 = arith.constant 240 : i32
    %add3A_82 = arith.addi %mul3A_13, %add3A_81 : i32
    %dma_start3A_83 = tpu.memref_slice %arg4[%add3A_82] : memref<320000xi32, #tpu.memory_space<hbm>> -> memref<80xi32, #tpu.memory_space<hbm>>
    %dma_start3A_84 = tpu.memref_slice %arg4[%add3A_82] : memref<320000xi32, #tpu.memory_space<hbm>> -> memref<80xi32, #tpu.memory_space<hbm>>
    tpu.enqueue_dma source(%dma_start3A_84 : memref<80xi32, #tpu.memory_space<hbm>>) target(%arg9 : memref<80xi32, #tpu.memory_space<vmem>>) target_semaphore(%arg23 : memref<!tpu.dma_semaphore, #tpu.memory_space<semaphore_mem>>)
    %add3A_85 = arith.constant 160 : i32
    %add3A_86 = arith.addi %mul3A_13, %add3A_85 : i32
    %dma_wait3A_87 = tpu.memref_slice %arg3[%add3A_86] : memref<320000xi32, #tpu.memory_space<hbm>> -> memref<80xi32, #tpu.memory_space<hbm>>
    %dma_wait3A_88 = tpu.memref_slice %arg3[%add3A_86] : memref<320000xi32, #tpu.memory_space<hbm>> -> memref<80xi32, #tpu.memory_space<hbm>>
    tpu.wait_dma2 semaphore(%arg25 : memref<!tpu.dma_semaphore, #tpu.memory_space<semaphore_mem>>) src(%dma_wait3A_88 : memref<80xi32, #tpu.memory_space<hbm>>) dst(%arg8 : memref<80xi32, #tpu.memory_space<vmem>>)
    %add3A_89 = arith.constant 160 : i32
    %add3A_90 = arith.addi %mul3A_13, %add3A_89 : i32
    %dma_wait3A_91 = tpu.memref_slice %arg4[%add3A_90] : memref<320000xi32, #tpu.memory_space<hbm>> -> memref<80xi32, #tpu.memory_space<hbm>>
    %dma_wait3A_92 = tpu.memref_slice %arg4[%add3A_90] : memref<320000xi32, #tpu.memory_space<hbm>> -> memref<80xi32, #tpu.memory_space<hbm>>
    tpu.wait_dma2 semaphore(%arg25 : memref<!tpu.dma_semaphore, #tpu.memory_space<semaphore_mem>>) src(%dma_wait3A_92 : memref<80xi32, #tpu.memory_space<hbm>>) dst(%arg11 : memref<80xi32, #tpu.memory_space<vmem>>)
    %dma_start3A_93 = arith.constant 0 : i32
    %dma_start3A_94 = arith.constant 0 : i32
    %dma_start3A_95 = tpu.memref_slice %arg2[%dma_start3A_93, %dma_start3A_94] : memref<10000x128xf32, #tpu.memory_space<hbm>> -> memref<10000x128xf32, #tpu.memory_space<hbm>>
    tpu.enqueue_indirect_dma source(%dma_start3A_95 : memref<10000x128xf32, #tpu.memory_space<hbm>>) target(%arg14 : memref<80x128xf32, #tpu.memory_space<vmem>>) offsets(%arg8 : memref<80xi32, #tpu.memory_space<vmem>>) semaphore(%arg19 : memref<!tpu.dma_semaphore, #tpu.memory_space<semaphore_mem>>)
    %dma_wait3A_96 = arith.constant 0 : i32
    %dma_wait3A_97 = arith.constant 0 : i32
    %dma_wait3A_98 = tpu.memref_slice %arg2[%dma_wait3A_96, %dma_wait3A_97] : memref<10000x128xf32, #tpu.memory_space<hbm>> -> memref<10000x128xf32, #tpu.memory_space<hbm>>
    tpu.wait_indirect_dma semaphore(%arg18 : memref<!tpu.dma_semaphore, #tpu.memory_space<semaphore_mem>>) src(%dma_wait3A_98 : memref<10000x128xf32, #tpu.memory_space<hbm>>) dst(%arg13 : memref<80x128xf32, #tpu.memory_space<vmem>>)
    %dma_start3A_99 = arith.constant 0 : i32
    %dma_start3A_100 = arith.constant 0 : i32
    %dma_start3A_101 = tpu.memref_slice %arg16[%dma_start3A_99, %dma_start3A_100] : memref<10000x128xf32, #tpu.memory_space<vmem_shared>> -> memref<10000x128xf32, #tpu.memory_space<vmem_shared>>
    tpu.enqueue_indirect_dma source(%arg13 : memref<80x128xf32, #tpu.memory_space<vmem>>) target(%dma_start3A_101 : memref<10000x128xf32, #tpu.memory_space<vmem_shared>>) offsets(%arg10 : memref<80xi32, #tpu.memory_space<vmem>>) semaphore(%arg21 : memref<!tpu.dma_semaphore, #tpu.memory_space<semaphore_mem>>) {add = true}
    %dma_wait3A_102 = arith.constant 0 : i32
    %dma_wait3A_103 = arith.constant 0 : i32
    %dma_wait3A_104 = tpu.memref_slice %arg16[%dma_wait3A_102, %dma_wait3A_103] : memref<10000x128xf32, #tpu.memory_space<vmem_shared>> -> memref<10000x128xf32, #tpu.memory_space<vmem_shared>>
    tpu.wait_indirect_dma semaphore(%arg21 : memref<!tpu.dma_semaphore, #tpu.memory_space<semaphore_mem>>) src(%arg13 : memref<80x128xf32, #tpu.memory_space<vmem>>) dst(%dma_wait3A_104 : memref<10000x128xf32, #tpu.memory_space<vmem_shared>>)
    %add3A_105 = arith.constant 320 : i32
    %add3A_106 = arith.addi %mul3A_13, %add3A_105 : i32
    %dma_start3A_107 = tpu.memref_slice %arg3[%add3A_106] : memref<320000xi32, #tpu.memory_space<hbm>> -> memref<80xi32, #tpu.memory_space<hbm>>
    %dma_start3A_108 = tpu.memref_slice %arg3[%add3A_106] : memref<320000xi32, #tpu.memory_space<hbm>> -> memref<80xi32, #tpu.memory_space<hbm>>
    tpu.enqueue_dma source(%dma_start3A_108 : memref<80xi32, #tpu.memory_space<hbm>>) target(%arg7 : memref<80xi32, #tpu.memory_space<vmem>>) target_semaphore(%arg24 : memref<!tpu.dma_semaphore, #tpu.memory_space<semaphore_mem>>)
    %add3A_109 = arith.constant 320 : i32
    %add3A_110 = arith.addi %mul3A_13, %add3A_109 : i32
    %dma_start3A_111 = tpu.memref_slice %arg4[%add3A_110] : memref<320000xi32, #tpu.memory_space<hbm>> -> memref<80xi32, #tpu.memory_space<hbm>>
    %dma_start3A_112 = tpu.memref_slice %arg4[%add3A_110] : memref<320000xi32, #tpu.memory_space<hbm>> -> memref<80xi32, #tpu.memory_space<hbm>>
    tpu.enqueue_dma source(%dma_start3A_112 : memref<80xi32, #tpu.memory_space<hbm>>) target(%arg10 : memref<80xi32, #tpu.memory_space<vmem>>) target_semaphore(%arg24 : memref<!tpu.dma_semaphore, #tpu.memory_space<semaphore_mem>>)
    %add3A_113 = arith.constant 240 : i32
    %add3A_114 = arith.addi %mul3A_13, %add3A_113 : i32
    %dma_wait3A_115 = tpu.memref_slice %arg3[%add3A_114] : memref<320000xi32, #tpu.memory_space<hbm>> -> memref<80xi32, #tpu.memory_space<hbm>>
    %dma_wait3A_116 = tpu.memref_slice %arg3[%add3A_114] : memref<320000xi32, #tpu.memory_space<hbm>> -> memref<80xi32, #tpu.memory_space<hbm>>
    tpu.wait_dma2 semaphore(%arg23 : memref<!tpu.dma_semaphore, #tpu.memory_space<semaphore_mem>>) src(%dma_wait3A_116 : memref<80xi32, #tpu.memory_space<hbm>>) dst(%arg6 : memref<80xi32, #tpu.memory_space<vmem>>)
    %add3A_117 = arith.constant 240 : i32
    %add3A_118 = arith.addi %mul3A_13, %add3A_117 : i32
    %dma_wait3A_119 = tpu.memref_slice %arg4[%add3A_118] : memref<320000xi32, #tpu.memory_space<hbm>> -> memref<80xi32, #tpu.memory_space<hbm>>
    %dma_wait3A_120 = tpu.memref_slice %arg4[%add3A_118] : memref<320000xi32, #tpu.memory_space<hbm>> -> memref<80xi32, #tpu.memory_space<hbm>>
    tpu.wait_dma2 semaphore(%arg23 : memref<!tpu.dma_semaphore, #tpu.memory_space<semaphore_mem>>) src(%dma_wait3A_120 : memref<80xi32, #tpu.memory_space<hbm>>) dst(%arg9 : memref<80xi32, #tpu.memory_space<vmem>>)
    %dma_start3A_121 = arith.constant 0 : i32
    %dma_start3A_122 = arith.constant 0 : i32
    %dma_start3A_123 = tpu.memref_slice %arg2[%dma_start3A_121, %dma_start3A_122] : memref<10000x128xf32, #tpu.memory_space<hbm>> -> memref<10000x128xf32, #tpu.memory_space<hbm>>
    tpu.enqueue_indirect_dma source(%dma_start3A_123 : memref<10000x128xf32, #tpu.memory_space<hbm>>) target(%arg12 : memref<80x128xf32, #tpu.memory_space<vmem>>) offsets(%arg6 : memref<80xi32, #tpu.memory_space<vmem>>) semaphore(%arg17 : memref<!tpu.dma_semaphore, #tpu.memory_space<semaphore_mem>>)
    %dma_wait3A_124 = arith.constant 0 : i32
    %dma_wait3A_125 = arith.constant 0 : i32
    %dma_wait3A_126 = tpu.memref_slice %arg2[%dma_wait3A_124, %dma_wait3A_125] : memref<10000x128xf32, #tpu.memory_space<hbm>> -> memref<10000x128xf32, #tpu.memory_space<hbm>>
    tpu.wait_indirect_dma semaphore(%arg19 : memref<!tpu.dma_semaphore, #tpu.memory_space<semaphore_mem>>) src(%dma_wait3A_126 : memref<10000x128xf32, #tpu.memory_space<hbm>>) dst(%arg14 : memref<80x128xf32, #tpu.memory_space<vmem>>)
    %dma_start3A_127 = arith.constant 0 : i32
    %dma_start3A_128 = arith.constant 0 : i32
    %dma_start3A_129 = tpu.memref_slice %arg16[%dma_start3A_127, %dma_start3A_128] : memref<10000x128xf32, #tpu.memory_space<vmem_shared>> -> memref<10000x128xf32, #tpu.memory_space<vmem_shared>>
    tpu.enqueue_indirect_dma source(%arg14 : memref<80x128xf32, #tpu.memory_space<vmem>>) target(%dma_start3A_129 : memref<10000x128xf32, #tpu.memory_space<vmem_shared>>) offsets(%arg11 : memref<80xi32, #tpu.memory_space<vmem>>) semaphore(%arg22 : memref<!tpu.dma_semaphore, #tpu.memory_space<semaphore_mem>>) {add = true}
    %scan3A_130 = arith.constant 0 : i32
    %scan3A_131 = arith.constant 40 : i32
    %scan3A_132 = arith.addi %scan3A_130, %scan3A_131 : i32
    %scan3A_133 = arith.constant 1 : i32
    scf.for %scan3A_177 = %scan3A_130 to %scan3A_132 step %scan3A_133  : i32 {
      %mul3A_178 = arith.constant 1 : i32
      %mul3A_179 = arith.muli %scan3A_177, %mul3A_178 : i32
      %add3A_180 = arith.constant 1 : i32
      %add3A_181 = arith.addi %add3A_180, %mul3A_179 : i32
      %dma_wait3A_182 = arith.constant 0 : i32
      %dma_wait3A_183 = arith.constant 0 : i32
      %dma_wait3A_184 = tpu.memref_slice %arg16[%dma_wait3A_182, %dma_wait3A_183] : memref<10000x128xf32, #tpu.memory_space<vmem_shared>> -> memref<10000x128xf32, #tpu.memory_space<vmem_shared>>
      tpu.wait_indirect_dma semaphore(%arg22 : memref<!tpu.dma_semaphore, #tpu.memory_space<semaphore_mem>>) src(%arg14 : memref<80x128xf32, #tpu.memory_space<vmem>>) dst(%dma_wait3A_184 : memref<10000x128xf32, #tpu.memory_space<vmem_shared>>)
      %mul3A_185 = arith.constant 3 : i32
      %mul3A_186 = arith.muli %mul3A_185, %add3A_181 : i32
      %add3A_187 = arith.constant 0 : i32
      %add3A_188 = arith.addi %mul3A_186, %add3A_187 : i32
      %add3A_189 = arith.constant 2 : i32
      %add3A_190 = arith.addi %add3A_188, %add3A_189 : i32
      %mul3A_191 = arith.constant 80 : i32
      %mul3A_192 = arith.muli %add3A_190, %mul3A_191 : i32
      %add3A_193 = arith.addi %mul3A_13, %mul3A_192 : i32
      %dma_start3A_194 = tpu.memref_slice %arg3[%add3A_193] : memref<320000xi32, #tpu.memory_space<hbm>> -> memref<80xi32, #tpu.memory_space<hbm>>
      %dma_start3A_195 = tpu.memref_slice %arg3[%add3A_193] : memref<320000xi32, #tpu.memory_space<hbm>> -> memref<80xi32, #tpu.memory_space<hbm>>
      tpu.enqueue_dma source(%dma_start3A_195 : memref<80xi32, #tpu.memory_space<hbm>>) target(%arg8 : memref<80xi32, #tpu.memory_space<vmem>>) target_semaphore(%arg25 : memref<!tpu.dma_semaphore, #tpu.memory_space<semaphore_mem>>)
      %dma_start3A_196 = tpu.memref_slice %arg4[%add3A_193] : memref<320000xi32, #tpu.memory_space<hbm>> -> memref<80xi32, #tpu.memory_space<hbm>>
      %dma_start3A_197 = tpu.memref_slice %arg4[%add3A_193] : memref<320000xi32, #tpu.memory_space<hbm>> -> memref<80xi32, #tpu.memory_space<hbm>>
      tpu.enqueue_dma source(%dma_start3A_197 : memref<80xi32, #tpu.memory_space<hbm>>) target(%arg11 : memref<80xi32, #tpu.memory_space<vmem>>) target_semaphore(%arg25 : memref<!tpu.dma_semaphore, #tpu.memory_space<semaphore_mem>>)
      %mul3A_198 = arith.constant 3 : i32
      %mul3A_199 = arith.muli %mul3A_198, %add3A_181 : i32
      %add3A_200 = arith.constant 0 : i32
      %add3A_201 = arith.addi %mul3A_199, %add3A_200 : i32
      %add3A_202 = arith.constant 1 : i32
      %add3A_203 = arith.addi %add3A_201, %add3A_202 : i32
      %mul3A_204 = arith.constant 80 : i32
      %mul3A_205 = arith.muli %add3A_203, %mul3A_204 : i32
      %add3A_206 = arith.addi %mul3A_13, %mul3A_205 : i32
      %dma_wait3A_207 = tpu.memref_slice %arg3[%add3A_206] : memref<320000xi32, #tpu.memory_space<hbm>> -> memref<80xi32, #tpu.memory_space<hbm>>
      %dma_wait3A_208 = tpu.memref_slice %arg3[%add3A_206] : memref<320000xi32, #tpu.memory_space<hbm>> -> memref<80xi32, #tpu.memory_space<hbm>>
      tpu.wait_dma2 semaphore(%arg24 : memref<!tpu.dma_semaphore, #tpu.memory_space<semaphore_mem>>) src(%dma_wait3A_208 : memref<80xi32, #tpu.memory_space<hbm>>) dst(%arg7 : memref<80xi32, #tpu.memory_space<vmem>>)
      %dma_wait3A_209 = tpu.memref_slice %arg4[%add3A_206] : memref<320000xi32, #tpu.memory_space<hbm>> -> memref<80xi32, #tpu.memory_space<hbm>>
      %dma_wait3A_210 = tpu.memref_slice %arg4[%add3A_206] : memref<320000xi32, #tpu.memory_space<hbm>> -> memref<80xi32, #tpu.memory_space<hbm>>
      tpu.wait_dma2 semaphore(%arg24 : memref<!tpu.dma_semaphore, #tpu.memory_space<semaphore_mem>>) src(%dma_wait3A_210 : memref<80xi32, #tpu.memory_space<hbm>>) dst(%arg10 : memref<80xi32, #tpu.memory_space<vmem>>)
      %dma_start3A_211 = arith.constant 0 : i32
      %dma_start3A_212 = arith.constant 0 : i32
      %dma_start3A_213 = tpu.memref_slice %arg2[%dma_start3A_211, %dma_start3A_212] : memref<10000x128xf32, #tpu.memory_space<hbm>> -> memref<10000x128xf32, #tpu.memory_space<hbm>>
      tpu.enqueue_indirect_dma source(%dma_start3A_213 : memref<10000x128xf32, #tpu.memory_space<hbm>>) target(%arg13 : memref<80x128xf32, #tpu.memory_space<vmem>>) offsets(%arg7 : memref<80xi32, #tpu.memory_space<vmem>>) semaphore(%arg18 : memref<!tpu.dma_semaphore, #tpu.memory_space<semaphore_mem>>)
      %dma_wait3A_214 = arith.constant 0 : i32
      %dma_wait3A_215 = arith.constant 0 : i32
      %dma_wait3A_216 = tpu.memref_slice %arg2[%dma_wait3A_214, %dma_wait3A_215] : memref<10000x128xf32, #tpu.memory_space<hbm>> -> memref<10000x128xf32, #tpu.memory_space<hbm>>
      tpu.wait_indirect_dma semaphore(%arg17 : memref<!tpu.dma_semaphore, #tpu.memory_space<semaphore_mem>>) src(%dma_wait3A_216 : memref<10000x128xf32, #tpu.memory_space<hbm>>) dst(%arg12 : memref<80x128xf32, #tpu.memory_space<vmem>>)
      %dma_start3A_217 = arith.constant 0 : i32
      %dma_start3A_218 = arith.constant 0 : i32
      %dma_start3A_219 = tpu.memref_slice %arg16[%dma_start3A_217, %dma_start3A_218] : memref<10000x128xf32, #tpu.memory_space<vmem_shared>> -> memref<10000x128xf32, #tpu.memory_space<vmem_shared>>
      tpu.enqueue_indirect_dma source(%arg12 : memref<80x128xf32, #tpu.memory_space<vmem>>) target(%dma_start3A_219 : memref<10000x128xf32, #tpu.memory_space<vmem_shared>>) offsets(%arg9 : memref<80xi32, #tpu.memory_space<vmem>>) semaphore(%arg20 : memref<!tpu.dma_semaphore, #tpu.memory_space<semaphore_mem>>) {add = true}
      %dma_wait3A_220 = arith.constant 0 : i32
      %dma_wait3A_221 = arith.constant 0 : i32
      %dma_wait3A_222 = tpu.memref_slice %arg16[%dma_wait3A_220, %dma_wait3A_221] : memref<10000x128xf32, #tpu.memory_space<vmem_shared>> -> memref<10000x128xf32, #tpu.memory_space<vmem_shared>>
      tpu.wait_indirect_dma semaphore(%arg20 : memref<!tpu.dma_semaphore, #tpu.memory_space<semaphore_mem>>) src(%arg12 : memref<80x128xf32, #tpu.memory_space<vmem>>) dst(%dma_wait3A_222 : memref<10000x128xf32, #tpu.memory_space<vmem_shared>>)
      %mul3A_223 = arith.constant 3 : i32
      %mul3A_224 = arith.muli %mul3A_223, %add3A_181 : i32
      %add3A_225 = arith.constant 1 : i32
      %add3A_226 = arith.addi %mul3A_224, %add3A_225 : i32
      %add3A_227 = arith.constant 2 : i32
      %add3A_228 = arith.addi %add3A_226, %add3A_227 : i32
      %mul3A_229 = arith.constant 80 : i32
      %mul3A_230 = arith.muli %add3A_228, %mul3A_229 : i32
      %add3A_231 = arith.addi %mul3A_13, %mul3A_230 : i32
      %dma_start3A_232 = tpu.memref_slice %arg3[%add3A_231] : memref<320000xi32, #tpu.memory_space<hbm>> -> memref<80xi32, #tpu.memory_space<hbm>>
      %dma_start3A_233 = tpu.memref_slice %arg3[%add3A_231] : memref<320000xi32, #tpu.memory_space<hbm>> -> memref<80xi32, #tpu.memory_space<hbm>>
      tpu.enqueue_dma source(%dma_start3A_233 : memref<80xi32, #tpu.memory_space<hbm>>) target(%arg6 : memref<80xi32, #tpu.memory_space<vmem>>) target_semaphore(%arg23 : memref<!tpu.dma_semaphore, #tpu.memory_space<semaphore_mem>>)
      %dma_start3A_234 = tpu.memref_slice %arg4[%add3A_231] : memref<320000xi32, #tpu.memory_space<hbm>> -> memref<80xi32, #tpu.memory_space<hbm>>
      %dma_start3A_235 = tpu.memref_slice %arg4[%add3A_231] : memref<320000xi32, #tpu.memory_space<hbm>> -> memref<80xi32, #tpu.memory_space<hbm>>
      tpu.enqueue_dma source(%dma_start3A_235 : memref<80xi32, #tpu.memory_space<hbm>>) target(%arg9 : memref<80xi32, #tpu.memory_space<vmem>>) target_semaphore(%arg23 : memref<!tpu.dma_semaphore, #tpu.memory_space<semaphore_mem>>)
      %mul3A_236 = arith.constant 3 : i32
      %mul3A_237 = arith.muli %mul3A_236, %add3A_181 : i32
      %add3A_238 = arith.constant 1 : i32
      %add3A_239 = arith.addi %mul3A_237, %add3A_238 : i32
      %add3A_240 = arith.constant 1 : i32
      %add3A_241 = arith.addi %add3A_239, %add3A_240 : i32
      %mul3A_242 = arith.constant 80 : i32
      %mul3A_243 = arith.muli %add3A_241, %mul3A_242 : i32
      %add3A_244 = arith.addi %mul3A_13, %mul3A_243 : i32
      %dma_wait3A_245 = tpu.memref_slice %arg3[%add3A_244] : memref<320000xi32, #tpu.memory_space<hbm>> -> memref<80xi32, #tpu.memory_space<hbm>>
      %dma_wait3A_246 = tpu.memref_slice %arg3[%add3A_244] : memref<320000xi32, #tpu.memory_space<hbm>> -> memref<80xi32, #tpu.memory_space<hbm>>
      tpu.wait_dma2 semaphore(%arg25 : memref<!tpu.dma_semaphore, #tpu.memory_space<semaphore_mem>>) src(%dma_wait3A_246 : memref<80xi32, #tpu.memory_space<hbm>>) dst(%arg8 : memref<80xi32, #tpu.memory_space<vmem>>)
      %dma_wait3A_247 = tpu.memref_slice %arg4[%add3A_244] : memref<320000xi32, #tpu.memory_space<hbm>> -> memref<80xi32, #tpu.memory_space<hbm>>
      %dma_wait3A_248 = tpu.memref_slice %arg4[%add3A_244] : memref<320000xi32, #tpu.memory_space<hbm>> -> memref<80xi32, #tpu.memory_space<hbm>>
      tpu.wait_dma2 semaphore(%arg25 : memref<!tpu.dma_semaphore, #tpu.memory_space<semaphore_mem>>) src(%dma_wait3A_248 : memref<80xi32, #tpu.memory_space<hbm>>) dst(%arg11 : memref<80xi32, #tpu.memory_space<vmem>>)
      %dma_start3A_249 = arith.constant 0 : i32
      %dma_start3A_250 = arith.constant 0 : i32
      %dma_start3A_251 = tpu.memref_slice %arg2[%dma_start3A_249, %dma_start3A_250] : memref<10000x128xf32, #tpu.memory_space<hbm>> -> memref<10000x128xf32, #tpu.memory_space<hbm>>
      tpu.enqueue_indirect_dma source(%dma_start3A_251 : memref<10000x128xf32, #tpu.memory_space<hbm>>) target(%arg14 : memref<80x128xf32, #tpu.memory_space<vmem>>) offsets(%arg8 : memref<80xi32, #tpu.memory_space<vmem>>) semaphore(%arg19 : memref<!tpu.dma_semaphore, #tpu.memory_space<semaphore_mem>>)
      %dma_wait3A_252 = arith.constant 0 : i32
      %dma_wait3A_253 = arith.constant 0 : i32
      %dma_wait3A_254 = tpu.memref_slice %arg2[%dma_wait3A_252, %dma_wait3A_253] : memref<10000x128xf32, #tpu.memory_space<hbm>> -> memref<10000x128xf32, #tpu.memory_space<hbm>>
      tpu.wait_indirect_dma semaphore(%arg18 : memref<!tpu.dma_semaphore, #tpu.memory_space<semaphore_mem>>) src(%dma_wait3A_254 : memref<10000x128xf32, #tpu.memory_space<hbm>>) dst(%arg13 : memref<80x128xf32, #tpu.memory_space<vmem>>)
      %dma_start3A_255 = arith.constant 0 : i32
      %dma_start3A_256 = arith.constant 0 : i32
      %dma_start3A_257 = tpu.memref_slice %arg16[%dma_start3A_255, %dma_start3A_256] : memref<10000x128xf32, #tpu.memory_space<vmem_shared>> -> memref<10000x128xf32, #tpu.memory_space<vmem_shared>>
      tpu.enqueue_indirect_dma source(%arg13 : memref<80x128xf32, #tpu.memory_space<vmem>>) target(%dma_start3A_257 : memref<10000x128xf32, #tpu.memory_space<vmem_shared>>) offsets(%arg10 : memref<80xi32, #tpu.memory_space<vmem>>) semaphore(%arg21 : memref<!tpu.dma_semaphore, #tpu.memory_space<semaphore_mem>>) {add = true}
      %dma_wait3A_258 = arith.constant 0 : i32
      %dma_wait3A_259 = arith.constant 0 : i32
      %dma_wait3A_260 = tpu.memref_slice %arg16[%dma_wait3A_258, %dma_wait3A_259] : memref<10000x128xf32, #tpu.memory_space<vmem_shared>> -> memref<10000x128xf32, #tpu.memory_space<vmem_shared>>
      tpu.wait_indirect_dma semaphore(%arg21 : memref<!tpu.dma_semaphore, #tpu.memory_space<semaphore_mem>>) src(%arg13 : memref<80x128xf32, #tpu.memory_space<vmem>>) dst(%dma_wait3A_260 : memref<10000x128xf32, #tpu.memory_space<vmem_shared>>)
      %mul3A_261 = arith.constant 3 : i32
      %mul3A_262 = arith.muli %mul3A_261, %add3A_181 : i32
      %add3A_263 = arith.constant 2 : i32
      %add3A_264 = arith.addi %mul3A_262, %add3A_263 : i32
      %add3A_265 = arith.constant 2 : i32
      %add3A_266 = arith.addi %add3A_264, %add3A_265 : i32
      %mul3A_267 = arith.constant 80 : i32
      %mul3A_268 = arith.muli %add3A_266, %mul3A_267 : i32
      %add3A_269 = arith.addi %mul3A_13, %mul3A_268 : i32
      %dma_start3A_270 = tpu.memref_slice %arg3[%add3A_269] : memref<320000xi32, #tpu.memory_space<hbm>> -> memref<80xi32, #tpu.memory_space<hbm>>
      %dma_start3A_271 = tpu.memref_slice %arg3[%add3A_269] : memref<320000xi32, #tpu.memory_space<hbm>> -> memref<80xi32, #tpu.memory_space<hbm>>
      tpu.enqueue_dma source(%dma_start3A_271 : memref<80xi32, #tpu.memory_space<hbm>>) target(%arg7 : memref<80xi32, #tpu.memory_space<vmem>>) target_semaphore(%arg24 : memref<!tpu.dma_semaphore, #tpu.memory_space<semaphore_mem>>)
      %dma_start3A_272 = tpu.memref_slice %arg4[%add3A_269] : memref<320000xi32, #tpu.memory_space<hbm>> -> memref<80xi32, #tpu.memory_space<hbm>>
      %dma_start3A_273 = tpu.memref_slice %arg4[%add3A_269] : memref<320000xi32, #tpu.memory_space<hbm>> -> memref<80xi32, #tpu.memory_space<hbm>>
      tpu.enqueue_dma source(%dma_start3A_273 : memref<80xi32, #tpu.memory_space<hbm>>) target(%arg10 : memref<80xi32, #tpu.memory_space<vmem>>) target_semaphore(%arg24 : memref<!tpu.dma_semaphore, #tpu.memory_space<semaphore_mem>>)
      %mul3A_274 = arith.constant 3 : i32
      %mul3A_275 = arith.muli %mul3A_274, %add3A_181 : i32
      %add3A_276 = arith.constant 2 : i32
      %add3A_277 = arith.addi %mul3A_275, %add3A_276 : i32
      %add3A_278 = arith.constant 1 : i32
      %add3A_279 = arith.addi %add3A_277, %add3A_278 : i32
      %mul3A_280 = arith.constant 80 : i32
      %mul3A_281 = arith.muli %add3A_279, %mul3A_280 : i32
      %add3A_282 = arith.addi %mul3A_13, %mul3A_281 : i32
      %dma_wait3A_283 = tpu.memref_slice %arg3[%add3A_282] : memref<320000xi32, #tpu.memory_space<hbm>> -> memref<80xi32, #tpu.memory_space<hbm>>
      %dma_wait3A_284 = tpu.memref_slice %arg3[%add3A_282] : memref<320000xi32, #tpu.memory_space<hbm>> -> memref<80xi32, #tpu.memory_space<hbm>>
      tpu.wait_dma2 semaphore(%arg23 : memref<!tpu.dma_semaphore, #tpu.memory_space<semaphore_mem>>) src(%dma_wait3A_284 : memref<80xi32, #tpu.memory_space<hbm>>) dst(%arg6 : memref<80xi32, #tpu.memory_space<vmem>>)
      %dma_wait3A_285 = tpu.memref_slice %arg4[%add3A_282] : memref<320000xi32, #tpu.memory_space<hbm>> -> memref<80xi32, #tpu.memory_space<hbm>>
      %dma_wait3A_286 = tpu.memref_slice %arg4[%add3A_282] : memref<320000xi32, #tpu.memory_space<hbm>> -> memref<80xi32, #tpu.memory_space<hbm>>
      tpu.wait_dma2 semaphore(%arg23 : memref<!tpu.dma_semaphore, #tpu.memory_space<semaphore_mem>>) src(%dma_wait3A_286 : memref<80xi32, #tpu.memory_space<hbm>>) dst(%arg9 : memref<80xi32, #tpu.memory_space<vmem>>)
      %dma_start3A_287 = arith.constant 0 : i32
      %dma_start3A_288 = arith.constant 0 : i32
      %dma_start3A_289 = tpu.memref_slice %arg2[%dma_start3A_287, %dma_start3A_288] : memref<10000x128xf32, #tpu.memory_space<hbm>> -> memref<10000x128xf32, #tpu.memory_space<hbm>>
      tpu.enqueue_indirect_dma source(%dma_start3A_289 : memref<10000x128xf32, #tpu.memory_space<hbm>>) target(%arg12 : memref<80x128xf32, #tpu.memory_space<vmem>>) offsets(%arg6 : memref<80xi32, #tpu.memory_space<vmem>>) semaphore(%arg17 : memref<!tpu.dma_semaphore, #tpu.memory_space<semaphore_mem>>)
      %dma_wait3A_290 = arith.constant 0 : i32
      %dma_wait3A_291 = arith.constant 0 : i32
      %dma_wait3A_292 = tpu.memref_slice %arg2[%dma_wait3A_290, %dma_wait3A_291] : memref<10000x128xf32, #tpu.memory_space<hbm>> -> memref<10000x128xf32, #tpu.memory_space<hbm>>
      tpu.wait_indirect_dma semaphore(%arg19 : memref<!tpu.dma_semaphore, #tpu.memory_space<semaphore_mem>>) src(%dma_wait3A_292 : memref<10000x128xf32, #tpu.memory_space<hbm>>) dst(%arg14 : memref<80x128xf32, #tpu.memory_space<vmem>>)
      %dma_start3A_293 = arith.constant 0 : i32
      %dma_start3A_294 = arith.constant 0 : i32
      %dma_start3A_295 = tpu.memref_slice %arg16[%dma_start3A_293, %dma_start3A_294] : memref<10000x128xf32, #tpu.memory_space<vmem_shared>> -> memref<10000x128xf32, #tpu.memory_space<vmem_shared>>
      tpu.enqueue_indirect_dma source(%arg14 : memref<80x128xf32, #tpu.memory_space<vmem>>) target(%dma_start3A_295 : memref<10000x128xf32, #tpu.memory_space<vmem_shared>>) offsets(%arg11 : memref<80xi32, #tpu.memory_space<vmem>>) semaphore(%arg22 : memref<!tpu.dma_semaphore, #tpu.memory_space<semaphore_mem>>) {add = true}
    }
    %scan3A_134 = arith.constant 40 : i32
    %dma_wait3A_135 = arith.constant 0 : i32
    %dma_wait3A_136 = arith.constant 0 : i32
    %dma_wait3A_137 = tpu.memref_slice %arg16[%dma_wait3A_135, %dma_wait3A_136] : memref<10000x128xf32, #tpu.memory_space<vmem_shared>> -> memref<10000x128xf32, #tpu.memory_space<vmem_shared>>
    tpu.wait_indirect_dma semaphore(%arg22 : memref<!tpu.dma_semaphore, #tpu.memory_space<semaphore_mem>>) src(%arg14 : memref<80x128xf32, #tpu.memory_space<vmem>>) dst(%dma_wait3A_137 : memref<10000x128xf32, #tpu.memory_space<vmem_shared>>)
    %add3A_138 = arith.constant 9920 : i32
    %add3A_139 = arith.addi %mul3A_13, %add3A_138 : i32
    %dma_wait3A_140 = tpu.memref_slice %arg3[%add3A_139] : memref<320000xi32, #tpu.memory_space<hbm>> -> memref<80xi32, #tpu.memory_space<hbm>>
    %dma_wait3A_141 = tpu.memref_slice %arg3[%add3A_139] : memref<320000xi32, #tpu.memory_space<hbm>> -> memref<80xi32, #tpu.memory_space<hbm>>
    tpu.wait_dma2 semaphore(%arg24 : memref<!tpu.dma_semaphore, #tpu.memory_space<semaphore_mem>>) src(%dma_wait3A_141 : memref<80xi32, #tpu.memory_space<hbm>>) dst(%arg7 : memref<80xi32, #tpu.memory_space<vmem>>)
    %add3A_142 = arith.constant 9920 : i32
    %add3A_143 = arith.addi %mul3A_13, %add3A_142 : i32
    %dma_wait3A_144 = tpu.memref_slice %arg4[%add3A_143] : memref<320000xi32, #tpu.memory_space<hbm>> -> memref<80xi32, #tpu.memory_space<hbm>>
    %dma_wait3A_145 = tpu.memref_slice %arg4[%add3A_143] : memref<320000xi32, #tpu.memory_space<hbm>> -> memref<80xi32, #tpu.memory_space<hbm>>
    tpu.wait_dma2 semaphore(%arg24 : memref<!tpu.dma_semaphore, #tpu.memory_space<semaphore_mem>>) src(%dma_wait3A_145 : memref<80xi32, #tpu.memory_space<hbm>>) dst(%arg10 : memref<80xi32, #tpu.memory_space<vmem>>)
    %dma_start3A_146 = arith.constant 0 : i32
    %dma_start3A_147 = arith.constant 0 : i32
    %dma_start3A_148 = tpu.memref_slice %arg2[%dma_start3A_146, %dma_start3A_147] : memref<10000x128xf32, #tpu.memory_space<hbm>> -> memref<10000x128xf32, #tpu.memory_space<hbm>>
    tpu.enqueue_indirect_dma source(%dma_start3A_148 : memref<10000x128xf32, #tpu.memory_space<hbm>>) target(%arg13 : memref<80x128xf32, #tpu.memory_space<vmem>>) offsets(%arg7 : memref<80xi32, #tpu.memory_space<vmem>>) semaphore(%arg18 : memref<!tpu.dma_semaphore, #tpu.memory_space<semaphore_mem>>)
    %dma_wait3A_149 = arith.constant 0 : i32
    %dma_wait3A_150 = arith.constant 0 : i32
    %dma_wait3A_151 = tpu.memref_slice %arg2[%dma_wait3A_149, %dma_wait3A_150] : memref<10000x128xf32, #tpu.memory_space<hbm>> -> memref<10000x128xf32, #tpu.memory_space<hbm>>
    tpu.wait_indirect_dma semaphore(%arg17 : memref<!tpu.dma_semaphore, #tpu.memory_space<semaphore_mem>>) src(%dma_wait3A_151 : memref<10000x128xf32, #tpu.memory_space<hbm>>) dst(%arg12 : memref<80x128xf32, #tpu.memory_space<vmem>>)
    %dma_start3A_152 = arith.constant 0 : i32
    %dma_start3A_153 = arith.constant 0 : i32
    %dma_start3A_154 = tpu.memref_slice %arg16[%dma_start3A_152, %dma_start3A_153] : memref<10000x128xf32, #tpu.memory_space<vmem_shared>> -> memref<10000x128xf32, #tpu.memory_space<vmem_shared>>
    tpu.enqueue_indirect_dma source(%arg12 : memref<80x128xf32, #tpu.memory_space<vmem>>) target(%dma_start3A_154 : memref<10000x128xf32, #tpu.memory_space<vmem_shared>>) offsets(%arg9 : memref<80xi32, #tpu.memory_space<vmem>>) semaphore(%arg20 : memref<!tpu.dma_semaphore, #tpu.memory_space<semaphore_mem>>) {add = true}
    %dma_wait3A_155 = arith.constant 0 : i32
    %dma_wait3A_156 = arith.constant 0 : i32
    %dma_wait3A_157 = tpu.memref_slice %arg16[%dma_wait3A_155, %dma_wait3A_156] : memref<10000x128xf32, #tpu.memory_space<vmem_shared>> -> memref<10000x128xf32, #tpu.memory_space<vmem_shared>>
    tpu.wait_indirect_dma semaphore(%arg20 : memref<!tpu.dma_semaphore, #tpu.memory_space<semaphore_mem>>) src(%arg12 : memref<80x128xf32, #tpu.memory_space<vmem>>) dst(%dma_wait3A_157 : memref<10000x128xf32, #tpu.memory_space<vmem_shared>>)
    %dma_wait3A_158 = arith.constant 0 : i32
    %dma_wait3A_159 = arith.constant 0 : i32
    %dma_wait3A_160 = tpu.memref_slice %arg2[%dma_wait3A_158, %dma_wait3A_159] : memref<10000x128xf32, #tpu.memory_space<hbm>> -> memref<10000x128xf32, #tpu.memory_space<hbm>>
    tpu.wait_indirect_dma semaphore(%arg18 : memref<!tpu.dma_semaphore, #tpu.memory_space<semaphore_mem>>) src(%dma_wait3A_160 : memref<10000x128xf32, #tpu.memory_space<hbm>>) dst(%arg13 : memref<80x128xf32, #tpu.memory_space<vmem>>)
    %dma_start3A_161 = arith.constant 0 : i32
    %dma_start3A_162 = arith.constant 0 : i32
    %dma_start3A_163 = tpu.memref_slice %arg16[%dma_start3A_161, %dma_start3A_162] : memref<10000x128xf32, #tpu.memory_space<vmem_shared>> -> memref<10000x128xf32, #tpu.memory_space<vmem_shared>>
    tpu.enqueue_indirect_dma source(%arg13 : memref<80x128xf32, #tpu.memory_space<vmem>>) target(%dma_start3A_163 : memref<10000x128xf32, #tpu.memory_space<vmem_shared>>) offsets(%arg10 : memref<80xi32, #tpu.memory_space<vmem>>) semaphore(%arg21 : memref<!tpu.dma_semaphore, #tpu.memory_space<semaphore_mem>>) {add = true}
    %dma_wait3A_164 = arith.constant 0 : i32
    %dma_wait3A_165 = arith.constant 0 : i32
    %dma_wait3A_166 = tpu.memref_slice %arg16[%dma_wait3A_164, %dma_wait3A_165] : memref<10000x128xf32, #tpu.memory_space<vmem_shared>> -> memref<10000x128xf32, #tpu.memory_space<vmem_shared>>
    tpu.wait_indirect_dma semaphore(%arg21 : memref<!tpu.dma_semaphore, #tpu.memory_space<semaphore_mem>>) src(%arg13 : memref<80x128xf32, #tpu.memory_space<vmem>>) dst(%dma_wait3A_166 : memref<10000x128xf32, #tpu.memory_space<vmem_shared>>)
    %barrier3A_167 = arith.constant 0 : index
    tpu.barrier barrier_id(%barrier3A_167)
    %mul3A_168 = arith.constant 624 : i32
    %mul3A_169 = arith.muli %arg1, %mul3A_168 : i32
    %mul3A_170 = arith.constant 624 : i32
    %mul3A_171 = arith.muli %arg1, %mul3A_170 : i32
    "tpu.region"() ({
      %run_scoped3A = tpu.sem_alloc : memref<!tpu.dma_semaphore, #tpu.memory_space<semaphore_mem>>
      %dma_start3A_177 = arith.constant 0 : i32
      %dma_start3A_178 = tpu.memref_slice %arg5[%arg0, %mul3A_171, %dma_start3A_177] : memref<2x10000x128xf32, #tpu.memory_space<hbm>> -> memref<1x624x128xf32, #tpu.memory_space<hbm>>
      %dma_start3A_179 = tpu.memref_squeeze %dma_start3A_178 : memref<1x624x128xf32, #tpu.memory_space<hbm>> -> memref<624x128xf32, #tpu.memory_space<hbm>>
      %dma_start3A_180 = arith.constant 0 : i32
      %dma_start3A_181 = tpu.memref_slice %arg16[%mul3A_169, %dma_start3A_180] : memref<10000x128xf32, #tpu.memory_space<vmem_shared>> -> memref<624x128xf32, #tpu.memory_space<vmem_shared>>
      tpu.enqueue_dma source(%dma_start3A_181 : memref<624x128xf32, #tpu.memory_space<vmem_shared>>) target(%dma_start3A_179 : memref<624x128xf32, #tpu.memory_space<hbm>>) target_semaphore(%run_scoped3A : memref<!tpu.dma_semaphore, #tpu.memory_space<semaphore_mem>>)
      %dma_wait3A_182 = arith.constant 0 : i32
      %dma_wait3A_183 = tpu.memref_slice %arg5[%arg0, %mul3A_171, %dma_wait3A_182] : memref<2x10000x128xf32, #tpu.memory_space<hbm>> -> memref<1x624x128xf32, #tpu.memory_space<hbm>>
      %dma_wait3A_184 = tpu.memref_squeeze %dma_wait3A_183 : memref<1x624x128xf32, #tpu.memory_space<hbm>> -> memref<624x128xf32, #tpu.memory_space<hbm>>
      %dma_wait3A_185 = arith.constant 0 : i32
      %dma_wait3A_186 = tpu.memref_slice %arg16[%mul3A_169, %dma_wait3A_185] : memref<10000x128xf32, #tpu.memory_space<vmem_shared>> -> memref<624x128xf32, #tpu.memory_space<vmem_shared>>
      tpu.wait_dma2 semaphore(%run_scoped3A : memref<!tpu.dma_semaphore, #tpu.memory_space<semaphore_mem>>) src(%dma_wait3A_186 : memref<624x128xf32, #tpu.memory_space<vmem_shared>>) dst(%dma_wait3A_184 : memref<624x128xf32, #tpu.memory_space<hbm>>)
      tpu.yield
    }) : () -> ()
    %eq3A_172 = arith.constant 0 : i32
    %eq3A_173 = arith.cmpi eq, %arg1, %eq3A_172 : i32
    %convert_element_type3A_174 = arith.extui %eq3A_173 : i1 to i32
    %cond3A_175 = arith.constant 0 : i32
    %cond3A_176 = arith.cmpi ne, %convert_element_type3A_174, %cond3A_175 : i32
    scf.if %cond3A_176 {
      "tpu.region"() ({
        %run_scoped3A = tpu.sem_alloc : memref<!tpu.dma_semaphore, #tpu.memory_space<semaphore_mem>>
        %dma_start3A_177 = arith.constant 9984 : i32
        %dma_start3A_178 = arith.constant 0 : i32
        %dma_start3A_179 = tpu.memref_slice %arg5[%arg0, %dma_start3A_177, %dma_start3A_178] : memref<2x10000x128xf32, #tpu.memory_space<hbm>> -> memref<1x16x128xf32, #tpu.memory_space<hbm>>
        %dma_start3A_180 = tpu.memref_squeeze %dma_start3A_179 : memref<1x16x128xf32, #tpu.memory_space<hbm>> -> memref<16x128xf32, #tpu.memory_space<hbm>>
        %dma_start3A_181 = arith.constant 9984 : i32
        %dma_start3A_182 = arith.constant 0 : i32
        %dma_start3A_183 = tpu.memref_slice %arg16[%dma_start3A_181, %dma_start3A_182] : memref<10000x128xf32, #tpu.memory_space<vmem_shared>> -> memref<16x128xf32, #tpu.memory_space<vmem_shared>>
        tpu.enqueue_dma source(%dma_start3A_183 : memref<16x128xf32, #tpu.memory_space<vmem_shared>>) target(%dma_start3A_180 : memref<16x128xf32, #tpu.memory_space<hbm>>) target_semaphore(%run_scoped3A : memref<!tpu.dma_semaphore, #tpu.memory_space<semaphore_mem>>)
        %dma_wait3A_184 = arith.constant 9984 : i32
        %dma_wait3A_185 = arith.constant 0 : i32
        %dma_wait3A_186 = tpu.memref_slice %arg5[%arg0, %dma_wait3A_184, %dma_wait3A_185] : memref<2x10000x128xf32, #tpu.memory_space<hbm>> -> memref<1x16x128xf32, #tpu.memory_space<hbm>>
        %dma_wait3A_187 = tpu.memref_squeeze %dma_wait3A_186 : memref<1x16x128xf32, #tpu.memory_space<hbm>> -> memref<16x128xf32, #tpu.memory_space<hbm>>
        %dma_wait3A_188 = arith.constant 9984 : i32
        %dma_wait3A_189 = arith.constant 0 : i32
        %dma_wait3A_190 = tpu.memref_slice %arg16[%dma_wait3A_188, %dma_wait3A_189] : memref<10000x128xf32, #tpu.memory_space<vmem_shared>> -> memref<16x128xf32, #tpu.memory_space<vmem_shared>>
        tpu.wait_dma2 semaphore(%run_scoped3A : memref<!tpu.dma_semaphore, #tpu.memory_space<semaphore_mem>>) src(%dma_wait3A_190 : memref<16x128xf32, #tpu.memory_space<vmem_shared>>) dst(%dma_wait3A_187 : memref<16x128xf32, #tpu.memory_space<hbm>>)
        tpu.yield
      }) : () -> ()
    } else {
    }
    return
  }
}

#map = affine_map<(d0, d1) -> (0, 0)>
#map1 = affine_map<(d0, d1) -> (0)>
#map2 = affine_map<(d0, d1) -> (0, 0, 0)>
module attributes {stable_mosaic.version = 14 : i64} {
  func.func @k(%arg0: i32, %arg1: i32, %arg2: memref<10000x128xf32, #tpu.memory_space<hbm>>, %arg3: memref<320000xi32, #tpu.memory_space<hbm>>, %arg4: memref<320000xi32, #tpu.memory_space<hbm>>, %arg5: memref<2x10000x128xf32, #tpu.memory_space<hbm>>, %arg6: memref<80xi32, #tpu.memory_space<vmem>>, %arg7: memref<80xi32, #tpu.memory_space<vmem>>, %arg8: memref<80xi32, #tpu.memory_space<vmem>>, %arg9: memref<80xi32, #tpu.memory_space<vmem>>, %arg10: memref<80xi32, #tpu.memory_space<vmem>>, %arg11: memref<80xi32, #tpu.memory_space<vmem>>, %arg12: memref<80x128xf32, #tpu.memory_space<vmem>>, %arg13: memref<80x128xf32, #tpu.memory_space<vmem>>, %arg14: memref<80x128xf32, #tpu.memory_space<vmem>>, %arg15: memref<48x128xf32, #tpu.memory_space<vmem>>, %arg16: memref<10000x128xf32, #tpu.memory_space<vmem_shared>>, %arg17: memref<!tpu.dma_semaphore, #tpu.memory_space<semaphore_mem>>, %arg18: memref<!tpu.dma_semaphore, #tpu.memory_space<semaphore_mem>>, %arg19: memref<!tpu.dma_semaphore, #tpu.memory_space<semaphore_mem>>, %arg20: memref<!tpu.dma_semaphore, #tpu.memory_space<semaphore_mem>>, %arg21: memref<!tpu.dma_semaphore, #tpu.memory_space<semaphore_mem>>, %arg22: memref<!tpu.dma_semaphore, #tpu.memory_space<semaphore_mem>>, %arg23: memref<!tpu.dma_semaphore, #tpu.memory_space<semaphore_mem>>, %arg24: memref<!tpu.dma_semaphore, #tpu.memory_space<semaphore_mem>>, %arg25: memref<!tpu.dma_semaphore, #tpu.memory_space<semaphore_mem>>) attributes {dimension_semantics = [#tpu.dimension_semantics<core_parallel>, #tpu.dimension_semantics<subcore_parallel>], iteration_bounds = array<i64: 2, 16>, scalar_prefetch = 0 : i64, scratch_operands = 20 : i64, tpu.core_type = #tpu.core_type<sc_vector_subcore>, window_params = [{transform_indices = #map}, {transform_indices = #map1}, {transform_indices = #map1}, {transform_indices = #map2}]} {
    %mul3A = arith.constant 2 : i32
    %mul3A_0 = arith.muli %arg1, %mul3A : i32
    %add3A = arith.addi %mul3A_0, %arg0 : i32
    %scan3A = arith.constant 0 : i32
    %scan3A_1 = arith.constant 48 : i32
    %scan3A_2 = arith.addi %scan3A, %scan3A_1 : i32
    %scan3A_3 = arith.constant 1 : i32
    scf.for %scan3A_177 = %scan3A to %scan3A_2 step %scan3A_3  : i32 {
      %mul3A_178 = arith.constant 1 : i32
      %mul3A_179 = arith.muli %scan3A_177, %mul3A_178 : i32
      %add3A_180 = arith.constant 0 : i32
      %add3A_181 = arith.addi %add3A_180, %mul3A_179 : i32
      %scan3A_182 = arith.constant 0 : i32
      %scan3A_183 = arith.constant 8 : i32
      %scan3A_184 = arith.addi %scan3A_182, %scan3A_183 : i32
      %scan3A_185 = arith.constant 1 : i32
      scf.for %scan3A_187 = %scan3A_182 to %scan3A_184 step %scan3A_185  : i32 {
        %mul3A_188 = arith.constant 16 : i32
        %mul3A_189 = arith.muli %scan3A_187, %mul3A_188 : i32
        %add3A_190 = arith.constant 0 : i32
        %add3A_191 = arith.addi %add3A_190, %mul3A_189 : i32
        %broadcast_in_dim3A = arith.constant 0.000000e+00 : f32
        %broadcast_in_dim3A_192 = vector.broadcast %broadcast_in_dim3A : f32 to vector<1x16xf32>
        %swap3A = arith.index_cast %add3A_181 : i32 to index
        %swap3A_193 = arith.index_cast %add3A_191 : i32 to index
        %swap3A_194 = tpu.vector_load %arg15[%swap3A, %swap3A_193] {strides = array<i32>} : memref<48x128xf32, #tpu.memory_space<vmem>>, vector<1x16xf32>,
        %swap3A_195 = vector.shape_cast %swap3A_194 : vector<1x16xf32> to vector<1x16xf32>
        %swap3A_196 = vector.shape_cast %broadcast_in_dim3A_192 : vector<1x16xf32> to vector<1x16xf32>
        tpu.vector_store %arg15[%swap3A, %swap3A_193], %swap3A_196 {strides = array<i32>} : memref<48x128xf32, #tpu.memory_space<vmem>>, vector<1x16xf32>,
      }
      %scan3A_186 = arith.constant 8 : i32
    }
    %scan3A_4 = arith.constant 48 : i32
    %scan3A_5 = arith.constant 0 : i32
    %scan3A_6 = arith.constant 13 : i32
    %scan3A_7 = arith.addi %scan3A_5, %scan3A_6 : i32
    %scan3A_8 = arith.constant 1 : i32
    scf.for %scan3A_177 = %scan3A_5 to %scan3A_7 step %scan3A_8  : i32 {
      %mul3A_178 = arith.constant 1 : i32
      %mul3A_179 = arith.muli %scan3A_177, %mul3A_178 : i32
      %add3A_180 = arith.constant 0 : i32
      %add3A_181 = arith.addi %add3A_180, %mul3A_179 : i32
      %mul3A_182 = arith.constant 624 : i32
      %mul3A_183 = arith.muli %arg1, %mul3A_182 : i32
      %mul3A_184 = arith.constant 48 : i32
      %mul3A_185 = arith.muli %add3A_181, %mul3A_184 : i32
      %add3A_186 = arith.addi %mul3A_183, %mul3A_185 : i32
      %dma_start3A_187 = arith.constant 0 : i32
      %dma_start3A_188 = tpu.memref_slice %arg16[%add3A_186, %dma_start3A_187] : memref<10000x128xf32, #tpu.memory_space<vmem_shared>> -> memref<48x128xf32, #tpu.memory_space<vmem_shared>>
      %dma_start3A_189 = arith.constant 0 : i32
      %dma_start3A_190 = tpu.memref_slice %arg16[%add3A_186, %dma_start3A_189] : memref<10000x128xf32, #tpu.memory_space<vmem_shared>> -> memref<48x128xf32, #tpu.memory_space<vmem_shared>>
      tpu.enqueue_dma source(%arg15 : memref<48x128xf32, #tpu.memory_space<vmem>>) target(%dma_start3A_190 : memref<48x128xf32, #tpu.memory_space<vmem_shared>>) target_semaphore(%arg20 : memref<!tpu.dma_semaphore, #tpu.memory_space<semaphore_mem>>)
    }
    %scan3A_9 = arith.constant 13 : i32
    %eq3A = arith.constant 0 : i32
    %eq3A_10 = arith.cmpi eq, %arg1, %eq3A : i32
    %convert_element_type3A = arith.extui %eq3A_10 : i1 to i32
    %cond3A = arith.constant 0 : i32
    %cond3A_11 = arith.cmpi ne, %convert_element_type3A, %cond3A : i32
    scf.if %cond3A_11 {
      %dma_start3A_177 = arith.constant 0 : i32
      %dma_start3A_178 = arith.constant 0 : i32
      %dma_start3A_179 = tpu.memref_slice %arg15[%dma_start3A_177, %dma_start3A_178] : memref<48x128xf32, #tpu.memory_space<vmem>> -> memref<16x128xf32, #tpu.memory_space<vmem>>
      %dma_start3A_180 = arith.constant 9984 : i32
      %dma_start3A_181 = arith.constant 0 : i32
      %dma_start3A_182 = tpu.memref_slice %arg16[%dma_start3A_180, %dma_start3A_181] : memref<10000x128xf32, #tpu.memory_space<vmem_shared>> -> memref<16x128xf32, #tpu.memory_space<vmem_shared>>
      %dma_start3A_183 = arith.constant 9984 : i32
      %dma_start3A_184 = arith.constant 0 : i32
      %dma_start3A_185 = tpu.memref_slice %arg16[%dma_start3A_183, %dma_start3A_184] : memref<10000x128xf32, #tpu.memory_space<vmem_shared>> -> memref<16x128xf32, #tpu.memory_space<vmem_shared>>
      %dma_start3A_186 = arith.constant 0 : i32
      %dma_start3A_187 = arith.constant 0 : i32
      %dma_start3A_188 = tpu.memref_slice %arg15[%dma_start3A_186, %dma_start3A_187] : memref<48x128xf32, #tpu.memory_space<vmem>> -> memref<16x128xf32, #tpu.memory_space<vmem>>
      tpu.enqueue_dma source(%dma_start3A_188 : memref<16x128xf32, #tpu.memory_space<vmem>>) target(%dma_start3A_185 : memref<16x128xf32, #tpu.memory_space<vmem_shared>>) target_semaphore(%arg21 : memref<!tpu.dma_semaphore, #tpu.memory_space<semaphore_mem>>)
    } else {
    }
    %mul3A_12 = arith.constant 10000 : i32
    %mul3A_13 = arith.muli %add3A, %mul3A_12 : i32
    %add3A_14 = arith.constant 0 : i32
    %add3A_15 = arith.addi %mul3A_13, %add3A_14 : i32
    %dma_start3A = tpu.memref_slice %arg3[%add3A_15] : memref<320000xi32, #tpu.memory_space<hbm>> -> memref<80xi32, #tpu.memory_space<hbm>>
    %dma_start3A_16 = tpu.memref_slice %arg3[%add3A_15] : memref<320000xi32, #tpu.memory_space<hbm>> -> memref<80xi32, #tpu.memory_space<hbm>>
    tpu.enqueue_dma source(%dma_start3A_16 : memref<80xi32, #tpu.memory_space<hbm>>) target(%arg6 : memref<80xi32, #tpu.memory_space<vmem>>) target_semaphore(%arg23 : memref<!tpu.dma_semaphore, #tpu.memory_space<semaphore_mem>>)
    %add3A_17 = arith.constant 0 : i32
    %add3A_18 = arith.addi %mul3A_13, %add3A_17 : i32
    %dma_start3A_19 = tpu.memref_slice %arg4[%add3A_18] : memref<320000xi32, #tpu.memory_space<hbm>> -> memref<80xi32, #tpu.memory_space<hbm>>
    %dma_start3A_20 = tpu.memref_slice %arg4[%add3A_18] : memref<320000xi32, #tpu.memory_space<hbm>> -> memref<80xi32, #tpu.memory_space<hbm>>
    tpu.enqueue_dma source(%dma_start3A_20 : memref<80xi32, #tpu.memory_space<hbm>>) target(%arg9 : memref<80xi32, #tpu.memory_space<vmem>>) target_semaphore(%arg23 : memref<!tpu.dma_semaphore, #tpu.memory_space<semaphore_mem>>)
    %add3A_21 = arith.constant 80 : i32
    %add3A_22 = arith.addi %mul3A_13, %add3A_21 : i32
    %dma_start3A_23 = tpu.memref_slice %arg3[%add3A_22] : memref<320000xi32, #tpu.memory_space<hbm>> -> memref<80xi32, #tpu.memory_space<hbm>>
    %dma_start3A_24 = tpu.memref_slice %arg3[%add3A_22] : memref<320000xi32, #tpu.memory_space<hbm>> -> memref<80xi32, #tpu.memory_space<hbm>>
    tpu.enqueue_dma source(%dma_start3A_24 : memref<80xi32, #tpu.memory_space<hbm>>) target(%arg7 : memref<80xi32, #tpu.memory_space<vmem>>) target_semaphore(%arg24 : memref<!tpu.dma_semaphore, #tpu.memory_space<semaphore_mem>>)
    %add3A_25 = arith.constant 80 : i32
    %add3A_26 = arith.addi %mul3A_13, %add3A_25 : i32
    %dma_start3A_27 = tpu.memref_slice %arg4[%add3A_26] : memref<320000xi32, #tpu.memory_space<hbm>> -> memref<80xi32, #tpu.memory_space<hbm>>
    %dma_start3A_28 = tpu.memref_slice %arg4[%add3A_26] : memref<320000xi32, #tpu.memory_space<hbm>> -> memref<80xi32, #tpu.memory_space<hbm>>
    tpu.enqueue_dma source(%dma_start3A_28 : memref<80xi32, #tpu.memory_space<hbm>>) target(%arg10 : memref<80xi32, #tpu.memory_space<vmem>>) target_semaphore(%arg24 : memref<!tpu.dma_semaphore, #tpu.memory_space<semaphore_mem>>)
    %scan3A_29 = arith.constant 0 : i32
    %scan3A_30 = arith.constant 13 : i32
    %scan3A_31 = arith.addi %scan3A_29, %scan3A_30 : i32
    %scan3A_32 = arith.constant 1 : i32
    scf.for %scan3A_177 = %scan3A_29 to %scan3A_31 step %scan3A_32  : i32 {
      %mul3A_178 = arith.constant 1 : i32
      %mul3A_179 = arith.muli %scan3A_177, %mul3A_178 : i32
      %add3A_180 = arith.constant 0 : i32
      %add3A_181 = arith.addi %add3A_180, %mul3A_179 : i32
      %mul3A_182 = arith.constant 624 : i32
      %mul3A_183 = arith.muli %arg1, %mul3A_182 : i32
      %mul3A_184 = arith.constant 48 : i32
      %mul3A_185 = arith.muli %add3A_181, %mul3A_184 : i32
      %add3A_186 = arith.addi %mul3A_183, %mul3A_185 : i32
      %dma_wait3A_187 = arith.constant 0 : i32
      %dma_wait3A_188 = tpu.memref_slice %arg16[%add3A_186, %dma_wait3A_187] : memref<10000x128xf32, #tpu.memory_space<vmem_shared>> -> memref<48x128xf32, #tpu.memory_space<vmem_shared>>
      %dma_wait3A_189 = arith.constant 0 : i32
      %dma_wait3A_190 = tpu.memref_slice %arg16[%add3A_186, %dma_wait3A_189] : memref<10000x128xf32, #tpu.memory_space<vmem_shared>> -> memref<48x128xf32, #tpu.memory_space<vmem_shared>>
      tpu.wait_dma2 semaphore(%arg20 : memref<!tpu.dma_semaphore, #tpu.memory_space<semaphore_mem>>) src(%arg15 : memref<48x128xf32, #tpu.memory_space<vmem>>) dst(%dma_wait3A_190 : memref<48x128xf32, #tpu.memory_space<vmem_shared>>)
    }
    %scan3A_33 = arith.constant 13 : i32
    %eq3A_34 = arith.constant 0 : i32
    %eq3A_35 = arith.cmpi eq, %arg1, %eq3A_34 : i32
    %convert_element_type3A_36 = arith.extui %eq3A_35 : i1 to i32
    %cond3A_37 = arith.constant 0 : i32
    %cond3A_38 = arith.cmpi ne, %convert_element_type3A_36, %cond3A_37 : i32
    scf.if %cond3A_38 {
      %dma_wait3A_177 = arith.constant 0 : i32
      %dma_wait3A_178 = arith.constant 0 : i32
      %dma_wait3A_179 = tpu.memref_slice %arg15[%dma_wait3A_177, %dma_wait3A_178] : memref<48x128xf32, #tpu.memory_space<vmem>> -> memref<16x128xf32, #tpu.memory_space<vmem>>
      %dma_wait3A_180 = arith.constant 9984 : i32
      %dma_wait3A_181 = arith.constant 0 : i32
      %dma_wait3A_182 = tpu.memref_slice %arg16[%dma_wait3A_180, %dma_wait3A_181] : memref<10000x128xf32, #tpu.memory_space<vmem_shared>> -> memref<16x128xf32, #tpu.memory_space<vmem_shared>>
      %dma_wait3A_183 = arith.constant 9984 : i32
      %dma_wait3A_184 = arith.constant 0 : i32
      %dma_wait3A_185 = tpu.memref_slice %arg16[%dma_wait3A_183, %dma_wait3A_184] : memref<10000x128xf32, #tpu.memory_space<vmem_shared>> -> memref<16x128xf32, #tpu.memory_space<vmem_shared>>
      %dma_wait3A_186 = arith.constant 0 : i32
      %dma_wait3A_187 = arith.constant 0 : i32
      %dma_wait3A_188 = tpu.memref_slice %arg15[%dma_wait3A_186, %dma_wait3A_187] : memref<48x128xf32, #tpu.memory_space<vmem>> -> memref<16x128xf32, #tpu.memory_space<vmem>>
      tpu.wait_dma2 semaphore(%arg21 : memref<!tpu.dma_semaphore, #tpu.memory_space<semaphore_mem>>) src(%dma_wait3A_188 : memref<16x128xf32, #tpu.memory_space<vmem>>) dst(%dma_wait3A_185 : memref<16x128xf32, #tpu.memory_space<vmem_shared>>)
    } else {
    }
    %add3A_39 = arith.constant 0 : i32
    %add3A_40 = arith.addi %mul3A_13, %add3A_39 : i32
    %dma_wait3A = tpu.memref_slice %arg3[%add3A_40] : memref<320000xi32, #tpu.memory_space<hbm>> -> memref<80xi32, #tpu.memory_space<hbm>>
    %dma_wait3A_41 = tpu.memref_slice %arg3[%add3A_40] : memref<320000xi32, #tpu.memory_space<hbm>> -> memref<80xi32, #tpu.memory_space<hbm>>
    tpu.wait_dma2 semaphore(%arg23 : memref<!tpu.dma_semaphore, #tpu.memory_space<semaphore_mem>>) src(%dma_wait3A_41 : memref<80xi32, #tpu.memory_space<hbm>>) dst(%arg6 : memref<80xi32, #tpu.memory_space<vmem>>)
    %add3A_42 = arith.constant 0 : i32
    %add3A_43 = arith.addi %mul3A_13, %add3A_42 : i32
    %dma_wait3A_44 = tpu.memref_slice %arg4[%add3A_43] : memref<320000xi32, #tpu.memory_space<hbm>> -> memref<80xi32, #tpu.memory_space<hbm>>
    %dma_wait3A_45 = tpu.memref_slice %arg4[%add3A_43] : memref<320000xi32, #tpu.memory_space<hbm>> -> memref<80xi32, #tpu.memory_space<hbm>>
    tpu.wait_dma2 semaphore(%arg23 : memref<!tpu.dma_semaphore, #tpu.memory_space<semaphore_mem>>) src(%dma_wait3A_45 : memref<80xi32, #tpu.memory_space<hbm>>) dst(%arg9 : memref<80xi32, #tpu.memory_space<vmem>>)
    %dma_start3A_46 = arith.constant 0 : i32
    %dma_start3A_47 = arith.constant 0 : i32
    %dma_start3A_48 = tpu.memref_slice %arg2[%dma_start3A_46, %dma_start3A_47] : memref<10000x128xf32, #tpu.memory_space<hbm>> -> memref<10000x128xf32, #tpu.memory_space<hbm>>
    tpu.enqueue_indirect_dma source(%dma_start3A_48 : memref<10000x128xf32, #tpu.memory_space<hbm>>) target(%arg12 : memref<80x128xf32, #tpu.memory_space<vmem>>) offsets(%arg6 : memref<80xi32, #tpu.memory_space<vmem>>) semaphore(%arg17 : memref<!tpu.dma_semaphore, #tpu.memory_space<semaphore_mem>>)
    %barrier3A = arith.constant 0 : index
    tpu.barrier barrier_id(%barrier3A)
    %add3A_49 = arith.constant 160 : i32
    %add3A_50 = arith.addi %mul3A_13, %add3A_49 : i32
    %dma_start3A_51 = tpu.memref_slice %arg3[%add3A_50] : memref<320000xi32, #tpu.memory_space<hbm>> -> memref<80xi32, #tpu.memory_space<hbm>>
    %dma_start3A_52 = tpu.memref_slice %arg3[%add3A_50] : memref<320000xi32, #tpu.memory_space<hbm>> -> memref<80xi32, #tpu.memory_space<hbm>>
    tpu.enqueue_dma source(%dma_start3A_52 : memref<80xi32, #tpu.memory_space<hbm>>) target(%arg8 : memref<80xi32, #tpu.memory_space<vmem>>) target_semaphore(%arg25 : memref<!tpu.dma_semaphore, #tpu.memory_space<semaphore_mem>>)
    %add3A_53 = arith.constant 160 : i32
    %add3A_54 = arith.addi %mul3A_13, %add3A_53 : i32
    %dma_start3A_55 = tpu.memref_slice %arg4[%add3A_54] : memref<320000xi32, #tpu.memory_space<hbm>> -> memref<80xi32, #tpu.memory_space<hbm>>
    %dma_start3A_56 = tpu.memref_slice %arg4[%add3A_54] : memref<320000xi32, #tpu.memory_space<hbm>> -> memref<80xi32, #tpu.memory_space<hbm>>
    tpu.enqueue_dma source(%dma_start3A_56 : memref<80xi32, #tpu.memory_space<hbm>>) target(%arg11 : memref<80xi32, #tpu.memory_space<vmem>>) target_semaphore(%arg25 : memref<!tpu.dma_semaphore, #tpu.memory_space<semaphore_mem>>)
    %add3A_57 = arith.constant 80 : i32
    %add3A_58 = arith.addi %mul3A_13, %add3A_57 : i32
    %dma_wait3A_59 = tpu.memref_slice %arg3[%add3A_58] : memref<320000xi32, #tpu.memory_space<hbm>> -> memref<80xi32, #tpu.memory_space<hbm>>
    %dma_wait3A_60 = tpu.memref_slice %arg3[%add3A_58] : memref<320000xi32, #tpu.memory_space<hbm>> -> memref<80xi32, #tpu.memory_space<hbm>>
    tpu.wait_dma2 semaphore(%arg24 : memref<!tpu.dma_semaphore, #tpu.memory_space<semaphore_mem>>) src(%dma_wait3A_60 : memref<80xi32, #tpu.memory_space<hbm>>) dst(%arg7 : memref<80xi32, #tpu.memory_space<vmem>>)
    %add3A_61 = arith.constant 80 : i32
    %add3A_62 = arith.addi %mul3A_13, %add3A_61 : i32
    %dma_wait3A_63 = tpu.memref_slice %arg4[%add3A_62] : memref<320000xi32, #tpu.memory_space<hbm>> -> memref<80xi32, #tpu.memory_space<hbm>>
    %dma_wait3A_64 = tpu.memref_slice %arg4[%add3A_62] : memref<320000xi32, #tpu.memory_space<hbm>> -> memref<80xi32, #tpu.memory_space<hbm>>
    tpu.wait_dma2 semaphore(%arg24 : memref<!tpu.dma_semaphore, #tpu.memory_space<semaphore_mem>>) src(%dma_wait3A_64 : memref<80xi32, #tpu.memory_space<hbm>>) dst(%arg10 : memref<80xi32, #tpu.memory_space<vmem>>)
    %dma_start3A_65 = arith.constant 0 : i32
    %dma_start3A_66 = arith.constant 0 : i32
    %dma_start3A_67 = tpu.memref_slice %arg2[%dma_start3A_65, %dma_start3A_66] : memref<10000x128xf32, #tpu.memory_space<hbm>> -> memref<10000x128xf32, #tpu.memory_space<hbm>>
    tpu.enqueue_indirect_dma source(%dma_start3A_67 : memref<10000x128xf32, #tpu.memory_space<hbm>>) target(%arg13 : memref<80x128xf32, #tpu.memory_space<vmem>>) offsets(%arg7 : memref<80xi32, #tpu.memory_space<vmem>>) semaphore(%arg18 : memref<!tpu.dma_semaphore, #tpu.memory_space<semaphore_mem>>)
    %dma_wait3A_68 = arith.constant 0 : i32
    %dma_wait3A_69 = arith.constant 0 : i32
    %dma_wait3A_70 = tpu.memref_slice %arg2[%dma_wait3A_68, %dma_wait3A_69] : memref<10000x128xf32, #tpu.memory_space<hbm>> -> memref<10000x128xf32, #tpu.memory_space<hbm>>
    tpu.wait_indirect_dma semaphore(%arg17 : memref<!tpu.dma_semaphore, #tpu.memory_space<semaphore_mem>>) src(%dma_wait3A_70 : memref<10000x128xf32, #tpu.memory_space<hbm>>) dst(%arg12 : memref<80x128xf32, #tpu.memory_space<vmem>>)
    %dma_start3A_71 = arith.constant 0 : i32
    %dma_start3A_72 = arith.constant 0 : i32
    %dma_start3A_73 = tpu.memref_slice %arg16[%dma_start3A_71, %dma_start3A_72] : memref<10000x128xf32, #tpu.memory_space<vmem_shared>> -> memref<10000x128xf32, #tpu.memory_space<vmem_shared>>
    tpu.enqueue_indirect_dma source(%arg12 : memref<80x128xf32, #tpu.memory_space<vmem>>) target(%dma_start3A_73 : memref<10000x128xf32, #tpu.memory_space<vmem_shared>>) offsets(%arg9 : memref<80xi32, #tpu.memory_space<vmem>>) semaphore(%arg20 : memref<!tpu.dma_semaphore, #tpu.memory_space<semaphore_mem>>) {add = true}
    %dma_wait3A_74 = arith.constant 0 : i32
    %dma_wait3A_75 = arith.constant 0 : i32
    %dma_wait3A_76 = tpu.memref_slice %arg16[%dma_wait3A_74, %dma_wait3A_75] : memref<10000x128xf32, #tpu.memory_space<vmem_shared>> -> memref<10000x128xf32, #tpu.memory_space<vmem_shared>>
    tpu.wait_indirect_dma semaphore(%arg20 : memref<!tpu.dma_semaphore, #tpu.memory_space<semaphore_mem>>) src(%arg12 : memref<80x128xf32, #tpu.memory_space<vmem>>) dst(%dma_wait3A_76 : memref<10000x128xf32, #tpu.memory_space<vmem_shared>>)
    %add3A_77 = arith.constant 240 : i32
    %add3A_78 = arith.addi %mul3A_13, %add3A_77 : i32
    %dma_start3A_79 = tpu.memref_slice %arg3[%add3A_78] : memref<320000xi32, #tpu.memory_space<hbm>> -> memref<80xi32, #tpu.memory_space<hbm>>
    %dma_start3A_80 = tpu.memref_slice %arg3[%add3A_78] : memref<320000xi32, #tpu.memory_space<hbm>> -> memref<80xi32, #tpu.memory_space<hbm>>
    tpu.enqueue_dma source(%dma_start3A_80 : memref<80xi32, #tpu.memory_space<hbm>>) target(%arg6 : memref<80xi32, #tpu.memory_space<vmem>>) target_semaphore(%arg23 : memref<!tpu.dma_semaphore, #tpu.memory_space<semaphore_mem>>)
    %add3A_81 = arith.constant 240 : i32
    %add3A_82 = arith.addi %mul3A_13, %add3A_81 : i32
    %dma_start3A_83 = tpu.memref_slice %arg4[%add3A_82] : memref<320000xi32, #tpu.memory_space<hbm>> -> memref<80xi32, #tpu.memory_space<hbm>>
    %dma_start3A_84 = tpu.memref_slice %arg4[%add3A_82] : memref<320000xi32, #tpu.memory_space<hbm>> -> memref<80xi32, #tpu.memory_space<hbm>>
    tpu.enqueue_dma source(%dma_start3A_84 : memref<80xi32, #tpu.memory_space<hbm>>) target(%arg9 : memref<80xi32, #tpu.memory_space<vmem>>) target_semaphore(%arg23 : memref<!tpu.dma_semaphore, #tpu.memory_space<semaphore_mem>>)
    %add3A_85 = arith.constant 160 : i32
    %add3A_86 = arith.addi %mul3A_13, %add3A_85 : i32
    %dma_wait3A_87 = tpu.memref_slice %arg3[%add3A_86] : memref<320000xi32, #tpu.memory_space<hbm>> -> memref<80xi32, #tpu.memory_space<hbm>>
    %dma_wait3A_88 = tpu.memref_slice %arg3[%add3A_86] : memref<320000xi32, #tpu.memory_space<hbm>> -> memref<80xi32, #tpu.memory_space<hbm>>
    tpu.wait_dma2 semaphore(%arg25 : memref<!tpu.dma_semaphore, #tpu.memory_space<semaphore_mem>>) src(%dma_wait3A_88 : memref<80xi32, #tpu.memory_space<hbm>>) dst(%arg8 : memref<80xi32, #tpu.memory_space<vmem>>)
    %add3A_89 = arith.constant 160 : i32
    %add3A_90 = arith.addi %mul3A_13, %add3A_89 : i32
    %dma_wait3A_91 = tpu.memref_slice %arg4[%add3A_90] : memref<320000xi32, #tpu.memory_space<hbm>> -> memref<80xi32, #tpu.memory_space<hbm>>
    %dma_wait3A_92 = tpu.memref_slice %arg4[%add3A_90] : memref<320000xi32, #tpu.memory_space<hbm>> -> memref<80xi32, #tpu.memory_space<hbm>>
    tpu.wait_dma2 semaphore(%arg25 : memref<!tpu.dma_semaphore, #tpu.memory_space<semaphore_mem>>) src(%dma_wait3A_92 : memref<80xi32, #tpu.memory_space<hbm>>) dst(%arg11 : memref<80xi32, #tpu.memory_space<vmem>>)
    %dma_start3A_93 = arith.constant 0 : i32
    %dma_start3A_94 = arith.constant 0 : i32
    %dma_start3A_95 = tpu.memref_slice %arg2[%dma_start3A_93, %dma_start3A_94] : memref<10000x128xf32, #tpu.memory_space<hbm>> -> memref<10000x128xf32, #tpu.memory_space<hbm>>
    tpu.enqueue_indirect_dma source(%dma_start3A_95 : memref<10000x128xf32, #tpu.memory_space<hbm>>) target(%arg14 : memref<80x128xf32, #tpu.memory_space<vmem>>) offsets(%arg8 : memref<80xi32, #tpu.memory_space<vmem>>) semaphore(%arg19 : memref<!tpu.dma_semaphore, #tpu.memory_space<semaphore_mem>>)
    %dma_wait3A_96 = arith.constant 0 : i32
    %dma_wait3A_97 = arith.constant 0 : i32
    %dma_wait3A_98 = tpu.memref_slice %arg2[%dma_wait3A_96, %dma_wait3A_97] : memref<10000x128xf32, #tpu.memory_space<hbm>> -> memref<10000x128xf32, #tpu.memory_space<hbm>>
    tpu.wait_indirect_dma semaphore(%arg18 : memref<!tpu.dma_semaphore, #tpu.memory_space<semaphore_mem>>) src(%dma_wait3A_98 : memref<10000x128xf32, #tpu.memory_space<hbm>>) dst(%arg13 : memref<80x128xf32, #tpu.memory_space<vmem>>)
    %dma_start3A_99 = arith.constant 0 : i32
    %dma_start3A_100 = arith.constant 0 : i32
    %dma_start3A_101 = tpu.memref_slice %arg16[%dma_start3A_99, %dma_start3A_100] : memref<10000x128xf32, #tpu.memory_space<vmem_shared>> -> memref<10000x128xf32, #tpu.memory_space<vmem_shared>>
    tpu.enqueue_indirect_dma source(%arg13 : memref<80x128xf32, #tpu.memory_space<vmem>>) target(%dma_start3A_101 : memref<10000x128xf32, #tpu.memory_space<vmem_shared>>) offsets(%arg10 : memref<80xi32, #tpu.memory_space<vmem>>) semaphore(%arg21 : memref<!tpu.dma_semaphore, #tpu.memory_space<semaphore_mem>>) {add = true}
    %dma_wait3A_102 = arith.constant 0 : i32
    %dma_wait3A_103 = arith.constant 0 : i32
    %dma_wait3A_104 = tpu.memref_slice %arg16[%dma_wait3A_102, %dma_wait3A_103] : memref<10000x128xf32, #tpu.memory_space<vmem_shared>> -> memref<10000x128xf32, #tpu.memory_space<vmem_shared>>
    tpu.wait_indirect_dma semaphore(%arg21 : memref<!tpu.dma_semaphore, #tpu.memory_space<semaphore_mem>>) src(%arg13 : memref<80x128xf32, #tpu.memory_space<vmem>>) dst(%dma_wait3A_104 : memref<10000x128xf32, #tpu.memory_space<vmem_shared>>)
    %add3A_105 = arith.constant 320 : i32
    %add3A_106 = arith.addi %mul3A_13, %add3A_105 : i32
    %dma_start3A_107 = tpu.memref_slice %arg3[%add3A_106] : memref<320000xi32, #tpu.memory_space<hbm>> -> memref<80xi32, #tpu.memory_space<hbm>>
    %dma_start3A_108 = tpu.memref_slice %arg3[%add3A_106] : memref<320000xi32, #tpu.memory_space<hbm>> -> memref<80xi32, #tpu.memory_space<hbm>>
    tpu.enqueue_dma source(%dma_start3A_108 : memref<80xi32, #tpu.memory_space<hbm>>) target(%arg7 : memref<80xi32, #tpu.memory_space<vmem>>) target_semaphore(%arg24 : memref<!tpu.dma_semaphore, #tpu.memory_space<semaphore_mem>>)
    %add3A_109 = arith.constant 320 : i32
    %add3A_110 = arith.addi %mul3A_13, %add3A_109 : i32
    %dma_start3A_111 = tpu.memref_slice %arg4[%add3A_110] : memref<320000xi32, #tpu.memory_space<hbm>> -> memref<80xi32, #tpu.memory_space<hbm>>
    %dma_start3A_112 = tpu.memref_slice %arg4[%add3A_110] : memref<320000xi32, #tpu.memory_space<hbm>> -> memref<80xi32, #tpu.memory_space<hbm>>
    tpu.enqueue_dma source(%dma_start3A_112 : memref<80xi32, #tpu.memory_space<hbm>>) target(%arg10 : memref<80xi32, #tpu.memory_space<vmem>>) target_semaphore(%arg24 : memref<!tpu.dma_semaphore, #tpu.memory_space<semaphore_mem>>)
    %add3A_113 = arith.constant 240 : i32
    %add3A_114 = arith.addi %mul3A_13, %add3A_113 : i32
    %dma_wait3A_115 = tpu.memref_slice %arg3[%add3A_114] : memref<320000xi32, #tpu.memory_space<hbm>> -> memref<80xi32, #tpu.memory_space<hbm>>
    %dma_wait3A_116 = tpu.memref_slice %arg3[%add3A_114] : memref<320000xi32, #tpu.memory_space<hbm>> -> memref<80xi32, #tpu.memory_space<hbm>>
    tpu.wait_dma2 semaphore(%arg23 : memref<!tpu.dma_semaphore, #tpu.memory_space<semaphore_mem>>) src(%dma_wait3A_116 : memref<80xi32, #tpu.memory_space<hbm>>) dst(%arg6 : memref<80xi32, #tpu.memory_space<vmem>>)
    %add3A_117 = arith.constant 240 : i32
    %add3A_118 = arith.addi %mul3A_13, %add3A_117 : i32
    %dma_wait3A_119 = tpu.memref_slice %arg4[%add3A_118] : memref<320000xi32, #tpu.memory_space<hbm>> -> memref<80xi32, #tpu.memory_space<hbm>>
    %dma_wait3A_120 = tpu.memref_slice %arg4[%add3A_118] : memref<320000xi32, #tpu.memory_space<hbm>> -> memref<80xi32, #tpu.memory_space<hbm>>
    tpu.wait_dma2 semaphore(%arg23 : memref<!tpu.dma_semaphore, #tpu.memory_space<semaphore_mem>>) src(%dma_wait3A_120 : memref<80xi32, #tpu.memory_space<hbm>>) dst(%arg9 : memref<80xi32, #tpu.memory_space<vmem>>)
    %dma_start3A_121 = arith.constant 0 : i32
    %dma_start3A_122 = arith.constant 0 : i32
    %dma_start3A_123 = tpu.memref_slice %arg2[%dma_start3A_121, %dma_start3A_122] : memref<10000x128xf32, #tpu.memory_space<hbm>> -> memref<10000x128xf32, #tpu.memory_space<hbm>>
    tpu.enqueue_indirect_dma source(%dma_start3A_123 : memref<10000x128xf32, #tpu.memory_space<hbm>>) target(%arg12 : memref<80x128xf32, #tpu.memory_space<vmem>>) offsets(%arg6 : memref<80xi32, #tpu.memory_space<vmem>>) semaphore(%arg17 : memref<!tpu.dma_semaphore, #tpu.memory_space<semaphore_mem>>)
    %dma_wait3A_124 = arith.constant 0 : i32
    %dma_wait3A_125 = arith.constant 0 : i32
    %dma_wait3A_126 = tpu.memref_slice %arg2[%dma_wait3A_124, %dma_wait3A_125] : memref<10000x128xf32, #tpu.memory_space<hbm>> -> memref<10000x128xf32, #tpu.memory_space<hbm>>
    tpu.wait_indirect_dma semaphore(%arg19 : memref<!tpu.dma_semaphore, #tpu.memory_space<semaphore_mem>>) src(%dma_wait3A_126 : memref<10000x128xf32, #tpu.memory_space<hbm>>) dst(%arg14 : memref<80x128xf32, #tpu.memory_space<vmem>>)
    %dma_start3A_127 = arith.constant 0 : i32
    %dma_start3A_128 = arith.constant 0 : i32
    %dma_start3A_129 = tpu.memref_slice %arg16[%dma_start3A_127, %dma_start3A_128] : memref<10000x128xf32, #tpu.memory_space<vmem_shared>> -> memref<10000x128xf32, #tpu.memory_space<vmem_shared>>
    tpu.enqueue_indirect_dma source(%arg14 : memref<80x128xf32, #tpu.memory_space<vmem>>) target(%dma_start3A_129 : memref<10000x128xf32, #tpu.memory_space<vmem_shared>>) offsets(%arg11 : memref<80xi32, #tpu.memory_space<vmem>>) semaphore(%arg22 : memref<!tpu.dma_semaphore, #tpu.memory_space<semaphore_mem>>) {add = true}
    %scan3A_130 = arith.constant 0 : i32
    %scan3A_131 = arith.constant 40 : i32
    %scan3A_132 = arith.addi %scan3A_130, %scan3A_131 : i32
    %scan3A_133 = arith.constant 1 : i32
    scf.for %scan3A_177 = %scan3A_130 to %scan3A_132 step %scan3A_133  : i32 {
      %mul3A_178 = arith.constant 1 : i32
      %mul3A_179 = arith.muli %scan3A_177, %mul3A_178 : i32
      %add3A_180 = arith.constant 1 : i32
      %add3A_181 = arith.addi %add3A_180, %mul3A_179 : i32
      %dma_wait3A_182 = arith.constant 0 : i32
      %dma_wait3A_183 = arith.constant 0 : i32
      %dma_wait3A_184 = tpu.memref_slice %arg16[%dma_wait3A_182, %dma_wait3A_183] : memref<10000x128xf32, #tpu.memory_space<vmem_shared>> -> memref<10000x128xf32, #tpu.memory_space<vmem_shared>>
      tpu.wait_indirect_dma semaphore(%arg22 : memref<!tpu.dma_semaphore, #tpu.memory_space<semaphore_mem>>) src(%arg14 : memref<80x128xf32, #tpu.memory_space<vmem>>) dst(%dma_wait3A_184 : memref<10000x128xf32, #tpu.memory_space<vmem_shared>>)
      %mul3A_185 = arith.constant 3 : i32
      %mul3A_186 = arith.muli %mul3A_185, %add3A_181 : i32
      %add3A_187 = arith.constant 0 : i32
      %add3A_188 = arith.addi %mul3A_186, %add3A_187 : i32
      %add3A_189 = arith.constant 2 : i32
      %add3A_190 = arith.addi %add3A_188, %add3A_189 : i32
      %mul3A_191 = arith.constant 80 : i32
      %mul3A_192 = arith.muli %add3A_190, %mul3A_191 : i32
      %add3A_193 = arith.addi %mul3A_13, %mul3A_192 : i32
      %dma_start3A_194 = tpu.memref_slice %arg3[%add3A_193] : memref<320000xi32, #tpu.memory_space<hbm>> -> memref<80xi32, #tpu.memory_space<hbm>>
      %dma_start3A_195 = tpu.memref_slice %arg3[%add3A_193] : memref<320000xi32, #tpu.memory_space<hbm>> -> memref<80xi32, #tpu.memory_space<hbm>>
      tpu.enqueue_dma source(%dma_start3A_195 : memref<80xi32, #tpu.memory_space<hbm>>) target(%arg8 : memref<80xi32, #tpu.memory_space<vmem>>) target_semaphore(%arg25 : memref<!tpu.dma_semaphore, #tpu.memory_space<semaphore_mem>>)
      %dma_start3A_196 = tpu.memref_slice %arg4[%add3A_193] : memref<320000xi32, #tpu.memory_space<hbm>> -> memref<80xi32, #tpu.memory_space<hbm>>
      %dma_start3A_197 = tpu.memref_slice %arg4[%add3A_193] : memref<320000xi32, #tpu.memory_space<hbm>> -> memref<80xi32, #tpu.memory_space<hbm>>
      tpu.enqueue_dma source(%dma_start3A_197 : memref<80xi32, #tpu.memory_space<hbm>>) target(%arg11 : memref<80xi32, #tpu.memory_space<vmem>>) target_semaphore(%arg25 : memref<!tpu.dma_semaphore, #tpu.memory_space<semaphore_mem>>)
      %mul3A_198 = arith.constant 3 : i32
      %mul3A_199 = arith.muli %mul3A_198, %add3A_181 : i32
      %add3A_200 = arith.constant 0 : i32
      %add3A_201 = arith.addi %mul3A_199, %add3A_200 : i32
      %add3A_202 = arith.constant 1 : i32
      %add3A_203 = arith.addi %add3A_201, %add3A_202 : i32
      %mul3A_204 = arith.constant 80 : i32
      %mul3A_205 = arith.muli %add3A_203, %mul3A_204 : i32
      %add3A_206 = arith.addi %mul3A_13, %mul3A_205 : i32
      %dma_wait3A_207 = tpu.memref_slice %arg3[%add3A_206] : memref<320000xi32, #tpu.memory_space<hbm>> -> memref<80xi32, #tpu.memory_space<hbm>>
      %dma_wait3A_208 = tpu.memref_slice %arg3[%add3A_206] : memref<320000xi32, #tpu.memory_space<hbm>> -> memref<80xi32, #tpu.memory_space<hbm>>
      tpu.wait_dma2 semaphore(%arg24 : memref<!tpu.dma_semaphore, #tpu.memory_space<semaphore_mem>>) src(%dma_wait3A_208 : memref<80xi32, #tpu.memory_space<hbm>>) dst(%arg7 : memref<80xi32, #tpu.memory_space<vmem>>)
      %dma_wait3A_209 = tpu.memref_slice %arg4[%add3A_206] : memref<320000xi32, #tpu.memory_space<hbm>> -> memref<80xi32, #tpu.memory_space<hbm>>
      %dma_wait3A_210 = tpu.memref_slice %arg4[%add3A_206] : memref<320000xi32, #tpu.memory_space<hbm>> -> memref<80xi32, #tpu.memory_space<hbm>>
      tpu.wait_dma2 semaphore(%arg24 : memref<!tpu.dma_semaphore, #tpu.memory_space<semaphore_mem>>) src(%dma_wait3A_210 : memref<80xi32, #tpu.memory_space<hbm>>) dst(%arg10 : memref<80xi32, #tpu.memory_space<vmem>>)
      %dma_start3A_211 = arith.constant 0 : i32
      %dma_start3A_212 = arith.constant 0 : i32
      %dma_start3A_213 = tpu.memref_slice %arg2[%dma_start3A_211, %dma_start3A_212] : memref<10000x128xf32, #tpu.memory_space<hbm>> -> memref<10000x128xf32, #tpu.memory_space<hbm>>
      tpu.enqueue_indirect_dma source(%dma_start3A_213 : memref<10000x128xf32, #tpu.memory_space<hbm>>) target(%arg13 : memref<80x128xf32, #tpu.memory_space<vmem>>) offsets(%arg7 : memref<80xi32, #tpu.memory_space<vmem>>) semaphore(%arg18 : memref<!tpu.dma_semaphore, #tpu.memory_space<semaphore_mem>>)
      %dma_wait3A_214 = arith.constant 0 : i32
      %dma_wait3A_215 = arith.constant 0 : i32
      %dma_wait3A_216 = tpu.memref_slice %arg2[%dma_wait3A_214, %dma_wait3A_215] : memref<10000x128xf32, #tpu.memory_space<hbm>> -> memref<10000x128xf32, #tpu.memory_space<hbm>>
      tpu.wait_indirect_dma semaphore(%arg17 : memref<!tpu.dma_semaphore, #tpu.memory_space<semaphore_mem>>) src(%dma_wait3A_216 : memref<10000x128xf32, #tpu.memory_space<hbm>>) dst(%arg12 : memref<80x128xf32, #tpu.memory_space<vmem>>)
      %dma_start3A_217 = arith.constant 0 : i32
      %dma_start3A_218 = arith.constant 0 : i32
      %dma_start3A_219 = tpu.memref_slice %arg16[%dma_start3A_217, %dma_start3A_218] : memref<10000x128xf32, #tpu.memory_space<vmem_shared>> -> memref<10000x128xf32, #tpu.memory_space<vmem_shared>>
      tpu.enqueue_indirect_dma source(%arg12 : memref<80x128xf32, #tpu.memory_space<vmem>>) target(%dma_start3A_219 : memref<10000x128xf32, #tpu.memory_space<vmem_shared>>) offsets(%arg9 : memref<80xi32, #tpu.memory_space<vmem>>) semaphore(%arg20 : memref<!tpu.dma_semaphore, #tpu.memory_space<semaphore_mem>>) {add = true}
      %dma_wait3A_220 = arith.constant 0 : i32
      %dma_wait3A_221 = arith.constant 0 : i32
      %dma_wait3A_222 = tpu.memref_slice %arg16[%dma_wait3A_220, %dma_wait3A_221] : memref<10000x128xf32, #tpu.memory_space<vmem_shared>> -> memref<10000x128xf32, #tpu.memory_space<vmem_shared>>
      tpu.wait_indirect_dma semaphore(%arg20 : memref<!tpu.dma_semaphore, #tpu.memory_space<semaphore_mem>>) src(%arg12 : memref<80x128xf32, #tpu.memory_space<vmem>>) dst(%dma_wait3A_222 : memref<10000x128xf32, #tpu.memory_space<vmem_shared>>)
      %mul3A_223 = arith.constant 3 : i32
      %mul3A_224 = arith.muli %mul3A_223, %add3A_181 : i32
      %add3A_225 = arith.constant 1 : i32
      %add3A_226 = arith.addi %mul3A_224, %add3A_225 : i32
      %add3A_227 = arith.constant 2 : i32
      %add3A_228 = arith.addi %add3A_226, %add3A_227 : i32
      %mul3A_229 = arith.constant 80 : i32
      %mul3A_230 = arith.muli %add3A_228, %mul3A_229 : i32
      %add3A_231 = arith.addi %mul3A_13, %mul3A_230 : i32
      %dma_start3A_232 = tpu.memref_slice %arg3[%add3A_231] : memref<320000xi32, #tpu.memory_space<hbm>> -> memref<80xi32, #tpu.memory_space<hbm>>
      %dma_start3A_233 = tpu.memref_slice %arg3[%add3A_231] : memref<320000xi32, #tpu.memory_space<hbm>> -> memref<80xi32, #tpu.memory_space<hbm>>
      tpu.enqueue_dma source(%dma_start3A_233 : memref<80xi32, #tpu.memory_space<hbm>>) target(%arg6 : memref<80xi32, #tpu.memory_space<vmem>>) target_semaphore(%arg23 : memref<!tpu.dma_semaphore, #tpu.memory_space<semaphore_mem>>)
      %dma_start3A_234 = tpu.memref_slice %arg4[%add3A_231] : memref<320000xi32, #tpu.memory_space<hbm>> -> memref<80xi32, #tpu.memory_space<hbm>>
      %dma_start3A_235 = tpu.memref_slice %arg4[%add3A_231] : memref<320000xi32, #tpu.memory_space<hbm>> -> memref<80xi32, #tpu.memory_space<hbm>>
      tpu.enqueue_dma source(%dma_start3A_235 : memref<80xi32, #tpu.memory_space<hbm>>) target(%arg9 : memref<80xi32, #tpu.memory_space<vmem>>) target_semaphore(%arg23 : memref<!tpu.dma_semaphore, #tpu.memory_space<semaphore_mem>>)
      %mul3A_236 = arith.constant 3 : i32
      %mul3A_237 = arith.muli %mul3A_236, %add3A_181 : i32
      %add3A_238 = arith.constant 1 : i32
      %add3A_239 = arith.addi %mul3A_237, %add3A_238 : i32
      %add3A_240 = arith.constant 1 : i32
      %add3A_241 = arith.addi %add3A_239, %add3A_240 : i32
      %mul3A_242 = arith.constant 80 : i32
      %mul3A_243 = arith.muli %add3A_241, %mul3A_242 : i32
      %add3A_244 = arith.addi %mul3A_13, %mul3A_243 : i32
      %dma_wait3A_245 = tpu.memref_slice %arg3[%add3A_244] : memref<320000xi32, #tpu.memory_space<hbm>> -> memref<80xi32, #tpu.memory_space<hbm>>
      %dma_wait3A_246 = tpu.memref_slice %arg3[%add3A_244] : memref<320000xi32, #tpu.memory_space<hbm>> -> memref<80xi32, #tpu.memory_space<hbm>>
      tpu.wait_dma2 semaphore(%arg25 : memref<!tpu.dma_semaphore, #tpu.memory_space<semaphore_mem>>) src(%dma_wait3A_246 : memref<80xi32, #tpu.memory_space<hbm>>) dst(%arg8 : memref<80xi32, #tpu.memory_space<vmem>>)
      %dma_wait3A_247 = tpu.memref_slice %arg4[%add3A_244] : memref<320000xi32, #tpu.memory_space<hbm>> -> memref<80xi32, #tpu.memory_space<hbm>>
      %dma_wait3A_248 = tpu.memref_slice %arg4[%add3A_244] : memref<320000xi32, #tpu.memory_space<hbm>> -> memref<80xi32, #tpu.memory_space<hbm>>
      tpu.wait_dma2 semaphore(%arg25 : memref<!tpu.dma_semaphore, #tpu.memory_space<semaphore_mem>>) src(%dma_wait3A_248 : memref<80xi32, #tpu.memory_space<hbm>>) dst(%arg11 : memref<80xi32, #tpu.memory_space<vmem>>)
      %dma_start3A_249 = arith.constant 0 : i32
      %dma_start3A_250 = arith.constant 0 : i32
      %dma_start3A_251 = tpu.memref_slice %arg2[%dma_start3A_249, %dma_start3A_250] : memref<10000x128xf32, #tpu.memory_space<hbm>> -> memref<10000x128xf32, #tpu.memory_space<hbm>>
      tpu.enqueue_indirect_dma source(%dma_start3A_251 : memref<10000x128xf32, #tpu.memory_space<hbm>>) target(%arg14 : memref<80x128xf32, #tpu.memory_space<vmem>>) offsets(%arg8 : memref<80xi32, #tpu.memory_space<vmem>>) semaphore(%arg19 : memref<!tpu.dma_semaphore, #tpu.memory_space<semaphore_mem>>)
      %dma_wait3A_252 = arith.constant 0 : i32
      %dma_wait3A_253 = arith.constant 0 : i32
      %dma_wait3A_254 = tpu.memref_slice %arg2[%dma_wait3A_252, %dma_wait3A_253] : memref<10000x128xf32, #tpu.memory_space<hbm>> -> memref<10000x128xf32, #tpu.memory_space<hbm>>
      tpu.wait_indirect_dma semaphore(%arg18 : memref<!tpu.dma_semaphore, #tpu.memory_space<semaphore_mem>>) src(%dma_wait3A_254 : memref<10000x128xf32, #tpu.memory_space<hbm>>) dst(%arg13 : memref<80x128xf32, #tpu.memory_space<vmem>>)
      %dma_start3A_255 = arith.constant 0 : i32
      %dma_start3A_256 = arith.constant 0 : i32
      %dma_start3A_257 = tpu.memref_slice %arg16[%dma_start3A_255, %dma_start3A_256] : memref<10000x128xf32, #tpu.memory_space<vmem_shared>> -> memref<10000x128xf32, #tpu.memory_space<vmem_shared>>
      tpu.enqueue_indirect_dma source(%arg13 : memref<80x128xf32, #tpu.memory_space<vmem>>) target(%dma_start3A_257 : memref<10000x128xf32, #tpu.memory_space<vmem_shared>>) offsets(%arg10 : memref<80xi32, #tpu.memory_space<vmem>>) semaphore(%arg21 : memref<!tpu.dma_semaphore, #tpu.memory_space<semaphore_mem>>) {add = true}
      %dma_wait3A_258 = arith.constant 0 : i32
      %dma_wait3A_259 = arith.constant 0 : i32
      %dma_wait3A_260 = tpu.memref_slice %arg16[%dma_wait3A_258, %dma_wait3A_259] : memref<10000x128xf32, #tpu.memory_space<vmem_shared>> -> memref<10000x128xf32, #tpu.memory_space<vmem_shared>>
      tpu.wait_indirect_dma semaphore(%arg21 : memref<!tpu.dma_semaphore, #tpu.memory_space<semaphore_mem>>) src(%arg13 : memref<80x128xf32, #tpu.memory_space<vmem>>) dst(%dma_wait3A_260 : memref<10000x128xf32, #tpu.memory_space<vmem_shared>>)
      %mul3A_261 = arith.constant 3 : i32
      %mul3A_262 = arith.muli %mul3A_261, %add3A_181 : i32
      %add3A_263 = arith.constant 2 : i32
      %add3A_264 = arith.addi %mul3A_262, %add3A_263 : i32
      %add3A_265 = arith.constant 2 : i32
      %add3A_266 = arith.addi %add3A_264, %add3A_265 : i32
      %mul3A_267 = arith.constant 80 : i32
      %mul3A_268 = arith.muli %add3A_266, %mul3A_267 : i32
      %add3A_269 = arith.addi %mul3A_13, %mul3A_268 : i32
      %dma_start3A_270 = tpu.memref_slice %arg3[%add3A_269] : memref<320000xi32, #tpu.memory_space<hbm>> -> memref<80xi32, #tpu.memory_space<hbm>>
      %dma_start3A_271 = tpu.memref_slice %arg3[%add3A_269] : memref<320000xi32, #tpu.memory_space<hbm>> -> memref<80xi32, #tpu.memory_space<hbm>>
      tpu.enqueue_dma source(%dma_start3A_271 : memref<80xi32, #tpu.memory_space<hbm>>) target(%arg7 : memref<80xi32, #tpu.memory_space<vmem>>) target_semaphore(%arg24 : memref<!tpu.dma_semaphore, #tpu.memory_space<semaphore_mem>>)
      %dma_start3A_272 = tpu.memref_slice %arg4[%add3A_269] : memref<320000xi32, #tpu.memory_space<hbm>> -> memref<80xi32, #tpu.memory_space<hbm>>
      %dma_start3A_273 = tpu.memref_slice %arg4[%add3A_269] : memref<320000xi32, #tpu.memory_space<hbm>> -> memref<80xi32, #tpu.memory_space<hbm>>
      tpu.enqueue_dma source(%dma_start3A_273 : memref<80xi32, #tpu.memory_space<hbm>>) target(%arg10 : memref<80xi32, #tpu.memory_space<vmem>>) target_semaphore(%arg24 : memref<!tpu.dma_semaphore, #tpu.memory_space<semaphore_mem>>)
      %mul3A_274 = arith.constant 3 : i32
      %mul3A_275 = arith.muli %mul3A_274, %add3A_181 : i32
      %add3A_276 = arith.constant 2 : i32
      %add3A_277 = arith.addi %mul3A_275, %add3A_276 : i32
      %add3A_278 = arith.constant 1 : i32
      %add3A_279 = arith.addi %add3A_277, %add3A_278 : i32
      %mul3A_280 = arith.constant 80 : i32
      %mul3A_281 = arith.muli %add3A_279, %mul3A_280 : i32
      %add3A_282 = arith.addi %mul3A_13, %mul3A_281 : i32
      %dma_wait3A_283 = tpu.memref_slice %arg3[%add3A_282] : memref<320000xi32, #tpu.memory_space<hbm>> -> memref<80xi32, #tpu.memory_space<hbm>>
      %dma_wait3A_284 = tpu.memref_slice %arg3[%add3A_282] : memref<320000xi32, #tpu.memory_space<hbm>> -> memref<80xi32, #tpu.memory_space<hbm>>
      tpu.wait_dma2 semaphore(%arg23 : memref<!tpu.dma_semaphore, #tpu.memory_space<semaphore_mem>>) src(%dma_wait3A_284 : memref<80xi32, #tpu.memory_space<hbm>>) dst(%arg6 : memref<80xi32, #tpu.memory_space<vmem>>)
      %dma_wait3A_285 = tpu.memref_slice %arg4[%add3A_282] : memref<320000xi32, #tpu.memory_space<hbm>> -> memref<80xi32, #tpu.memory_space<hbm>>
      %dma_wait3A_286 = tpu.memref_slice %arg4[%add3A_282] : memref<320000xi32, #tpu.memory_space<hbm>> -> memref<80xi32, #tpu.memory_space<hbm>>
      tpu.wait_dma2 semaphore(%arg23 : memref<!tpu.dma_semaphore, #tpu.memory_space<semaphore_mem>>) src(%dma_wait3A_286 : memref<80xi32, #tpu.memory_space<hbm>>) dst(%arg9 : memref<80xi32, #tpu.memory_space<vmem>>)
      %dma_start3A_287 = arith.constant 0 : i32
      %dma_start3A_288 = arith.constant 0 : i32
      %dma_start3A_289 = tpu.memref_slice %arg2[%dma_start3A_287, %dma_start3A_288] : memref<10000x128xf32, #tpu.memory_space<hbm>> -> memref<10000x128xf32, #tpu.memory_space<hbm>>
      tpu.enqueue_indirect_dma source(%dma_start3A_289 : memref<10000x128xf32, #tpu.memory_space<hbm>>) target(%arg12 : memref<80x128xf32, #tpu.memory_space<vmem>>) offsets(%arg6 : memref<80xi32, #tpu.memory_space<vmem>>) semaphore(%arg17 : memref<!tpu.dma_semaphore, #tpu.memory_space<semaphore_mem>>)
      %dma_wait3A_290 = arith.constant 0 : i32
      %dma_wait3A_291 = arith.constant 0 : i32
      %dma_wait3A_292 = tpu.memref_slice %arg2[%dma_wait3A_290, %dma_wait3A_291] : memref<10000x128xf32, #tpu.memory_space<hbm>> -> memref<10000x128xf32, #tpu.memory_space<hbm>>
      tpu.wait_indirect_dma semaphore(%arg19 : memref<!tpu.dma_semaphore, #tpu.memory_space<semaphore_mem>>) src(%dma_wait3A_292 : memref<10000x128xf32, #tpu.memory_space<hbm>>) dst(%arg14 : memref<80x128xf32, #tpu.memory_space<vmem>>)
      %dma_start3A_293 = arith.constant 0 : i32
      %dma_start3A_294 = arith.constant 0 : i32
      %dma_start3A_295 = tpu.memref_slice %arg16[%dma_start3A_293, %dma_start3A_294] : memref<10000x128xf32, #tpu.memory_space<vmem_shared>> -> memref<10000x128xf32, #tpu.memory_space<vmem_shared>>
      tpu.enqueue_indirect_dma source(%arg14 : memref<80x128xf32, #tpu.memory_space<vmem>>) target(%dma_start3A_295 : memref<10000x128xf32, #tpu.memory_space<vmem_shared>>) offsets(%arg11 : memref<80xi32, #tpu.memory_space<vmem>>) semaphore(%arg22 : memref<!tpu.dma_semaphore, #tpu.memory_space<semaphore_mem>>) {add = true}
    }
    %scan3A_134 = arith.constant 40 : i32
    %dma_wait3A_135 = arith.constant 0 : i32
    %dma_wait3A_136 = arith.constant 0 : i32
    %dma_wait3A_137 = tpu.memref_slice %arg16[%dma_wait3A_135, %dma_wait3A_136] : memref<10000x128xf32, #tpu.memory_space<vmem_shared>> -> memref<10000x128xf32, #tpu.memory_space<vmem_shared>>
    tpu.wait_indirect_dma semaphore(%arg22 : memref<!tpu.dma_semaphore, #tpu.memory_space<semaphore_mem>>) src(%arg14 : memref<80x128xf32, #tpu.memory_space<vmem>>) dst(%dma_wait3A_137 : memref<10000x128xf32, #tpu.memory_space<vmem_shared>>)
    %add3A_138 = arith.constant 9920 : i32
    %add3A_139 = arith.addi %mul3A_13, %add3A_138 : i32
    %dma_wait3A_140 = tpu.memref_slice %arg3[%add3A_139] : memref<320000xi32, #tpu.memory_space<hbm>> -> memref<80xi32, #tpu.memory_space<hbm>>
    %dma_wait3A_141 = tpu.memref_slice %arg3[%add3A_139] : memref<320000xi32, #tpu.memory_space<hbm>> -> memref<80xi32, #tpu.memory_space<hbm>>
    tpu.wait_dma2 semaphore(%arg24 : memref<!tpu.dma_semaphore, #tpu.memory_space<semaphore_mem>>) src(%dma_wait3A_141 : memref<80xi32, #tpu.memory_space<hbm>>) dst(%arg7 : memref<80xi32, #tpu.memory_space<vmem>>)
    %add3A_142 = arith.constant 9920 : i32
    %add3A_143 = arith.addi %mul3A_13, %add3A_142 : i32
    %dma_wait3A_144 = tpu.memref_slice %arg4[%add3A_143] : memref<320000xi32, #tpu.memory_space<hbm>> -> memref<80xi32, #tpu.memory_space<hbm>>
    %dma_wait3A_145 = tpu.memref_slice %arg4[%add3A_143] : memref<320000xi32, #tpu.memory_space<hbm>> -> memref<80xi32, #tpu.memory_space<hbm>>
    tpu.wait_dma2 semaphore(%arg24 : memref<!tpu.dma_semaphore, #tpu.memory_space<semaphore_mem>>) src(%dma_wait3A_145 : memref<80xi32, #tpu.memory_space<hbm>>) dst(%arg10 : memref<80xi32, #tpu.memory_space<vmem>>)
    %dma_start3A_146 = arith.constant 0 : i32
    %dma_start3A_147 = arith.constant 0 : i32
    %dma_start3A_148 = tpu.memref_slice %arg2[%dma_start3A_146, %dma_start3A_147] : memref<10000x128xf32, #tpu.memory_space<hbm>> -> memref<10000x128xf32, #tpu.memory_space<hbm>>
    tpu.enqueue_indirect_dma source(%dma_start3A_148 : memref<10000x128xf32, #tpu.memory_space<hbm>>) target(%arg13 : memref<80x128xf32, #tpu.memory_space<vmem>>) offsets(%arg7 : memref<80xi32, #tpu.memory_space<vmem>>) semaphore(%arg18 : memref<!tpu.dma_semaphore, #tpu.memory_space<semaphore_mem>>)
    %dma_wait3A_149 = arith.constant 0 : i32
    %dma_wait3A_150 = arith.constant 0 : i32
    %dma_wait3A_151 = tpu.memref_slice %arg2[%dma_wait3A_149, %dma_wait3A_150] : memref<10000x128xf32, #tpu.memory_space<hbm>> -> memref<10000x128xf32, #tpu.memory_space<hbm>>
    tpu.wait_indirect_dma semaphore(%arg17 : memref<!tpu.dma_semaphore, #tpu.memory_space<semaphore_mem>>) src(%dma_wait3A_151 : memref<10000x128xf32, #tpu.memory_space<hbm>>) dst(%arg12 : memref<80x128xf32, #tpu.memory_space<vmem>>)
    %dma_start3A_152 = arith.constant 0 : i32
    %dma_start3A_153 = arith.constant 0 : i32
    %dma_start3A_154 = tpu.memref_slice %arg16[%dma_start3A_152, %dma_start3A_153] : memref<10000x128xf32, #tpu.memory_space<vmem_shared>> -> memref<10000x128xf32, #tpu.memory_space<vmem_shared>>
    tpu.enqueue_indirect_dma source(%arg12 : memref<80x128xf32, #tpu.memory_space<vmem>>) target(%dma_start3A_154 : memref<10000x128xf32, #tpu.memory_space<vmem_shared>>) offsets(%arg9 : memref<80xi32, #tpu.memory_space<vmem>>) semaphore(%arg20 : memref<!tpu.dma_semaphore, #tpu.memory_space<semaphore_mem>>) {add = true}
    %dma_wait3A_155 = arith.constant 0 : i32
    %dma_wait3A_156 = arith.constant 0 : i32
    %dma_wait3A_157 = tpu.memref_slice %arg16[%dma_wait3A_155, %dma_wait3A_156] : memref<10000x128xf32, #tpu.memory_space<vmem_shared>> -> memref<10000x128xf32, #tpu.memory_space<vmem_shared>>
    tpu.wait_indirect_dma semaphore(%arg20 : memref<!tpu.dma_semaphore, #tpu.memory_space<semaphore_mem>>) src(%arg12 : memref<80x128xf32, #tpu.memory_space<vmem>>) dst(%dma_wait3A_157 : memref<10000x128xf32, #tpu.memory_space<vmem_shared>>)
    %dma_wait3A_158 = arith.constant 0 : i32
    %dma_wait3A_159 = arith.constant 0 : i32
    %dma_wait3A_160 = tpu.memref_slice %arg2[%dma_wait3A_158, %dma_wait3A_159] : memref<10000x128xf32, #tpu.memory_space<hbm>> -> memref<10000x128xf32, #tpu.memory_space<hbm>>
    tpu.wait_indirect_dma semaphore(%arg18 : memref<!tpu.dma_semaphore, #tpu.memory_space<semaphore_mem>>) src(%dma_wait3A_160 : memref<10000x128xf32, #tpu.memory_space<hbm>>) dst(%arg13 : memref<80x128xf32, #tpu.memory_space<vmem>>)
    %dma_start3A_161 = arith.constant 0 : i32
    %dma_start3A_162 = arith.constant 0 : i32
    %dma_start3A_163 = tpu.memref_slice %arg16[%dma_start3A_161, %dma_start3A_162] : memref<10000x128xf32, #tpu.memory_space<vmem_shared>> -> memref<10000x128xf32, #tpu.memory_space<vmem_shared>>
    tpu.enqueue_indirect_dma source(%arg13 : memref<80x128xf32, #tpu.memory_space<vmem>>) target(%dma_start3A_163 : memref<10000x128xf32, #tpu.memory_space<vmem_shared>>) offsets(%arg10 : memref<80xi32, #tpu.memory_space<vmem>>) semaphore(%arg21 : memref<!tpu.dma_semaphore, #tpu.memory_space<semaphore_mem>>) {add = true}
    %dma_wait3A_164 = arith.constant 0 : i32
    %dma_wait3A_165 = arith.constant 0 : i32
    %dma_wait3A_166 = tpu.memref_slice %arg16[%dma_wait3A_164, %dma_wait3A_165] : memref<10000x128xf32, #tpu.memory_space<vmem_shared>> -> memref<10000x128xf32, #tpu.memory_space<vmem_shared>>
    tpu.wait_indirect_dma semaphore(%arg21 : memref<!tpu.dma_semaphore, #tpu.memory_space<semaphore_mem>>) src(%arg13 : memref<80x128xf32, #tpu.memory_space<vmem>>) dst(%dma_wait3A_166 : memref<10000x128xf32, #tpu.memory_space<vmem_shared>>)
    %barrier3A_167 = arith.constant 0 : index
    tpu.barrier barrier_id(%barrier3A_167)
    %mul3A_168 = arith.constant 624 : i32
    %mul3A_169 = arith.muli %arg1, %mul3A_168 : i32
    %mul3A_170 = arith.constant 624 : i32
    %mul3A_171 = arith.muli %arg1, %mul3A_170 : i32
    "tpu.region"() ({
      %run_scoped3A = tpu.sem_alloc : memref<!tpu.dma_semaphore, #tpu.memory_space<semaphore_mem>>
      %dma_start3A_177 = arith.constant 0 : i32
      %dma_start3A_178 = tpu.memref_slice %arg5[%arg0, %mul3A_171, %dma_start3A_177] : memref<2x10000x128xf32, #tpu.memory_space<hbm>> -> memref<1x624x128xf32, #tpu.memory_space<hbm>>
      %dma_start3A_179 = tpu.memref_squeeze %dma_start3A_178 : memref<1x624x128xf32, #tpu.memory_space<hbm>> -> memref<624x128xf32, #tpu.memory_space<hbm>>
      %dma_start3A_180 = arith.constant 0 : i32
      %dma_start3A_181 = tpu.memref_slice %arg16[%mul3A_169, %dma_start3A_180] : memref<10000x128xf32, #tpu.memory_space<vmem_shared>> -> memref<624x128xf32, #tpu.memory_space<vmem_shared>>
      tpu.enqueue_dma source(%dma_start3A_181 : memref<624x128xf32, #tpu.memory_space<vmem_shared>>) target(%dma_start3A_179 : memref<624x128xf32, #tpu.memory_space<hbm>>) target_semaphore(%run_scoped3A : memref<!tpu.dma_semaphore, #tpu.memory_space<semaphore_mem>>)
      %dma_wait3A_182 = arith.constant 0 : i32
      %dma_wait3A_183 = tpu.memref_slice %arg5[%arg0, %mul3A_171, %dma_wait3A_182] : memref<2x10000x128xf32, #tpu.memory_space<hbm>> -> memref<1x624x128xf32, #tpu.memory_space<hbm>>
      %dma_wait3A_184 = tpu.memref_squeeze %dma_wait3A_183 : memref<1x624x128xf32, #tpu.memory_space<hbm>> -> memref<624x128xf32, #tpu.memory_space<hbm>>
      %dma_wait3A_185 = arith.constant 0 : i32
      %dma_wait3A_186 = tpu.memref_slice %arg16[%mul3A_169, %dma_wait3A_185] : memref<10000x128xf32, #tpu.memory_space<vmem_shared>> -> memref<624x128xf32, #tpu.memory_space<vmem_shared>>
      tpu.wait_dma2 semaphore(%run_scoped3A : memref<!tpu.dma_semaphore, #tpu.memory_space<semaphore_mem>>) src(%dma_wait3A_186 : memref<624x128xf32, #tpu.memory_space<vmem_shared>>) dst(%dma_wait3A_184 : memref<624x128xf32, #tpu.memory_space<hbm>>)
      tpu.yield
    }) : () -> ()
    %eq3A_172 = arith.constant 0 : i32
    %eq3A_173 = arith.cmpi eq, %arg1, %eq3A_172 : i32
    %convert_element_type3A_174 = arith.extui %eq3A_173 : i1 to i32
    %cond3A_175 = arith.constant 0 : i32
    %cond3A_176 = arith.cmpi ne, %convert_element_type3A_174, %cond3A_175 : i32
    scf.if %cond3A_176 {
      "tpu.region"() ({
        %run_scoped3A = tpu.sem_alloc : memref<!tpu.dma_semaphore, #tpu.memory_space<semaphore_mem>>
        %dma_start3A_177 = arith.constant 9984 : i32
        %dma_start3A_178 = arith.constant 0 : i32
        %dma_start3A_179 = tpu.memref_slice %arg5[%arg0, %dma_start3A_177, %dma_start3A_178] : memref<2x10000x128xf32, #tpu.memory_space<hbm>> -> memref<1x16x128xf32, #tpu.memory_space<hbm>>
        %dma_start3A_180 = tpu.memref_squeeze %dma_start3A_179 : memref<1x16x128xf32, #tpu.memory_space<hbm>> -> memref<16x128xf32, #tpu.memory_space<hbm>>
        %dma_start3A_181 = arith.constant 9984 : i32
        %dma_start3A_182 = arith.constant 0 : i32
        %dma_start3A_183 = tpu.memref_slice %arg16[%dma_start3A_181, %dma_start3A_182] : memref<10000x128xf32, #tpu.memory_space<vmem_shared>> -> memref<16x128xf32, #tpu.memory_space<vmem_shared>>
        tpu.enqueue_dma source(%dma_start3A_183 : memref<16x128xf32, #tpu.memory_space<vmem_shared>>) target(%dma_start3A_180 : memref<16x128xf32, #tpu.memory_space<hbm>>) target_semaphore(%run_scoped3A : memref<!tpu.dma_semaphore, #tpu.memory_space<semaphore_mem>>)
        %dma_wait3A_184 = arith.constant 9984 : i32
        %dma_wait3A_185 = arith.constant 0 : i32
        %dma_wait3A_186 = tpu.memref_slice %arg5[%arg0, %dma_wait3A_184, %dma_wait3A_185] : memref<2x10000x128xf32, #tpu.memory_space<hbm>> -> memref<1x16x128xf32, #tpu.memory_space<hbm>>
        %dma_wait3A_187 = tpu.memref_squeeze %dma_wait3A_186 : memref<1x16x128xf32, #tpu.memory_space<hbm>> -> memref<16x128xf32, #tpu.memory_space<hbm>>
        %dma_wait3A_188 = arith.constant 9984 : i32
        %dma_wait3A_189 = arith.constant 0 : i32
        %dma_wait3A_190 = tpu.memref_slice %arg16[%dma_wait3A_188, %dma_wait3A_189] : memref<10000x128xf32, #tpu.memory_space<vmem_shared>> -> memref<16x128xf32, #tpu.memory_space<vmem_shared>>
        tpu.wait_dma2 semaphore(%run_scoped3A : memref<!tpu.dma_semaphore, #tpu.memory_space<semaphore_mem>>) src(%dma_wait3A_190 : memref<16x128xf32, #tpu.memory_space<vmem_shared>>) dst(%dma_wait3A_187 : memref<16x128xf32, #tpu.memory_space<hbm>>)
        tpu.yield
      }) : () -> ()
    } else {
    }
    return
  }
}

module attributes {stable_mosaic.version = 14 : i64} {
  func.func @body(%arg0: i32, %arg1: memref<1x2000x128xf32, #tpu.memory_space<vmem>>, %arg2: memref<1x2000x128xf32, #tpu.memory_space<vmem>>, %arg3: memref<2000x128xf32, #tpu.memory_space<vmem>>, %arg4: memref<128x128xf32, #tpu.memory_space<vmem>>, %arg5: memref<2000x128xf32, #tpu.memory_space<vmem>>) attributes {dimension_semantics = [#tpu.dimension_semantics<arbitrary>], iteration_bounds = array<i64: 5>, scalar_prefetch = 0 : i64, scratch_operands = 0 : i64, tpu.core_type = #tpu.core_type<tc>, window_params = [{transform_indices = @transform_0, window_bounds = array<i64: 1, 2000, 128>}, {transform_indices = @transform_1, window_bounds = array<i64: 1, 2000, 128>}, {transform_indices = @transform_2, window_bounds = array<i64: 2000, 128>}, {pipeline_mode = #tpu.pipeline_mode<synchronous>, transform_indices = @transform_3, window_bounds = array<i64: 128, 128>}, {transform_indices = @transform_4, window_bounds = array<i64: 2000, 128>}]} {
    %get3A = arith.constant 0 : index
    %get3A_0 = arith.constant 0 : index
    %get3A_1 = arith.constant 0 : index
    %get3A_2 = vector.load %arg1[%get3A, %get3A_0, %get3A_1] : memref<1x2000x128xf32, #tpu.memory_space<vmem>>, vector<1x2000x128xf32>
    %get3A_3 = vector.shape_cast %get3A_2 : vector<1x2000x128xf32> to vector<2000x128xf32>
    %get3A_4 = arith.constant 0 : index
    %get3A_5 = arith.constant 0 : index
    %get3A_6 = arith.constant 0 : index
    %get3A_7 = vector.load %arg2[%get3A_4, %get3A_5, %get3A_6] : memref<1x2000x128xf32, #tpu.memory_space<vmem>>, vector<1x2000x128xf32>
    %get3A_8 = vector.shape_cast %get3A_7 : vector<1x2000x128xf32> to vector<2000x128xf32>
    %add3A = arith.addf %get3A_3, %get3A_8 : vector<2000x128xf32>
    %get3A_9 = arith.constant 0 : index
    %get3A_10 = arith.constant 0 : index
    %get3A_11 = vector.load %arg4[%get3A_9, %get3A_10] : memref<128x128xf32, #tpu.memory_space<vmem>>, vector<128x128xf32>
    %dot_general3A = arith.constant dense<0.000000e+00> : vector<2000x128xf32>
    %dot_general3A_12 = tpu.matmul %add3A, %get3A_11, %dot_general3A {dimension_numbers = #tpu.dot_dimension_numbers<[1], [0], [0], [1], [0, 0, 1, 1], [], []>, transpose_lhs_hint = false} : vector<2000x128xf32>, vector<128x128xf32>, vector<2000x128xf32> -> vector<2000x128xf32>
    %get3A_13 = arith.constant 0 : index
    %get3A_14 = arith.constant 0 : index
    %get3A_15 = vector.load %arg3[%get3A_13, %get3A_14] : memref<2000x128xf32, #tpu.memory_space<vmem>>, vector<2000x128xf32>
    %add3A_16 = arith.addf %dot_general3A_12, %get3A_15 : vector<2000x128xf32>
    %max3A = arith.constant 0.000000e+00 : f32
    %max3A_17 = vector.broadcast %max3A : f32 to vector<2000x128xf32>
    %max3A_18 = arith.maximumf %add3A_16, %max3A_17 : vector<2000x128xf32>
    %swap3A = arith.constant 0 : index
    %swap3A_19 = arith.constant 0 : index
    %swap3A_20 = vector.load %arg5[%swap3A, %swap3A_19] : memref<2000x128xf32, #tpu.memory_space<vmem>>, vector<2000x128xf32>
    tpu.vector_store %arg5[%swap3A, %swap3A_19], %max3A_18 {strides = array<i32>} : memref<2000x128xf32, #tpu.memory_space<vmem>>, vector<2000x128xf32>,
    return
  }
  func.func @transform_0(%arg0: i32) -> (i32, i32, i32) {
    %c0_i32 = arith.constant 0 : i32
    %c0_i32_0 = arith.constant 0 : i32
    %c0_i32_1 = arith.constant 0 : i32
    return %c0_i32, %arg0, %c0_i32_0 : i32, i32, i32
  }
  func.func @transform_1(%arg0: i32) -> (i32, i32, i32) {
    %c1_i32 = arith.constant 1 : i32
    %c0_i32 = arith.constant 0 : i32
    %c0_i32_0 = arith.constant 0 : i32
    return %c1_i32, %arg0, %c0_i32 : i32, i32, i32
  }
  func.func @transform_2(%arg0: i32) -> (i32, i32) {
    %c0_i32 = arith.constant 0 : i32
    %c0_i32_0 = arith.constant 0 : i32
    return %arg0, %c0_i32 : i32, i32
  }
  func.func @transform_3(%arg0: i32) -> (i32, i32) {
    %c0_i32 = arith.constant 0 : i32
    %c0_i32_0 = arith.constant 0 : i32
    %c0_i32_1 = arith.constant 0 : i32
    return %c0_i32, %c0_i32_0 : i32, i32
  }
  func.func @transform_4(%arg0: i32) -> (i32, i32) {
    %c0_i32 = arith.constant 0 : i32
    %c0_i32_0 = arith.constant 0 : i32
    return %arg0, %c0_i32 : i32, i32
  }
}

module attributes {stable_mosaic.version = 14 : i64} {
  func.func @body(%arg0: i32, %arg1: memref<2000x128xf32, #tpu.memory_space<vmem>>, %arg2: memref<128x128xf32, #tpu.memory_space<vmem>>, %arg3: memref<128x128xf32, #tpu.memory_space<vmem>>, %arg4: memref<1x128xf32, #tpu.memory_space<vmem>>, %arg5: memref<1x128xf32, #tpu.memory_space<vmem>>, %arg6: memref<128x128xf32, #tpu.memory_space<vmem>>, %arg7: memref<2000x128xf32, #tpu.memory_space<vmem>>, %arg8: memref<128x128xf32, #tpu.memory_space<vmem>>) attributes {dimension_semantics = [#tpu.dimension_semantics<arbitrary>], iteration_bounds = array<i64: 5>, scalar_prefetch = 0 : i64, scratch_operands = 0 : i64, tpu.core_type = #tpu.core_type<tc>, window_params = [{transform_indices = @transform_0, window_bounds = array<i64: 2000, 128>}, {pipeline_mode = #tpu.pipeline_mode<synchronous>, transform_indices = @transform_1, window_bounds = array<i64: 128, 128>}, {pipeline_mode = #tpu.pipeline_mode<synchronous>, transform_indices = @transform_2, window_bounds = array<i64: 128, 128>}, {pipeline_mode = #tpu.pipeline_mode<synchronous>, transform_indices = @transform_3, window_bounds = array<i64: 1, 128>}, {pipeline_mode = #tpu.pipeline_mode<synchronous>, transform_indices = @transform_4, window_bounds = array<i64: 1, 128>}, {pipeline_mode = #tpu.pipeline_mode<synchronous>, transform_indices = @transform_5, window_bounds = array<i64: 128, 128>}, {transform_indices = @transform_6, window_bounds = array<i64: 2000, 128>}, {pipeline_mode = #tpu.pipeline_mode<synchronous>, transform_indices = @transform_7, window_bounds = array<i64: 128, 128>}]} {
    %get3A = arith.constant 0 : index
    %get3A_0 = arith.constant 0 : index
    %get3A_1 = vector.load %arg1[%get3A, %get3A_0] : memref<2000x128xf32, #tpu.memory_space<vmem>>, vector<2000x128xf32>
    %get3A_2 = arith.constant 0 : index
    %get3A_3 = arith.constant 0 : index
    %get3A_4 = vector.load %arg2[%get3A_2, %get3A_3] : memref<128x128xf32, #tpu.memory_space<vmem>>, vector<128x128xf32>
    %dot_general3A = arith.constant dense<0.000000e+00> : vector<2000x128xf32>
    %dot_general3A_5 = tpu.matmul %get3A_1, %get3A_4, %dot_general3A {dimension_numbers = #tpu.dot_dimension_numbers<[1], [0], [0], [1], [0, 0, 1, 1], [], []>, transpose_lhs_hint = false} : vector<2000x128xf32>, vector<128x128xf32>, vector<2000x128xf32> -> vector<2000x128xf32>
    %get3A_6 = arith.constant 0 : index
    %get3A_7 = arith.constant 0 : index
    %get3A_8 = vector.load %arg4[%get3A_6, %get3A_7] : memref<1x128xf32, #tpu.memory_space<vmem>>, vector<1x128xf32>
    %add3A = vector.broadcast %get3A_8 : vector<1x128xf32> to vector<2000x128xf32>
    %add3A_9 = arith.addf %dot_general3A_5, %add3A : vector<2000x128xf32>
    %get3A_10 = arith.constant 0 : index
    %get3A_11 = arith.constant 0 : index
    %get3A_12 = vector.load %arg3[%get3A_10, %get3A_11] : memref<128x128xf32, #tpu.memory_space<vmem>>, vector<128x128xf32>
    %dot_general3A_13 = arith.constant dense<0.000000e+00> : vector<2000x128xf32>
    %dot_general3A_14 = tpu.matmul %add3A_9, %get3A_12, %dot_general3A_13 {dimension_numbers = #tpu.dot_dimension_numbers<[1], [0], [0], [1], [0, 0, 1, 1], [], []>, transpose_lhs_hint = false} : vector<2000x128xf32>, vector<128x128xf32>, vector<2000x128xf32> -> vector<2000x128xf32>
    %get3A_15 = arith.constant 0 : index
    %get3A_16 = arith.constant 0 : index
    %get3A_17 = vector.load %arg5[%get3A_15, %get3A_16] : memref<1x128xf32, #tpu.memory_space<vmem>>, vector<1x128xf32>
    %add3A_18 = vector.broadcast %get3A_17 : vector<1x128xf32> to vector<2000x128xf32>
    %add3A_19 = arith.addf %dot_general3A_14, %add3A_18 : vector<2000x128xf32>
    %swap3A = arith.constant 0 : index
    %swap3A_20 = arith.constant 0 : index
    %swap3A_21 = vector.load %arg7[%swap3A, %swap3A_20] : memref<2000x128xf32, #tpu.memory_space<vmem>>, vector<2000x128xf32>
    tpu.vector_store %arg7[%swap3A, %swap3A_20], %add3A_19 {strides = array<i32>} : memref<2000x128xf32, #tpu.memory_space<vmem>>, vector<2000x128xf32>,
    %eq3A = arith.constant 0 : i32
    %eq3A_22 = arith.cmpi eq, %arg0, %eq3A : i32
    %convert_element_type3A = arith.extui %eq3A_22 : i1 to i32
    %cond3A = arith.constant 0 : i32
    %cond3A_23 = arith.cmpi ne, %convert_element_type3A, %cond3A : i32
    scf.if %cond3A_23 {
      %get3A_24 = arith.constant 0 : index
      %get3A_25 = arith.constant 0 : index
      %get3A_26 = vector.load %arg6[%get3A_24, %get3A_25] : memref<128x128xf32, #tpu.memory_space<vmem>>, vector<128x128xf32>
      %get3A_27 = arith.constant 0 : index
      %get3A_28 = arith.constant 0 : index
      %get3A_29 = vector.load %arg3[%get3A_27, %get3A_28] : memref<128x128xf32, #tpu.memory_space<vmem>>, vector<128x128xf32>
      %dot_general3A_30 = arith.constant dense<0.000000e+00> : vector<128x128xf32>
      %dot_general3A_31 = tpu.matmul %get3A_26, %get3A_29, %dot_general3A_30 {dimension_numbers = #tpu.dot_dimension_numbers<[1], [0], [0], [1], [0, 0, 1, 1], [], []>, transpose_lhs_hint = false} : vector<128x128xf32>, vector<128x128xf32>, vector<128x128xf32> -> vector<128x128xf32>
      %swap3A_32 = arith.constant 0 : index
      %swap3A_33 = arith.constant 0 : index
      %swap3A_34 = vector.load %arg8[%swap3A_32, %swap3A_33] : memref<128x128xf32, #tpu.memory_space<vmem>>, vector<128x128xf32>
      tpu.vector_store %arg8[%swap3A_32, %swap3A_33], %dot_general3A_31 {strides = array<i32>} : memref<128x128xf32, #tpu.memory_space<vmem>>, vector<128x128xf32>,
    } else {
    }
    return
  }
  func.func @transform_0(%arg0: i32) -> (i32, i32) {
    %c0_i32 = arith.constant 0 : i32
    %c0_i32_0 = arith.constant 0 : i32
    return %arg0, %c0_i32 : i32, i32
  }
  func.func @transform_1(%arg0: i32) -> (i32, i32) {
    %c0_i32 = arith.constant 0 : i32
    %c0_i32_0 = arith.constant 0 : i32
    %c0_i32_1 = arith.constant 0 : i32
    return %c0_i32, %c0_i32_0 : i32, i32
  }
  func.func @transform_2(%arg0: i32) -> (i32, i32) {
    %c0_i32 = arith.constant 0 : i32
    %c0_i32_0 = arith.constant 0 : i32
    %c0_i32_1 = arith.constant 0 : i32
    return %c0_i32, %c0_i32_0 : i32, i32
  }
  func.func @transform_3(%arg0: i32) -> (i32, i32) {
    %c0_i32 = arith.constant 0 : i32
    %c0_i32_0 = arith.constant 0 : i32
    %c0_i32_1 = arith.constant 0 : i32
    return %c0_i32, %c0_i32_0 : i32, i32
  }
  func.func @transform_4(%arg0: i32) -> (i32, i32) {
    %c0_i32 = arith.constant 0 : i32
    %c0_i32_0 = arith.constant 0 : i32
    %c0_i32_1 = arith.constant 0 : i32
    return %c0_i32, %c0_i32_0 : i32, i32
  }
  func.func @transform_5(%arg0: i32) -> (i32, i32) {
    %c0_i32 = arith.constant 0 : i32
    %c0_i32_0 = arith.constant 0 : i32
    %c0_i32_1 = arith.constant 0 : i32
    return %c0_i32, %c0_i32_0 : i32, i32
  }
  func.func @transform_6(%arg0: i32) -> (i32, i32) {
    %c0_i32 = arith.constant 0 : i32
    %c0_i32_0 = arith.constant 0 : i32
    return %arg0, %c0_i32 : i32, i32
  }
  func.func @transform_7(%arg0: i32) -> (i32, i32) {
    %c0_i32 = arith.constant 0 : i32
    %c0_i32_0 = arith.constant 0 : i32
    %c0_i32_1 = arith.constant 0 : i32
    return %c0_i32, %c0_i32_0 : i32, i32
  }
}

module attributes {stable_mosaic.version = 14 : i64} {
  func.func @body(%arg0: i32, %arg1: memref<1x2000x128xf32, #tpu.memory_space<vmem>>, %arg2: memref<1x2000x128xf32, #tpu.memory_space<vmem>>, %arg3: memref<2000x128xf32, #tpu.memory_space<vmem>>, %arg4: memref<128x128xf32, #tpu.memory_space<vmem>>, %arg5: memref<2000x128xf32, #tpu.memory_space<vmem>>) attributes {dimension_semantics = [#tpu.dimension_semantics<arbitrary>], iteration_bounds = array<i64: 5>, scalar_prefetch = 0 : i64, scratch_operands = 0 : i64, tpu.core_type = #tpu.core_type<tc>, window_params = [{transform_indices = @transform_0, window_bounds = array<i64: 1, 2000, 128>}, {transform_indices = @transform_1, window_bounds = array<i64: 1, 2000, 128>}, {transform_indices = @transform_2, window_bounds = array<i64: 2000, 128>}, {pipeline_mode = #tpu.pipeline_mode<synchronous>, transform_indices = @transform_3, window_bounds = array<i64: 128, 128>}, {transform_indices = @transform_4, window_bounds = array<i64: 2000, 128>}]} {
    %get3A = arith.constant 0 : index
    %get3A_0 = arith.constant 0 : index
    %get3A_1 = arith.constant 0 : index
    %get3A_2 = vector.load %arg1[%get3A, %get3A_0, %get3A_1] : memref<1x2000x128xf32, #tpu.memory_space<vmem>>, vector<1x2000x128xf32>
    %get3A_3 = vector.shape_cast %get3A_2 : vector<1x2000x128xf32> to vector<2000x128xf32>
    %get3A_4 = arith.constant 0 : index
    %get3A_5 = arith.constant 0 : index
    %get3A_6 = arith.constant 0 : index
    %get3A_7 = vector.load %arg2[%get3A_4, %get3A_5, %get3A_6] : memref<1x2000x128xf32, #tpu.memory_space<vmem>>, vector<1x2000x128xf32>
    %get3A_8 = vector.shape_cast %get3A_7 : vector<1x2000x128xf32> to vector<2000x128xf32>
    %add3A = arith.addf %get3A_3, %get3A_8 : vector<2000x128xf32>
    %get3A_9 = arith.constant 0 : index
    %get3A_10 = arith.constant 0 : index
    %get3A_11 = vector.load %arg4[%get3A_9, %get3A_10] : memref<128x128xf32, #tpu.memory_space<vmem>>, vector<128x128xf32>
    %dot_general3A = arith.constant dense<0.000000e+00> : vector<2000x128xf32>
    %dot_general3A_12 = tpu.matmul %add3A, %get3A_11, %dot_general3A {dimension_numbers = #tpu.dot_dimension_numbers<[1], [0], [0], [1], [0, 0, 1, 1], [], []>, transpose_lhs_hint = false} : vector<2000x128xf32>, vector<128x128xf32>, vector<2000x128xf32> -> vector<2000x128xf32>
    %get3A_13 = arith.constant 0 : index
    %get3A_14 = arith.constant 0 : index
    %get3A_15 = vector.load %arg3[%get3A_13, %get3A_14] : memref<2000x128xf32, #tpu.memory_space<vmem>>, vector<2000x128xf32>
    %add3A_16 = arith.addf %dot_general3A_12, %get3A_15 : vector<2000x128xf32>
    %max3A = arith.constant 0.000000e+00 : f32
    %max3A_17 = vector.broadcast %max3A : f32 to vector<2000x128xf32>
    %max3A_18 = arith.maximumf %add3A_16, %max3A_17 : vector<2000x128xf32>
    %swap3A = arith.constant 0 : index
    %swap3A_19 = arith.constant 0 : index
    %swap3A_20 = vector.load %arg5[%swap3A, %swap3A_19] : memref<2000x128xf32, #tpu.memory_space<vmem>>, vector<2000x128xf32>
    tpu.vector_store %arg5[%swap3A, %swap3A_19], %max3A_18 {strides = array<i32>} : memref<2000x128xf32, #tpu.memory_space<vmem>>, vector<2000x128xf32>,
    return
  }
  func.func @transform_0(%arg0: i32) -> (i32, i32, i32) {
    %c0_i32 = arith.constant 0 : i32
    %c0_i32_0 = arith.constant 0 : i32
    %c0_i32_1 = arith.constant 0 : i32
    return %c0_i32, %arg0, %c0_i32_0 : i32, i32, i32
  }
  func.func @transform_1(%arg0: i32) -> (i32, i32, i32) {
    %c1_i32 = arith.constant 1 : i32
    %c0_i32 = arith.constant 0 : i32
    %c0_i32_0 = arith.constant 0 : i32
    return %c1_i32, %arg0, %c0_i32 : i32, i32, i32
  }
  func.func @transform_2(%arg0: i32) -> (i32, i32) {
    %c0_i32 = arith.constant 0 : i32
    %c0_i32_0 = arith.constant 0 : i32
    return %arg0, %c0_i32 : i32, i32
  }
  func.func @transform_3(%arg0: i32) -> (i32, i32) {
    %c0_i32 = arith.constant 0 : i32
    %c0_i32_0 = arith.constant 0 : i32
    %c0_i32_1 = arith.constant 0 : i32
    return %c0_i32, %c0_i32_0 : i32, i32
  }
  func.func @transform_4(%arg0: i32) -> (i32, i32) {
    %c0_i32 = arith.constant 0 : i32
    %c0_i32_0 = arith.constant 0 : i32
    return %arg0, %c0_i32 : i32, i32
  }
}

</mosaic_0001>

<sc_bundles>
// kernel: kernel.11.cloned.1.call-start
scs
__scs_entry_jumppad:
0x0: {  	(pc) =	sbr.rel $0x88, $3  }
0x1: {  	(tag) =	ssettag $0x0;
	lr =	simm.s32 $0x1  }
0x2: {  	[smem:$0x3F95] =	sst lr;
	_ =	strace $0xD0000000  }
0x3: {  	_ = 	snop  }
0x4: {  	_ = 	snop  }
0x5: {  	_ = 	snop  }
0x6: {  	_ = 	snop  }
0x7: {  	_ = 	snop  }
__scs_overlays_trampoline_lowered:
0x8: {  	[smem:$0x3FA4] =	sst s0  }
0x9: {  	[smem:$0x3FA5] =	sst s1  }
0xa: {  	[smem:$0x3FA6] =	sst s2  }
0xb: {  	[smem:$0x3FA7] =	sst s3  }
0xc: {  	[smem:$0x3FA8] =	sst s4  }
0xd: {  	[smem:$0x3FA9] =	sst s5  }
0xe: {  	[smem:$0x3FAA] =	sst s6  }
0xf: {  	[smem:$0x3FAB] =	sst s7  }
0x10: {  	[smem:$0x3FAC] =	sst s8  }
0x11: {  	[smem:$0x3FAD] =	sst s9;
	s0 =	simm.s32 @!p0 $0x0  }
0x12: {  	s1 =	sld [smem:$0x3F93];
	s0 =	simm.s32 @p0 $0x1  }
0x13: {  	[smem:$0x3FAE] =	sst s0;
	s0 =	simm.s32 @!p1 $0x0  }
0x14: {  	s2 =	sld [smem:$0x3F92];
	s0 =	simm.s32 @p1 $0x1  }
0x15: {  	[smem:$0x3FAF] =	sst s0;
	s0 =	simm.s32 @!p2 $0x0  }
0x16: {  	s3 =	sld [smem:$0x3FDB];
	s0 =	simm.s32 @p2 $0x1  }
0x17: {  	s4 =	simm.s32 $0x1BF5;
	[smem:$0x3FB1] =	sst s0  }
0x18: {  	s0 =	sld [smem:$0x3F94];
	_ =	swait.ge [sflag:s4], $0x0  }
0x19: {  	s7 =	sld [smem:$0x3F95]  }
0x1a: {  	s8 =	sadd.s32 $0xFFFFE003, lr  }
0x1b: {  	s9 =	sadd.s32 $0xFFFFFEF7, lr;
	s5 =	simm.s32 $0xFFFFFFFF;
	p2 =	slt.u32 s8, $0xFFFFF086  }
0x1c: {  	p1 =	slt.u32 s9, $0xF7A;
	s5 =	simm.s32 @!p2 $0x0  }
0x1d: {  	s5 =	simm.s32 @p1 $0x1;
	p0 =	seq.s32 s7, s2  }
0x1e: {  	s7 =	smul.u32 @!p0 $0xF7A, s2;
	p2 =	seq.s32 @!p0 s5, $0x0  }
0x1f: {  	s9 =	smul.u32 $0xF7A, s1;
	s8 =	simm.s32 @!p0 $0x1BF5;
	p2 =	por !p2, p0  }
0x20: {  	[sflag:s8] =	ssyncset.s32 @!p0 $0xFFFFF086;
	s6 =	sadd.s32 @!p0 s3, s7;
	s7 =	simm.s32 @!p0 $0x108  }
0x21: {  	s3 =	sadd.s32 s3, s9;
	s6 =	sadd.s32 @!p0 $0x88, s6;
	s7 =	simm.s32 @p2 $0x1082  }
0x22: {  	[simem:s7], [sflag:s8] =	dma.local @!p0 [hbm:s6], $0xF7A  }
0x23: {  	s9 =	sor.u32 $0xD0000000, s2;
	s6 =	simm.s32 $0x108;
	_ =	swait.ge @!p0 [sflag:s8], $0x0  }
0x24: {  	s3 =	sadd.s32 $0x88, s3;
	s6 =	simm.s32 @!p1 $0x1082;
	[sflag:s4] =	ssyncset.s32 $0xFFFFF086  }
0x25: {  	[simem:s6], [sflag:s4] =	dma.local [hbm:s3], $0xF7A  }
0x26: {  	[smem:$0x3F95] =	sst s1;
	(tag) =	ssettag s2;
	_ =	strace s9  }
0x27: {  	s1 =	sld [smem:$0x3FA5]  }
0x28: {  	s2 =	sld [smem:$0x3FA6]  }
0x29: {  	s4 =	sld [smem:$0x3FA8]  }
0x2a: {  	p0 =	seq.s32 s5, $0x0;
	s5 =	sld [smem:$0x3FA9]  }
0x2b: {  	s6 =	sld [smem:$0x3FAA]  }
0x2c: {  	s7 =	sld [smem:$0x3FAB]  }
0x2d: {  	s3 =	simm.s32 $0x108;
	s8 =	sld [smem:$0x3FAC]  }
0x2e: {  	s3 =	simm.s32 @!p0 $0x1082;
	s9 =	sld [smem:$0x3FAD]  }
0x2f: {  	lr =	sadd.s32 s0, s3;
	s0 =	sld [smem:$0x3FA4]  }
0x30: {  	s3 =	sld [smem:$0x3FA7]  }
0x31: {  	[smem:$0x3FB0] =	sst s10  }
0x32: {  	s10 =	sld [smem:$0x3FAE];
	_ =	sdelay $0x3  }
0x33: {  	p0 =	seq.s32 s10, $0x1;
	s10 =	sld [smem:$0x3FB0];
	_ =	sdelay $0x3  }
0x34: {  	[smem:$0x3FB0] =	sst s10  }
0x35: {  	s10 =	sld [smem:$0x3FAF];
	_ =	sdelay $0x3  }
0x36: {  	p1 =	seq.s32 s10, $0x1;
	s10 =	sld [smem:$0x3FB0];
	_ =	sdelay $0x3  }
0x37: {  	[smem:$0x3FB0] =	sst s10  }
0x38: {  	s10 =	sld [smem:$0x3FB1]  }
0x39: {  	_ = 	snop;
	(pc) =	sbr.ind lr, $3  }
0x3a: {  	_ = 	snop  }
0x3b: {  	_ = 	snop  }
0x3c: {  	p2 =	seq.s32 s10, $0x1;
	s10 =	sld [smem:$0x3FB0]  }
0x3d: {  	_ =	shalt  }
0x3e: {  	_ =	shalt  }
0x3f: {  	_ =	shalt  }
0x40: {  	_ =	shalt  }
0x41: {  	_ =	shalt  }
0x42: {  	_ =	shalt  }
0x43: {  	_ =	shalt  }
0x44: {  	_ =	shalt  }
0x45: {  	_ =	shalt  }
0x46: {  	_ =	shalt  }
0x47: {  	_ =	shalt  }
0x48: {  	_ =	shalt  }
0x49: {  	_ =	shalt  }
0x4a: {  	_ =	shalt  }
0x4b: {  	_ =	shalt  }
0x4c: {  	_ =	shalt  }
0x4d: {  	_ =	shalt  }
0x4e: {  	_ =	shalt  }
0x4f: {  	_ =	shalt  }
0x50: {  	_ =	shalt  }
0x51: {  	_ =	shalt  }
0x52: {  	_ =	shalt  }
0x53: {  	_ =	shalt  }
0x54: {  	_ =	shalt  }
0x55: {  	_ =	shalt  }
0x56: {  	_ =	shalt  }
0x57: {  	_ =	shalt  }
0x58: {  	_ =	shalt  }
0x59: {  	_ =	shalt  }
0x5a: {  	_ =	shalt  }
0x5b: {  	_ =	shalt  }
0x5c: {  	_ =	shalt  }
0x5d: {  	_ =	shalt  }
0x5e: {  	_ =	shalt  }
0x5f: {  	_ =	shalt  }
0x60: {  	_ =	shalt  }
0x61: {  	_ =	shalt  }
0x62: {  	_ =	shalt  }
0x63: {  	_ =	shalt  }
0x64: {  	_ =	shalt  }
0x65: {  	_ =	shalt  }
0x66: {  	_ =	shalt  }
0x67: {  	_ =	shalt  }
0x68: {  	_ =	shalt  }
0x69: {  	_ =	shalt  }
0x6a: {  	_ =	shalt  }
0x6b: {  	_ =	shalt  }
0x6c: {  	_ =	shalt  }
0x6d: {  	_ =	shalt  }
0x6e: {  	_ =	shalt  }
0x6f: {  	_ =	shalt  }
0x70: {  	_ =	shalt  }
0x71: {  	_ =	shalt  }
0x72: {  	_ =	shalt  }
0x73: {  	_ =	shalt  }
0x74: {  	_ =	shalt  }
0x75: {  	_ =	shalt  }
0x76: {  	_ =	shalt  }
0x77: {  	_ =	shalt  }
0x78: {  	_ =	shalt  }
0x79: {  	_ =	shalt  }
0x7a: {  	_ =	shalt  }
0x7b: {  	_ =	shalt  }
0x7c: {  	_ =	shalt  }
0x7d: {  	_ =	shalt  }
0x7e: {  	_ =	shalt  }
0x7f: {  	_ =	shalt  }
0x80: {  	_ =	shalt  }
0x81: {  	_ =	shalt  }
0x82: {  	_ =	shalt  }
0x83: {  	_ =	shalt  }
0x84: {  	_ =	shalt  }
0x85: {  	_ =	shalt  }
0x86: {  	_ =	shalt  }
0x87: {  	_ =	shalt  }
.Lfunc_end0:
.L_simem_size_0:
called_computation.1_lowered:
.L_overlay_start_0:
0x88: {  	s2 =	sld [smem:$0x3FD9]  }
0x89: {  	s3 =	sld [smem:$0x3FFE];
	_ =	sdelay $0x1  }
0x8a: {  	s1 =	srdreg.scid  }
0x8b: {  	s0 =	sand.u32 $0x1, s1  }
0x8c: {  	s17 =	sshll.u32 s0, $0xA;
	s2 =	sadd.s32 s3, s2  }
0x8d: {  	s2 =	sadd.s32 s2, s17  }
0x8e: {  	[smem:$0x3FBC] =	sst s2  }
0x8f: {  	_ = 	snop  }
0x90: {  	s2 =	sld [smem:$0x3FD0];
	(tm) =	ssettm $0x1  }
0x91: {  	s18 =	sld [smem:$0x3FFB];
	_ =	sdelay $0x3  }
0x92: {  	_ =	strace s18  }
0x93: {  	s3 =	sld [smem:$0x3FFC];
	_ =	sdelay $0x3  }
0x94: {  	_ =	strace s3  }
0x95: {  	s3 =	sld [smem:$0x3FFD];
	_ =	sdelay $0x3  }
0x96: {  	_ =	strace s3  }
0x97: {  	_ =	strace $0x8FFFFFFF  }
0x98: {  	s19 =	sld [smem:$0x3FDB];
	_ =	sdelay $0x1  }
0x99: {  	s4 =	simm.s32 $_scs_section_size  }
0x9a: {  	s5 =	simm.s32 $_size__tile_overlayer_lowered;
	s6 =	simm.s32 $_tile_overlayer_lowered  }
0x9b: {  	s22 =	simm.s32 $0x1BFF;
	s21 =	sshll.u32 s6, $0x1;
	s3 =	sadd.s32 s4, s19  }
0x9c: {  	s7 =	simm.s32 $0x0;
	s20 =	sshll.u32 s5, $0x1;
	s5 =	sadd.s32 s21, s3  }
0x9d: {  	[timem:s7], [sflag:s22] =	dma.local [hbm:s5], s20  }
0x9e: {  	_ =	swait.ge [sflag:s22], s20  }
0x9f: {  	s4 =	ssub.s32 $0x0, s20;
	[sflag:s22] =	ssyncset.done $0x0  }
0xa0: {  	[sflag:s22] =	ssyncadd.s32 s4;
	_ =	sdelay $0x1  }
0xa1: {  	s23 =	simm.s32 $0x1B8B  }
0xa2: {  	_ =	swait.ge [sflag:s23], $0x1  }
0xa3: {  	[sflag:s23] =	ssyncset.done $0x0  }
0xa4: {  	s25 =	simm.s32 $0x1B8E;
	s24 =	sld [smem:$0x3FFE];
	[sflag:s23] =	ssyncadd.s32 $0xFFFFFFFF  }
0xa5: {  	s26 =	simm.s32 $execute0_lowered;
	[smem:$0x3FD2] =	sst s25  }
0xa6: {  	s5 =	sshll.u32 s26, $0x1;
	_ =	strace $0x80000049;
	[dreg:$0x1] =	wrdreg $0xFFFFFFFF  }
0xa7: {  	s28 =	simm.s32 $_size_execute0_lowered;
	s3 =	sadd.s32 s3, s5;
	[dreg:$0x0] =	wrdreg $0x0  }
0xa8: {  	s5 =	sshll.u32 s28, $0x1;
	[dreg:$0x2] =	wrdreg s3  }
0xa9: {  	[dreg:$0x3] =	wrdreg s5  }
0xaa: {  	[dreg:$0x4] =	wrdreg $0xC0  }
0xab: {  	_ =	task [dreg:s7], $0x5FFFF  }
0xac: {  	[dreg:$0x1] =	wrdreg $0xFFFFFFFF  }
0xad: {  	[dreg:$0x0] =	wrdreg $0x60  }
0xae: {  	[dreg:$0x2] =	wrdreg s2  }
0xaf: {  	[dreg:$0x3] =	wrdreg s24  }
0xb0: {  	[dreg:$0x4] =	wrdreg $0x93000  }
0xb1: {  	[dreg:$0x5] =	wrdreg $0x9  }
0xb2: {  	_ =	task.clear_ibuf [dreg:s7], $0x6FFFF;
	_ =	strace $0x90000049  }
0xb3: {  	s29 =	simm.s32 $0x9;
	_ =	strace $0x8000004B  }
0xb4: {  	_ =	swait.ge [sflag:s29], $0x1  }
0xb5: {  	[sflag:s29] =	ssyncadd.s32 $0xFFFFFFFF  }
0xb6: {  	_ =	strace $0x9000004B  }
0xb7: {  	_ =	sfence  }
0xb8: {  	s30 =	sld [smem:$0x0];
	_ =	sdelay $0x2  }
0xb9: {  	s31 =	sshll.u32 s1, $0xD;
	s1 =	sshrl.u32 s1, $0x2  }
0xba: {  	s3 =	sand.u32 $0x4000, s31;
	s1 =	sadd.s32 s1, s30  }
0xbb: {  	s0 =	sor.u32 s3, s0;
	s1 =	sshll.u32 s1, $0x11  }
0xbc: {  	s0 =	sor.u32 s1, s0  }
0xbd: {  	s0 =	sadd.s32 $0x8F2B, s0  }
0xbe: {  	[sflag:s0] =	ssyncadd.remote.s32 $0x1  }
0xbf: {  	_ =	sfence.sel $0xFFFF  }
0xc0: {  	[dreg:$0x0] =	wrdreg $0xFFFFFFFF;
	(pc) =	sbr.abs _section_cstart, $3  }
0xc1: {  	[dreg:$0x1] =	wrdreg $0xFFFFFFFF  }
0xc2: {  	_ =	task.clear_ibuf [dreg:s7], $0x2FFFF;
	_ =	strace $0x9FFFFFFF  }
0xc3: {  	(tm) =	ssettm $0x7FFFFFFF  }
tec
execute0_lowered:
.L_overlay_start_1:
0x0: {  	(tag) =	ssettag $0x1  }
0x1: {  	s1 =	rddreg [dreg:$0x0]  }
0x2: {  	s0 =	rddreg [dreg:$0x1]  }
0x3: {  	s2 =	rddreg [dreg:$0x2];
	s3 =	simm.s32 $0x0;
	s4 =	srdreg.scid  }
0x4: {  	s12 =	stileid.u32;
	s28 =	simm.s32 $0x2B00;
	s29 =	simm.s32 $0x1  }
0x5: {  	s4 =	sand.u32 $0x1, s4;
	s5 =	sshll.u32 s12, $0x1;
	s11 =	smul.u32 $0x13800, s12  }
0x6: {  	[smem:$0x7FF] =	sst s3;
	s24 =	smul.u32 $0x4E000, s12;
	s6 =	sor.u32 s4, s5  }
0x7: {  	s26 =	sadd.s32 $0xC600, s0;
	s19 =	sadd.s32 $0x138000, s2;
	s8 =	smul.u32 $0x2710, s6  }
0x8: {  	_ =	strace $0x8000004A;
	s7 =	ssub.s32 $0x2, s4;
	[dreg:$0x4] =	wrdreg s26  }
0x9: {  	s20 =	smul.u32 $0x138800, s4;
	[dreg:$0x5] =	wrdreg s19;
	s8 =	sshrl.u32 s8, $0x3  }
0xa: {  	s6 =	sadd.s32 $0x2800, s0;
	s9 =	sshrl.u32 s7, $0x1;
	s14 =	sadd.s32 s26, s8  }
0xb: {  	s15 =	sadd.s32 s6, s8;
	s16 =	sadd.s32 $0xA, s8;
	[dreg:$0x6] =	wrdreg s14  }
0xc: {  	s7 =	ssub.s32 s7, s9;
	[dreg:$0x7] =	wrdreg s15;
	s10 =	sadd.s32 s26, s16  }
0xd: {  	s17 =	sadd.s32 $0x14, s8;
	s9 =	sadd.s32 s6, s16;
	[dreg:$0x8] =	wrdreg s10  }
0xe: {  	s21 =	sadd.s32 $0x1E, s8;
	s18 =	sadd.s32 s26, s17;
	[dreg:$0x9] =	wrdreg s9  }
0xf: {  	s8 =	sadd.s32 $0x28, s8;
	s13 =	sadd.s32 s26, s21;
	[dreg:$0xa] =	wrdreg s18  }
0x10: {  	s0 =	sadd.s32 $0x16400, s0;
	s5 =	sadd.s32 s26, s8;
	[dreg:$0xc] =	wrdreg s13  }
0x11: {  	s23 =	sadd.s32 s11, s20;
	s22 =	sadd.s32 s6, s8;
	[dreg:$0xe] =	wrdreg s5  }
0x12: {  	s8 =	sshrl.u32 s23, $0x3;
	s9 =	sadd.s32 s6, s17;
	[dreg:$0xf] =	wrdreg s22  }
0x13: {  	s10 =	sadd.s32 s6, s21;
	[dreg:$0xb] =	wrdreg s9;
	s9 =	sshrl.u32 s20, $0x3  }
0x14: {  	[dreg:$0xd] =	wrdreg s10;
	s9 =	sadd.s32 s0, s9;
	s0 =	sadd.s32 s0, s8  }
0x15: {  	s10 =	sshrl.u32 s24, $0x2;
	s8 =	smax.u32 s7, $0x1;
	[dreg:$0x10] =	wrdreg s0  }
0x16: {  	s30 =	simm.s32 $0x9;
	s5 =	sadd.s32 s10, s2;
	[dreg:$0x13] =	wrdreg s8  }
0x17: {  	s25 =	smul.u32 $0x4E20, s12;
	s26 =	sadd.s32 $0x27000, s9;
	[dreg:$0x11] =	wrdreg s5  }
0x18: {  	p0 =	sne.s32 s12, $0x0;
	s9 =	sadd.s32 $0x1800, s5;
	[dreg:$0x12] =	wrdreg s26  }
0x19: {  	s4 =	smul.u32 $0x2710, s4;
	s12 =	sadd.s32 $0x3000, s5;
	[dreg:$0x14] =	wrdreg s9  }
0x1a: {  	s31 =	simm.s32 $0x5300;
	s13 =	sadd.s32 $0x4800, s5;
	[dreg:$0x15] =	wrdreg s12  }
0x1b: {  	s10 =	sadd.s32 s4, s25;
	s14 =	sadd.s32 $0x6000, s5;
	[dreg:$0x16] =	wrdreg s13  }
0x1c: {  	s4 =	sadd.s32 $0x230, s10;
	s15 =	sadd.s32 $0x7800, s5;
	[dreg:$0x17] =	wrdreg s14  }
0x1d: {  	s11 =	sadd.s32 $0x1E0, s10;
	s16 =	sadd.s32 $0x9000, s5;
	[dreg:$0x18] =	wrdreg s15  }
0x1e: {  	s0 =	sadd.s32 $0x190, s10;
	s17 =	sadd.s32 $0xA800, s5;
	[dreg:$0x19] =	wrdreg s16  }
0x1f: {  	s18 =	sadd.s32 $0xC000, s5;
	s20 =	sadd.s32 $0xD800, s5;
	[dreg:$0x1a] =	wrdreg s17  }
0x20: {  	s21 =	sadd.s32 $0xF000, s5;
	s22 =	sadd.s32 $0x10800, s5;
	[dreg:$0x1b] =	wrdreg s18  }
0x21: {  	s8 =	simm.s32 $0x3;
	s23 =	sshrl.u32 s4, $0x3;
	[dreg:$0x1c] =	wrdreg s20  }
0x22: {  	s24 =	sshrl.u32 s11, $0x3;
	s25 =	sshrl.u32 s0, $0x3;
	[dreg:$0x1d] =	wrdreg s21  }
0x23: {  	[dreg:$0x1e] =	wrdreg s22;
	s26 =	sadd.s32 $0x12000, s5;
	s12 =	simm.s32 $0x7B00  }
0x24: {  	s13 =	simm.s32 $0x180;
	s14 =	simm.s32 $0x80;
	s15 =	simm.s32 $0x200  }
0x25: {  	s16 =	simm.s32 $0x4;
	s17 =	simm.s32 $0x7;
	s18 =	simm.s32 $0x50  }
0x26: {  	s20 =	simm.s32 $0x300;
	s21 =	simm.s32 $0x100;
	s22 =	simm.s32 $0x280  }
0x27: {  	s0 =	simm.s32 $0x2;
	s4 =	simm.s32 $0x5;
	s9 =	simm.s32 $0x6  }
0x28: {  	v0 =	vimm.f32 $0.0e+00;
	s11 =	simm.s32 $0x0;
	[dreg:$0x1f] =	wrdreg s26;
	s26 =	simm.s32 $0x8  }
.LBB2_1:
0x29: {  	s7 =	simm.s32 $0x70;
	s10 =	simm.s32 $0x3C0  }
.LBB2_2:
0x2a: {  	p1 =	sne.s32 s10, $0x5FC0;
	[tilespmem:s7+$0x7B00] =	vst v0  }
0x2b: {  	[tilespmem:s7+$0x7A90] =	vst v0  }
0x2c: {  	[tilespmem:s7+$0x7AA0] =	vst v0  }
.Ltmp0:
0x2d: {  	[tilespmem:s7+$0x7AB0] =	vst v0;
	(pc) =	sbr.rel @p1 .LBB2_2-.Ltmp0, $4  }
0x2e: {  	[tilespmem:s7+$0x7AC0] =	vst v0  }
0x2f: {  	[tilespmem:s7+$0x7AD0] =	vst v0  }
0x30: {  	[tilespmem:s7+$0x7AE0] =	vst v0  }
0x31: {  	[tilespmem:s7+$0x7AF0] =	vst v0;
	s7 =	sshra.s32 s10, $0x2;
	s10 =	sadd.s32 $0x200, s10  }
0x32: {  	[tilespmem:s7+$0x7B00] =	vst v0  }
0x33: {  	[tilespmem:s7+$0x7A90] =	vst v0  }
0x34: {  	[tilespmem:s7+$0x7AA0] =	vst v0  }
0x35: {  	[tilespmem:s7+$0x7AB0] =	vst v0  }
0x36: {  	[tilespmem:s7+$0x7AC0] =	vst v0  }
0x37: {  	[tilespmem:s7+$0x7AD0] =	vst v0  }
0x38: {  	[tilespmem:s7+$0x7AE0] =	vst v0  }
0x39: {  	[tilespmem:s7+$0x7AF0] =	vst v0;
	s5 =	rddreg [dreg:$0x11]  }
0x3a: {  	[spmem:s5] =	stream.linear.scatter [tilespmem:s12], [sflag:$0x4], $0x1800, $0x38;
	[tilespmem:$0x1CB80] =	vst v63  }
0x3b: {  	s7 =	rddreg [dreg:$0x14]  }
0x3c: {  	[spmem:s7] =	stream.linear.scatter [tilespmem:s12], [sflag:$0x4], $0x1800, $0x38;
	[tilespmem:$0x1CB80] =	vst v63  }
0x3d: {  	s10 =	rddreg [dreg:$0x15]  }
0x3e: {  	[spmem:s10] =	stream.linear.scatter [tilespmem:s12], [sflag:$0x4], $0x1800, $0x38;
	[tilespmem:$0x1CB80] =	vst v63  }
0x3f: {  	s7 =	rddreg [dreg:$0x16]  }
0x40: {  	[spmem:s7] =	stream.linear.scatter [tilespmem:s12], [sflag:$0x4], $0x1800, $0x38;
	[tilespmem:$0x1CB80] =	vst v63  }
0x41: {  	s10 =	rddreg [dreg:$0x17]  }
0x42: {  	[spmem:s10] =	stream.linear.scatter [tilespmem:s12], [sflag:$0x4], $0x1800, $0x38;
	[tilespmem:$0x1CB80] =	vst v63  }
0x43: {  	s7 =	rddreg [dreg:$0x18]  }
0x44: {  	[spmem:s7] =	stream.linear.scatter [tilespmem:s12], [sflag:$0x4], $0x1800, $0x38;
	[tilespmem:$0x1CB80] =	vst v63  }
0x45: {  	s10 =	rddreg [dreg:$0x19]  }
0x46: {  	[spmem:s10] =	stream.linear.scatter [tilespmem:s12], [sflag:$0x4], $0x1800, $0x38;
	[tilespmem:$0x1CB80] =	vst v63  }
0x47: {  	s7 =	rddreg [dreg:$0x1a]  }
0x48: {  	[spmem:s7] =	stream.linear.scatter [tilespmem:s12], [sflag:$0x4], $0x1800, $0x38;
	[tilespmem:$0x1CB80] =	vst v63  }
0x49: {  	s10 =	rddreg [dreg:$0x1b]  }
0x4a: {  	[spmem:s10] =	stream.linear.scatter [tilespmem:s12], [sflag:$0x4], $0x1800, $0x38;
	[tilespmem:$0x1CB80] =	vst v63  }
0x4b: {  	s7 =	rddreg [dreg:$0x1c]  }
0x4c: {  	[spmem:s7] =	stream.linear.scatter [tilespmem:s12], [sflag:$0x4], $0x1800, $0x38;
	[tilespmem:$0x1CB80] =	vst v63  }
0x4d: {  	s10 =	rddreg [dreg:$0x1d]  }
0x4e: {  	[spmem:s10] =	stream.linear.scatter [tilespmem:s12], [sflag:$0x4], $0x1800, $0x38;
	[tilespmem:$0x1CB80] =	vst v63  }
0x4f: {  	s7 =	rddreg [dreg:$0x1e]  }
0x50: {  	[spmem:s7] =	stream.linear.scatter [tilespmem:s12], [sflag:$0x4], $0x1800, $0x38;
	[tilespmem:$0x1CB80] =	vst v63  }
0x51: {  	s10 =	rddreg [dreg:$0x1f]  }
0x52: {  	[spmem:s10] =	stream.linear.scatter [tilespmem:s12], [sflag:$0x4], $0x1800, $0x38;
	[tilespmem:$0x1CB80] =	vst v63  }
0x53: {  	s7 =	simm.s32 @!p0 $0x7B00  }
0x54: {  	[spmem:s19] =	stream.linear.scatter @!p0 [tilespmem:s7], [sflag:$0x5], $0x800, $0x38;
	[tilespmem:$0x1CB80] =	vst v63  }
0x55: {  	s7 =	rddreg [dreg:$0x6]  }
0x56: {  	[tilespmem:s3], [sflag:$0x7] =	stream.linear.gather [hbm4b:s7+s3], $0x50, $0x38;
	[tilespmem:$0x1CB80] =	vst v63  }
0x57: {  	s10 =	rddreg [dreg:$0x7]  }
0x58: {  	[tilespmem:s13], [sflag:$0x7] =	stream.linear.gather [hbm4b:s10+s3], $0x50, $0x38;
	[tilespmem:$0x1CB80] =	vst v63  }
0x59: {  	s19 =	rddreg [dreg:$0x8]  }
0x5a: {  	[tilespmem:s14], [sflag:$0x8] =	stream.linear.gather [hbm4b:s19+s3], $0x50, $0x38;
	[tilespmem:$0x1CB80] =	vst v63  }
0x5b: {  	s7 =	rddreg [dreg:$0x9]  }
0x5c: {  	[tilespmem:s15], [sflag:$0x8] =	stream.linear.gather [hbm4b:s7+s3], $0x50, $0x38;
	[tilespmem:$0x1CB80] =	vst v63  }
0x5d: {  	_ =	swait.ge [sflag:s16], $0x1800  }
0x5e: {  	[sflag:s16] =	ssyncset.done $0x0  }
0x5f: {  	[sflag:s16] =	ssyncadd.s32 $0xFFFFE800  }
0x60: {  	_ =	swait.ge [sflag:s16], $0x1800  }
0x61: {  	[sflag:s16] =	ssyncset.done $0x0  }
0x62: {  	[sflag:s16] =	ssyncadd.s32 $0xFFFFE800  }
0x63: {  	_ =	swait.ge [sflag:s16], $0x1800  }
0x64: {  	[sflag:s16] =	ssyncset.done $0x0  }
0x65: {  	[sflag:s16] =	ssyncadd.s32 $0xFFFFE800  }
0x66: {  	_ =	swait.ge [sflag:s16], $0x1800  }
0x67: {  	[sflag:s16] =	ssyncset.done $0x0  }
0x68: {  	[sflag:s16] =	ssyncadd.s32 $0xFFFFE800  }
0x69: {  	_ =	swait.ge [sflag:s16], $0x1800  }
0x6a: {  	[sflag:s16] =	ssyncset.done $0x0  }
0x6b: {  	[sflag:s16] =	ssyncadd.s32 $0xFFFFE800  }
0x6c: {  	_ =	swait.ge [sflag:s16], $0x1800  }
0x6d: {  	[sflag:s16] =	ssyncset.done $0x0  }
0x6e: {  	[sflag:s16] =	ssyncadd.s32 $0xFFFFE800  }
0x6f: {  	_ =	swait.ge [sflag:s16], $0x1800  }
0x70: {  	[sflag:s16] =	ssyncset.done $0x0  }
0x71: {  	[sflag:s16] =	ssyncadd.s32 $0xFFFFE800  }
0x72: {  	_ =	swait.ge [sflag:s16], $0x1800  }
0x73: {  	[sflag:s16] =	ssyncset.done $0x0  }
0x74: {  	[sflag:s16] =	ssyncadd.s32 $0xFFFFE800  }
0x75: {  	_ =	swait.ge [sflag:s16], $0x1800  }
0x76: {  	[sflag:s16] =	ssyncset.done $0x0  }
0x77: {  	[sflag:s16] =	ssyncadd.s32 $0xFFFFE800  }
0x78: {  	_ =	swait.ge [sflag:s16], $0x1800  }
0x79: {  	[sflag:s16] =	ssyncset.done $0x0  }
0x7a: {  	[sflag:s16] =	ssyncadd.s32 $0xFFFFE800  }
0x7b: {  	_ =	swait.ge [sflag:s16], $0x1800  }
0x7c: {  	[sflag:s16] =	ssyncset.done $0x0  }
0x7d: {  	[sflag:s16] =	ssyncadd.s32 $0xFFFFE800  }
0x7e: {  	_ =	swait.ge [sflag:s16], $0x1800  }
0x7f: {  	[sflag:s16] =	ssyncset.done $0x0  }
0x80: {  	[sflag:s16] =	ssyncadd.s32 $0xFFFFE800  }
0x81: {  	_ =	swait.ge [sflag:s16], $0x1800  }
0x82: {  	[sflag:s16] =	ssyncset.done $0x0  }
0x83: {  	s7 =	simm.s32 @!p0 $0x5;
	[sflag:s16] =	ssyncadd.s32 $0xFFFFE800  }
0x84: {  	_ =	swait.ge @!p0 [sflag:s7], $0x800  }
0x85: {  	[sflag:s7] =	ssyncset.done @!p0 $0x0  }
0x86: {  	[sflag:s7] =	ssyncadd.s32 @!p0 $0xFFFFF800  }
0x87: {  	_ =	swait.ge [sflag:s17], $0x50  }
0x88: {  	[sflag:s17] =	ssyncset.done $0x0  }
0x89: {  	[sflag:s17] =	ssyncadd.s32 $0xFFFFFFB0  }
0x8a: {  	_ =	swait.ge [sflag:s17], $0x50  }
0x8b: {  	[sflag:s17] =	ssyncset.done $0x0  }
0x8c: {  	[sflag:s17] =	ssyncadd.s32 $0xFFFFFFB0  }
0x8d: {  	[tilespmem:s20], [sflag:$0x1] =	stream.indirect.gather [hbm4b:s1+s18], $0x80, s3, s18, $0xb8;
	[tilespmem:$0x1CB80] =	vst v63  }
0x8e: {  	[bflag:$0x0] =	sbarrier.arrive $0xFFFF  }
0x8f: {  	s10 =	rddreg [dreg:$0xa]  }
0x90: {  	[tilespmem:s21], [sflag:$0x9] =	stream.linear.gather [hbm4b:s10+s3], $0x50, $0x38;
	[tilespmem:$0x1CB80] =	vst v63  }
0x91: {  	s19 =	rddreg [dreg:$0xb]  }
0x92: {  	[tilespmem:s22], [sflag:$0x9] =	stream.linear.gather [hbm4b:s19+s3], $0x50, $0x38;
	[tilespmem:$0x1CB80] =	vst v63  }
0x93: {  	_ =	swait.ge [sflag:s26], $0x50  }
0x94: {  	[sflag:s26] =	ssyncset.done $0x0  }
0x95: {  	[sflag:s26] =	ssyncadd.s32 $0xFFFFFFB0  }
0x96: {  	_ =	swait.ge [sflag:s26], $0x50  }
0x97: {  	[sflag:s26] =	ssyncset.done $0x0  }
0x98: {  	[sflag:s26] =	ssyncadd.s32 $0xFFFFFFB0  }
0x99: {  	[tilespmem:s28], [sflag:$0x2] =	stream.indirect.gather [hbm4b:s1+s18], $0x80, s14, s18, $0xb8;
	[tilespmem:$0x1CB80] =	vst v63  }
0x9a: {  	_ =	swait.ge [sflag:s29], $0x2800  }
0x9b: {  	[sflag:s29] =	ssyncset.done $0x0  }
0x9c: {  	[sflag:s29] =	ssyncadd.s32 $0xFFFFD800  }
0x9d: {  	[spmem:s2] =	stream.indirect.scatter.add.f32 [tilespmem:s20], [sflag:$0x4], $0x80, s13, s18, $0xb8;
	[tilespmem:$0x1CB80] =	vst v63  }
0x9e: {  	_ =	swait.ge [sflag:s16], $0x2800  }
0x9f: {  	[sflag:s16] =	ssyncset.done $0x0  }
0xa0: {  	s7 =	rddreg [dreg:$0xc];
	[sflag:s16] =	ssyncadd.s32 $0xFFFFD800  }
0xa1: {  	[tilespmem:s3], [sflag:$0x7] =	stream.linear.gather [hbm4b:s7+s3], $0x50, $0x38;
	[tilespmem:$0x1CB80] =	vst v63  }
0xa2: {  	s10 =	rddreg [dreg:$0xd]  }
0xa3: {  	[tilespmem:s13], [sflag:$0x7] =	stream.linear.gather [hbm4b:s10+s3], $0x50, $0x38;
	[tilespmem:$0x1CB80] =	vst v63  }
0xa4: {  	_ =	swait.ge [sflag:s30], $0x50  }
0xa5: {  	[sflag:s30] =	ssyncset.done $0x0  }
0xa6: {  	[sflag:s30] =	ssyncadd.s32 $0xFFFFFFB0  }
0xa7: {  	_ =	swait.ge [sflag:s30], $0x50  }
0xa8: {  	[sflag:s30] =	ssyncset.done $0x0  }
0xa9: {  	[sflag:s30] =	ssyncadd.s32 $0xFFFFFFB0  }
0xaa: {  	[tilespmem:s31], [sflag:$0x3] =	stream.indirect.gather [hbm4b:s1+s18], $0x80, s21, s18, $0xb8;
	[tilespmem:$0x1CB80] =	vst v63  }
0xab: {  	_ =	swait.ge [sflag:s0], $0x2800  }
0xac: {  	[sflag:s0] =	ssyncset.done $0x0  }
0xad: {  	[sflag:s0] =	ssyncadd.s32 $0xFFFFD800  }
0xae: {  	[spmem:s2] =	stream.indirect.scatter.add.f32 [tilespmem:s28], [sflag:$0x5], $0x80, s15, s18, $0xb8;
	[tilespmem:$0x1CB80] =	vst v63  }
0xaf: {  	_ =	swait.ge [sflag:s4], $0x2800  }
0xb0: {  	[sflag:s4] =	ssyncset.done $0x0  }
0xb1: {  	s19 =	rddreg [dreg:$0xe];
	[sflag:s4] =	ssyncadd.s32 $0xFFFFD800  }
0xb2: {  	[tilespmem:s14], [sflag:$0x8] =	stream.linear.gather [hbm4b:s19+s3], $0x50, $0x38;
	[tilespmem:$0x1CB80] =	vst v63  }
0xb3: {  	s7 =	rddreg [dreg:$0xf]  }
0xb4: {  	[tilespmem:s15], [sflag:$0x8] =	stream.linear.gather [hbm4b:s7+s3], $0x50, $0x38;
	[tilespmem:$0x1CB80] =	vst v63  }
0xb5: {  	_ =	swait.ge [sflag:s17], $0x50  }
0xb6: {  	[sflag:s17] =	ssyncset.done $0x0  }
0xb7: {  	[sflag:s17] =	ssyncadd.s32 $0xFFFFFFB0  }
0xb8: {  	_ =	swait.ge [sflag:s17], $0x50  }
0xb9: {  	[sflag:s17] =	ssyncset.done $0x0  }
0xba: {  	[sflag:s17] =	ssyncadd.s32 $0xFFFFFFB0  }
0xbb: {  	[tilespmem:s20], [sflag:$0x1] =	stream.indirect.gather [hbm4b:s1+s18], $0x80, s3, s18, $0xb8;
	[tilespmem:$0x1CB80] =	vst v63  }
0xbc: {  	_ =	swait.ge [sflag:s8], $0x2800  }
0xbd: {  	[sflag:s8] =	ssyncset.done $0x0  }
0xbe: {  	[sflag:s8] =	ssyncadd.s32 $0xFFFFD800  }
0xbf: {  	[spmem:s2] =	stream.indirect.scatter.add.f32 [tilespmem:s31], [sflag:$0x6], $0x80, s22, s18, $0xb8;
	[tilespmem:$0x1CB80] =	vst v63  }
0xc0: {  	_ =	swait.ge [sflag:s9], $0x2800  }
0xc1: {  	[sflag:s9] =	ssyncset.done $0x0;
	s5 =	rddreg [dreg:$0x4]  }
0xc2: {  	[sflag:s9] =	ssyncadd.s32 $0xFFFFD800;
	s10 =	sadd.s32 s5, s25  }
0xc3: {  	[tilespmem:s21], [sflag:$0x9] =	stream.linear.gather [hbm4b:s10+s3], $0x50, $0x38;
	[tilespmem:$0x1CB80] =	vst v63  }
0xc4: {  	s19 =	sadd.s32 s6, s25  }
0xc5: {  	[tilespmem:s22], [sflag:$0x9] =	stream.linear.gather [hbm4b:s19+s3], $0x50, $0x38;
	[tilespmem:$0x1CB80] =	vst v63  }
0xc6: {  	_ =	swait.ge [sflag:s26], $0x50  }
0xc7: {  	[sflag:s26] =	ssyncset.done $0x0  }
0xc8: {  	[sflag:s26] =	ssyncadd.s32 $0xFFFFFFB0  }
0xc9: {  	_ =	swait.ge [sflag:s26], $0x50  }
0xca: {  	[sflag:s26] =	ssyncset.done $0x0  }
0xcb: {  	[sflag:s26] =	ssyncadd.s32 $0xFFFFFFB0  }
0xcc: {  	[tilespmem:s28], [sflag:$0x2] =	stream.indirect.gather [hbm4b:s1+s18], $0x80, s14, s18, $0xb8;
	[tilespmem:$0x1CB80] =	vst v63  }
0xcd: {  	_ =	swait.ge [sflag:s29], $0x2800  }
0xce: {  	[sflag:s29] =	ssyncset.done $0x0  }
0xcf: {  	[sflag:s29] =	ssyncadd.s32 $0xFFFFD800  }
0xd0: {  	[spmem:s2] =	stream.indirect.scatter.add.f32 [tilespmem:s20], [sflag:$0x4], $0x80, s13, s18, $0xb8;
	[tilespmem:$0x1CB80] =	vst v63  }
0xd1: {  	_ =	swait.ge [sflag:s16], $0x2800  }
0xd2: {  	[sflag:s16] =	ssyncset.done $0x0  }
0xd3: {  	s10 =	sadd.s32 s5, s24;
	[sflag:s16] =	ssyncadd.s32 $0xFFFFD800  }
0xd4: {  	[tilespmem:s3], [sflag:$0x7] =	stream.linear.gather [hbm4b:s10+s3], $0x50, $0x38;
	[tilespmem:$0x1CB80] =	vst v63  }
0xd5: {  	s19 =	sadd.s32 s6, s24  }
0xd6: {  	[tilespmem:s13], [sflag:$0x7] =	stream.linear.gather [hbm4b:s19+s3], $0x50, $0x38;
	[tilespmem:$0x1CB80] =	vst v63  }
0xd7: {  	_ =	swait.ge [sflag:s30], $0x50  }
0xd8: {  	[sflag:s30] =	ssyncset.done $0x0  }
0xd9: {  	[sflag:s30] =	ssyncadd.s32 $0xFFFFFFB0  }
0xda: {  	_ =	swait.ge [sflag:s30], $0x50  }
0xdb: {  	[sflag:s30] =	ssyncset.done $0x0  }
0xdc: {  	[sflag:s30] =	ssyncadd.s32 $0xFFFFFFB0  }
0xdd: {  	[tilespmem:s31], [sflag:$0x3] =	stream.indirect.gather [hbm4b:s1+s18], $0x80, s21, s18, $0xb8;
	[tilespmem:$0x1CB80] =	vst v63  }
0xde: {  	_ =	swait.ge [sflag:s0], $0x2800  }
0xdf: {  	[sflag:s0] =	ssyncset.done $0x0  }
0xe0: {  	[sflag:s0] =	ssyncadd.s32 $0xFFFFD800  }
0xe1: {  	[spmem:s2] =	stream.indirect.scatter.add.f32 [tilespmem:s28], [sflag:$0x5], $0x80, s15, s18, $0xb8;
	[tilespmem:$0x1CB80] =	vst v63  }
0xe2: {  	_ =	swait.ge [sflag:s4], $0x2800  }
0xe3: {  	[sflag:s4] =	ssyncset.done $0x0  }
0xe4: {  	s10 =	sadd.s32 s5, s23;
	[sflag:s4] =	ssyncadd.s32 $0xFFFFD800  }
0xe5: {  	[tilespmem:s14], [sflag:$0x8] =	stream.linear.gather [hbm4b:s10+s3], $0x50, $0x38;
	[tilespmem:$0x1CB80] =	vst v63  }
0xe6: {  	s19 =	sadd.s32 s6, s23  }
0xe7: {  	[tilespmem:s15], [sflag:$0x8] =	stream.linear.gather [hbm4b:s19+s3], $0x50, $0x38;
	[tilespmem:$0x1CB80] =	vst v63  }
0xe8: {  	_ =	swait.ge [sflag:s17], $0x50  }
0xe9: {  	[sflag:s17] =	ssyncset.done $0x0  }
0xea: {  	[sflag:s17] =	ssyncadd.s32 $0xFFFFFFB0  }
0xeb: {  	_ =	swait.ge [sflag:s17], $0x50  }
0xec: {  	[sflag:s17] =	ssyncset.done $0x0  }
0xed: {  	[sflag:s17] =	ssyncadd.s32 $0xFFFFFFB0  }
0xee: {  	[tilespmem:s20], [sflag:$0x1] =	stream.indirect.gather [hbm4b:s1+s18], $0x80, s3, s18, $0xb8;
	[tilespmem:$0x1CB80] =	vst v63  }
0xef: {  	_ =	swait.ge [sflag:s8], $0x2800  }
0xf0: {  	s7 =	sadd.s32 $0x1E, s6;
	[sflag:s8] =	ssyncset.done $0x0  }
0xf1: {  	s10 =	simm.s32 $0x27;
	s19 =	sadd.s32 $0x1E, s5;
	[sflag:s8] =	ssyncadd.s32 $0xFFFFD800  }
.LBB2_4:
0xf2: {  	[spmem:s2] =	stream.indirect.scatter.add.f32 [tilespmem:s31], [sflag:$0x6], $0x80, s22, s18, $0xb8;
	[tilespmem:$0x1CB80] =	vst v63  }
0xf3: {  	p1 =	sne.s32 s10, $0x1;
	s10 =	sadd.s32 $0xFFFFFFFF, s10;
	_ =	swait.ge [sflag:s9], $0x2800  }
0xf4: {  	[sflag:s9] =	ssyncset.done $0x0  }
0xf5: {  	s5 =	sadd.s32 s19, s25;
	[sflag:s9] =	ssyncadd.s32 $0xFFFFD800  }
0xf6: {  	[tilespmem:s21], [sflag:$0x9] =	stream.linear.gather [hbm4b:s5+s3], $0x50, $0x38;
	[tilespmem:$0x1CB80] =	vst v63  }
0xf7: {  	s5 =	sadd.s32 s7, s25  }
0xf8: {  	[tilespmem:s22], [sflag:$0x9] =	stream.linear.gather [hbm4b:s5+s3], $0x50, $0x38;
	[tilespmem:$0x1CB80] =	vst v63  }
0xf9: {  	_ =	swait.ge [sflag:s26], $0x50  }
0xfa: {  	[sflag:s26] =	ssyncset.done $0x0  }
0xfb: {  	[sflag:s26] =	ssyncadd.s32 $0xFFFFFFB0  }
0xfc: {  	_ =	swait.ge [sflag:s26], $0x50  }
0xfd: {  	[sflag:s26] =	ssyncset.done $0x0  }
0xfe: {  	[sflag:s26] =	ssyncadd.s32 $0xFFFFFFB0  }
0xff: {  	[tilespmem:s28], [sflag:$0x2] =	stream.indirect.gather [hbm4b:s1+s18], $0x80, s14, s18, $0xb8;
	[tilespmem:$0x1CB80] =	vst v63  }
0x100: {  	_ =	swait.ge [sflag:s29], $0x2800  }
0x101: {  	[sflag:s29] =	ssyncset.done $0x0  }
0x102: {  	[sflag:s29] =	ssyncadd.s32 $0xFFFFD800  }
0x103: {  	[spmem:s2] =	stream.indirect.scatter.add.f32 [tilespmem:s20], [sflag:$0x4], $0x80, s13, s18, $0xb8;
	[tilespmem:$0x1CB80] =	vst v63  }
0x104: {  	_ =	swait.ge [sflag:s16], $0x2800  }
0x105: {  	[sflag:s16] =	ssyncset.done $0x0  }
0x106: {  	s5 =	sadd.s32 s19, s24;
	[sflag:s16] =	ssyncadd.s32 $0xFFFFD800  }
0x107: {  	[tilespmem:s3], [sflag:$0x7] =	stream.linear.gather [hbm4b:s5+s3], $0x50, $0x38;
	[tilespmem:$0x1CB80] =	vst v63  }
0x108: {  	s5 =	sadd.s32 s7, s24  }
0x109: {  	[tilespmem:s13], [sflag:$0x7] =	stream.linear.gather [hbm4b:s5+s3], $0x50, $0x38;
	[tilespmem:$0x1CB80] =	vst v63  }
0x10a: {  	_ =	swait.ge [sflag:s30], $0x50  }
0x10b: {  	[sflag:s30] =	ssyncset.done $0x0  }
0x10c: {  	[sflag:s30] =	ssyncadd.s32 $0xFFFFFFB0  }
0x10d: {  	_ =	swait.ge [sflag:s30], $0x50  }
0x10e: {  	[sflag:s30] =	ssyncset.done $0x0  }
0x10f: {  	[sflag:s30] =	ssyncadd.s32 $0xFFFFFFB0  }
0x110: {  	[tilespmem:s31], [sflag:$0x3] =	stream.indirect.gather [hbm4b:s1+s18], $0x80, s21, s18, $0xb8;
	[tilespmem:$0x1CB80] =	vst v63  }
0x111: {  	_ =	swait.ge [sflag:s0], $0x2800  }
0x112: {  	[sflag:s0] =	ssyncset.done $0x0  }
0x113: {  	[sflag:s0] =	ssyncadd.s32 $0xFFFFD800  }
0x114: {  	[spmem:s2] =	stream.indirect.scatter.add.f32 [tilespmem:s28], [sflag:$0x5], $0x80, s15, s18, $0xb8;
	[tilespmem:$0x1CB80] =	vst v63  }
0x115: {  	_ =	swait.ge [sflag:s4], $0x2800  }
0x116: {  	[sflag:s4] =	ssyncset.done $0x0  }
0x117: {  	s5 =	sadd.s32 s19, s23;
	[sflag:s4] =	ssyncadd.s32 $0xFFFFD800  }
0x118: {  	[tilespmem:s14], [sflag:$0x8] =	stream.linear.gather [hbm4b:s5+s3], $0x50, $0x38;
	[tilespmem:$0x1CB80] =	vst v63  }
0x119: {  	s5 =	sadd.s32 s7, s23  }
0x11a: {  	[tilespmem:s15], [sflag:$0x8] =	stream.linear.gather [hbm4b:s5+s3], $0x50, $0x38;
	[tilespmem:$0x1CB80] =	vst v63  }
0x11b: {  	_ =	swait.ge [sflag:s17], $0x50  }
0x11c: {  	[sflag:s17] =	ssyncset.done $0x0  }
0x11d: {  	[sflag:s17] =	ssyncadd.s32 $0xFFFFFFB0  }
0x11e: {  	_ =	swait.ge [sflag:s17], $0x50  }
0x11f: {  	[sflag:s17] =	ssyncset.done $0x0  }
.Ltmp1:
0x120: {  	[sflag:s17] =	ssyncadd.s32 $0xFFFFFFB0;
	(pc) =	sbr.rel @p1 .LBB2_4-.Ltmp1, $4  }
0x121: {  	[tilespmem:s20], [sflag:$0x1] =	stream.indirect.gather [hbm4b:s1+s18], $0x80, s3, s18, $0xb8;
	[tilespmem:$0x1CB80] =	vst v63  }
0x122: {  	_ =	swait.ge [sflag:s8], $0x2800  }
0x123: {  	[sflag:s8] =	ssyncset.done $0x0  }
0x124: {  	s19 =	sadd.s32 $0x1E, s19;
	s7 =	sadd.s32 $0x1E, s7;
	[sflag:s8] =	ssyncadd.s32 $0xFFFFD800  }
0x125: {  	[spmem:s2] =	stream.indirect.scatter.add.f32 [tilespmem:s31], [sflag:$0x6], $0x80, s22, s18, $0xb8;
	[tilespmem:$0x1CB80] =	vst v63  }
0x126: {  	_ =	swait.ge [sflag:s9], $0x2800  }
0x127: {  	[sflag:s9] =	ssyncset.done $0x0  }
0x128: {  	[sflag:s9] =	ssyncadd.s32 $0xFFFFD800  }
0x129: {  	_ =	swait.ge [sflag:s26], $0x50  }
0x12a: {  	[sflag:s26] =	ssyncset.done $0x0  }
0x12b: {  	[sflag:s26] =	ssyncadd.s32 $0xFFFFFFB0  }
0x12c: {  	_ =	swait.ge [sflag:s26], $0x50  }
0x12d: {  	[sflag:s26] =	ssyncset.done $0x0  }
0x12e: {  	[sflag:s26] =	ssyncadd.s32 $0xFFFFFFB0  }
0x12f: {  	[tilespmem:s28], [sflag:$0x2] =	stream.indirect.gather [hbm4b:s1+s18], $0x80, s14, s18, $0xb8;
	[tilespmem:$0x1CB80] =	vst v63  }
0x130: {  	_ =	swait.ge [sflag:s29], $0x2800  }
0x131: {  	[sflag:s29] =	ssyncset.done $0x0  }
0x132: {  	[sflag:s29] =	ssyncadd.s32 $0xFFFFD800  }
0x133: {  	[spmem:s2] =	stream.indirect.scatter.add.f32 [tilespmem:s20], [sflag:$0x4], $0x80, s13, s18, $0xb8;
	[tilespmem:$0x1CB80] =	vst v63  }
0x134: {  	_ =	swait.ge [sflag:s16], $0x2800  }
0x135: {  	[sflag:s16] =	ssyncset.done $0x0  }
0x136: {  	[sflag:s16] =	ssyncadd.s32 $0xFFFFD800  }
0x137: {  	_ =	swait.ge [sflag:s0], $0x2800  }
0x138: {  	[sflag:s0] =	ssyncset.done $0x0  }
0x139: {  	[sflag:s0] =	ssyncadd.s32 $0xFFFFD800  }
0x13a: {  	[spmem:s2] =	stream.indirect.scatter.add.f32 [tilespmem:s28], [sflag:$0x5], $0x80, s15, s18, $0xb8;
	[tilespmem:$0x1CB80] =	vst v63  }
0x13b: {  	_ =	swait.ge [sflag:s4], $0x2800  }
0x13c: {  	[sflag:s4] =	ssyncset.done $0x0  }
0x13d: {  	[sflag:s4] =	ssyncadd.s32 $0xFFFFD800  }
0x13e: {  	s5 =	stileid.u32;
	[bflag:$0x0] =	sbarrier.arrive $0xFFFF  }
0x13f: {  	s19 =	simm.s32 $0xA;
	s5 =	sshll.u32 s5, $0x6;
	s7 =	rddreg [dreg:$0x11]  }
0x140: {  	s5 =	sor.u32 $0x1C0A, s5;
	s10 =	rddreg [dreg:$0x10];
	s7 =	sshrl.u32 s7, $0x3  }
0x141: {  	[hbm:s10], [sflag:s5] =	dma.local [spmem:s7], $0x2700  }
0x142: {  	_ =	swait.ge [sflag:s19], $0x2700  }
0x143: {  	[sflag:s19] =	ssyncset.done $0x0  }
0x144: {  	[sflag:s19] =	ssyncadd.s32 $0xFFFFD900;
	s19 =	rddreg [dreg:$0x5]  }
0x145: {  	s10 =	rddreg [dreg:$0x12];
	s7 =	sshrl.u32 @!p0 s19, $0x3  }
0x146: {  	[hbm:s10], [sflag:s5] =	dma.local @!p0 [spmem:s7], $0x100  }
0x147: {  	s5 =	simm.s32 @!p0 $0xA  }
0x148: {  	_ =	swait.ge @!p0 [sflag:s5], $0x100  }
0x149: {  	s11 =	sadd.s32 $0x1, s11;
	s10 =	rddreg [dreg:$0x13]  }
0x14a: {  	p1 =	sne.s32 s11, s10  }
.Ltmp2:
0x14b: {  	_ = 	snop;
	(pc) =	sbr.rel @p1 .LBB2_1-.Ltmp2, $3  }
0x14c: {  	_ =	sdelay $0x1  }
0x14d: {  	[sflag:s5] =	ssyncset.done @!p0 $0x0  }
0x14e: {  	[sflag:s5] =	ssyncadd.s32 @!p0 $0xFFFFFF00  }
0x14f: {  	_ =	sfence.sel $0x180000  }
0x150: {  	[bflag:$0x0] =	sbarrier.arrive $0xFFFF  }
0x151: {  	_ =	strace $0x9000004A  }
0x152: {  	[bflag:$0x2] =	sbarrier.arrive $0xFFFF  }
0x153: {  	s0 =	rddreg [dreg:$0x3]  }
0x154: {  	s0 =	sadd.s32 @!p0 $0x100000, s0  }
0x155: {  	[sflag:s0] =	ssyncadd.tile.s32 @!p0 $0x1;
	_ =	shalt  }
.Lfunc_end2:
_tile_overlayer_lowered:
.L_overlay_start_2:
0x156: {  	(tag) =	ssettag $0x2  }
0x157: {  	s0 =	rddreg [dreg:$0x0];
	s2 =	stileid.u32  }
0x158: {  	s1 =	rddreg [dreg:$0x1];
	p0 =	sne.s32 s2, $0x0  }
0x159: {  	s3 =	rddreg [dreg:$0x2];
	[bflag:$0x3] =	sbarrier.arrive $0xFFFF;
	s2 =	simm.s32 @!p0 $0x1C0A  }
0x15a: {  	[timem:s3], [sflag:s2] =	dma.local @!p0 [hbm:s0], s1  }
0x15b: {  	s0 =	simm.s32 @!p0 $0xA  }
0x15c: {  	_ =	swait.ge @!p0 [sflag:s0], s1  }
0x15d: {  	s1 =	ssub.s32 @!p0 $0x0, s1;
	[sflag:s0] =	ssyncset.done @!p0 $0x0  }
0x15e: {  	[sflag:s0] =	ssyncadd.s32 @!p0 s1  }
0x15f: {  	[bflag:$0x3] =	sbarrier.arrive $0xFFFF  }
0x160: {  	_ =	shalt  }

// kernel: kernel.8.cloned.1.call-start
scs
__scs_entry_jumppad:
0x0: {  	(pc) =	sbr.rel $0x88, $3  }
0x1: {  	(tag) =	ssettag $0x0;
	lr =	simm.s32 $0x1  }
0x2: {  	[smem:$0x3F95] =	sst lr;
	_ =	strace $0xD0000000  }
0x3: {  	_ = 	snop  }
0x4: {  	_ = 	snop  }
0x5: {  	_ = 	snop  }
0x6: {  	_ = 	snop  }
0x7: {  	_ = 	snop  }
__scs_overlays_trampoline_lowered:
0x8: {  	[smem:$0x3FA4] =	sst s0  }
0x9: {  	[smem:$0x3FA5] =	sst s1  }
0xa: {  	[smem:$0x3FA6] =	sst s2  }
0xb: {  	[smem:$0x3FA7] =	sst s3  }
0xc: {  	[smem:$0x3FA8] =	sst s4  }
0xd: {  	[smem:$0x3FA9] =	sst s5  }
0xe: {  	[smem:$0x3FAA] =	sst s6  }
0xf: {  	[smem:$0x3FAB] =	sst s7  }
0x10: {  	[smem:$0x3FAC] =	sst s8  }
0x11: {  	[smem:$0x3FAD] =	sst s9;
	s0 =	simm.s32 @!p0 $0x0  }
0x12: {  	s1 =	sld [smem:$0x3F93];
	s0 =	simm.s32 @p0 $0x1  }
0x13: {  	[smem:$0x3FAE] =	sst s0;
	s0 =	simm.s32 @!p1 $0x0  }
0x14: {  	s2 =	sld [smem:$0x3F92];
	s0 =	simm.s32 @p1 $0x1  }
0x15: {  	[smem:$0x3FAF] =	sst s0;
	s0 =	simm.s32 @!p2 $0x0  }
0x16: {  	s3 =	sld [smem:$0x3FDB];
	s0 =	simm.s32 @p2 $0x1  }
0x17: {  	s4 =	simm.s32 $0x1BF5;
	[smem:$0x3FB1] =	sst s0  }
0x18: {  	s0 =	sld [smem:$0x3F94];
	_ =	swait.ge [sflag:s4], $0x0  }
0x19: {  	s7 =	sld [smem:$0x3F95]  }
0x1a: {  	s8 =	sadd.s32 $0xFFFFE003, lr  }
0x1b: {  	s9 =	sadd.s32 $0xFFFFFEF7, lr;
	s5 =	simm.s32 $0xFFFFFFFF;
	p2 =	slt.u32 s8, $0xFFFFF086  }
0x1c: {  	p1 =	slt.u32 s9, $0xF7A;
	s5 =	simm.s32 @!p2 $0x0  }
0x1d: {  	s5 =	simm.s32 @p1 $0x1;
	p0 =	seq.s32 s7, s2  }
0x1e: {  	s7 =	smul.u32 @!p0 $0xF7A, s2;
	p2 =	seq.s32 @!p0 s5, $0x0  }
0x1f: {  	s9 =	smul.u32 $0xF7A, s1;
	s8 =	simm.s32 @!p0 $0x1BF5;
	p2 =	por !p2, p0  }
0x20: {  	[sflag:s8] =	ssyncset.s32 @!p0 $0xFFFFF086;
	s6 =	sadd.s32 @!p0 s3, s7;
	s7 =	simm.s32 @!p0 $0x108  }
0x21: {  	s3 =	sadd.s32 s3, s9;
	s6 =	sadd.s32 @!p0 $0x88, s6;
	s7 =	simm.s32 @p2 $0x1082  }
0x22: {  	[simem:s7], [sflag:s8] =	dma.local @!p0 [hbm:s6], $0xF7A  }
0x23: {  	s9 =	sor.u32 $0xD0000000, s2;
	s6 =	simm.s32 $0x108;
	_ =	swait.ge @!p0 [sflag:s8], $0x0  }
0x24: {  	s3 =	sadd.s32 $0x88, s3;
	s6 =	simm.s32 @!p1 $0x1082;
	[sflag:s4] =	ssyncset.s32 $0xFFFFF086  }
0x25: {  	[simem:s6], [sflag:s4] =	dma.local [hbm:s3], $0xF7A  }
0x26: {  	[smem:$0x3F95] =	sst s1;
	(tag) =	ssettag s2;
	_ =	strace s9  }
0x27: {  	s1 =	sld [smem:$0x3FA5]  }
0x28: {  	s2 =	sld [smem:$0x3FA6]  }
0x29: {  	s4 =	sld [smem:$0x3FA8]  }
0x2a: {  	p0 =	seq.s32 s5, $0x0;
	s5 =	sld [smem:$0x3FA9]  }
0x2b: {  	s6 =	sld [smem:$0x3FAA]  }
0x2c: {  	s7 =	sld [smem:$0x3FAB]  }
0x2d: {  	s3 =	simm.s32 $0x108;
	s8 =	sld [smem:$0x3FAC]  }
0x2e: {  	s3 =	simm.s32 @!p0 $0x1082;
	s9 =	sld [smem:$0x3FAD]  }
0x2f: {  	lr =	sadd.s32 s0, s3;
	s0 =	sld [smem:$0x3FA4]  }
0x30: {  	s3 =	sld [smem:$0x3FA7]  }
0x31: {  	[smem:$0x3FB0] =	sst s10  }
0x32: {  	s10 =	sld [smem:$0x3FAE];
	_ =	sdelay $0x3  }
0x33: {  	p0 =	seq.s32 s10, $0x1;
	s10 =	sld [smem:$0x3FB0];
	_ =	sdelay $0x3  }
0x34: {  	[smem:$0x3FB0] =	sst s10  }
0x35: {  	s10 =	sld [smem:$0x3FAF];
	_ =	sdelay $0x3  }
0x36: {  	p1 =	seq.s32 s10, $0x1;
	s10 =	sld [smem:$0x3FB0];
	_ =	sdelay $0x3  }
0x37: {  	[smem:$0x3FB0] =	sst s10  }
0x38: {  	s10 =	sld [smem:$0x3FB1]  }
0x39: {  	_ = 	snop;
	(pc) =	sbr.ind lr, $3  }
0x3a: {  	_ = 	snop  }
0x3b: {  	_ = 	snop  }
0x3c: {  	p2 =	seq.s32 s10, $0x1;
	s10 =	sld [smem:$0x3FB0]  }
0x3d: {  	_ =	shalt  }
0x3e: {  	_ =	shalt  }
0x3f: {  	_ =	shalt  }
0x40: {  	_ =	shalt  }
0x41: {  	_ =	shalt  }
0x42: {  	_ =	shalt  }
0x43: {  	_ =	shalt  }
0x44: {  	_ =	shalt  }
0x45: {  	_ =	shalt  }
0x46: {  	_ =	shalt  }
0x47: {  	_ =	shalt  }
0x48: {  	_ =	shalt  }
0x49: {  	_ =	shalt  }
0x4a: {  	_ =	shalt  }
0x4b: {  	_ =	shalt  }
0x4c: {  	_ =	shalt  }
0x4d: {  	_ =	shalt  }
0x4e: {  	_ =	shalt  }
0x4f: {  	_ =	shalt  }
0x50: {  	_ =	shalt  }
0x51: {  	_ =	shalt  }
0x52: {  	_ =	shalt  }
0x53: {  	_ =	shalt  }
0x54: {  	_ =	shalt  }
0x55: {  	_ =	shalt  }
0x56: {  	_ =	shalt  }
0x57: {  	_ =	shalt  }
0x58: {  	_ =	shalt  }
0x59: {  	_ =	shalt  }
0x5a: {  	_ =	shalt  }
0x5b: {  	_ =	shalt  }
0x5c: {  	_ =	shalt  }
0x5d: {  	_ =	shalt  }
0x5e: {  	_ =	shalt  }
0x5f: {  	_ =	shalt  }
0x60: {  	_ =	shalt  }
0x61: {  	_ =	shalt  }
0x62: {  	_ =	shalt  }
0x63: {  	_ =	shalt  }
0x64: {  	_ =	shalt  }
0x65: {  	_ =	shalt  }
0x66: {  	_ =	shalt  }
0x67: {  	_ =	shalt  }
0x68: {  	_ =	shalt  }
0x69: {  	_ =	shalt  }
0x6a: {  	_ =	shalt  }
0x6b: {  	_ =	shalt  }
0x6c: {  	_ =	shalt  }
0x6d: {  	_ =	shalt  }
0x6e: {  	_ =	shalt  }
0x6f: {  	_ =	shalt  }
0x70: {  	_ =	shalt  }
0x71: {  	_ =	shalt  }
0x72: {  	_ =	shalt  }
0x73: {  	_ =	shalt  }
0x74: {  	_ =	shalt  }
0x75: {  	_ =	shalt  }
0x76: {  	_ =	shalt  }
0x77: {  	_ =	shalt  }
0x78: {  	_ =	shalt  }
0x79: {  	_ =	shalt  }
0x7a: {  	_ =	shalt  }
0x7b: {  	_ =	shalt  }
0x7c: {  	_ =	shalt  }
0x7d: {  	_ =	shalt  }
0x7e: {  	_ =	shalt  }
0x7f: {  	_ =	shalt  }
0x80: {  	_ =	shalt  }
0x81: {  	_ =	shalt  }
0x82: {  	_ =	shalt  }
0x83: {  	_ =	shalt  }
0x84: {  	_ =	shalt  }
0x85: {  	_ =	shalt  }
0x86: {  	_ =	shalt  }
0x87: {  	_ =	shalt  }
.Lfunc_end0:
.L_simem_size_0:
called_computation_lowered:
.L_overlay_start_0:
0x88: {  	s2 =	sld [smem:$0x3FD9]  }
0x89: {  	s3 =	sld [smem:$0x3FFE];
	_ =	sdelay $0x1  }
0x8a: {  	s1 =	srdreg.scid  }
0x8b: {  	s0 =	sand.u32 $0x1, s1  }
0x8c: {  	s17 =	sshll.u32 s0, $0xA;
	s2 =	sadd.s32 s3, s2  }
0x8d: {  	s2 =	sadd.s32 s2, s17  }
0x8e: {  	[smem:$0x3FBC] =	sst s2  }
0x8f: {  	_ = 	snop  }
0x90: {  	s2 =	sld [smem:$0x3FC9];
	(tm) =	ssettm $0x1  }
0x91: {  	s18 =	sld [smem:$0x3FFB];
	_ =	sdelay $0x3  }
0x92: {  	_ =	strace s18  }
0x93: {  	s3 =	sld [smem:$0x3FFC];
	_ =	sdelay $0x3  }
0x94: {  	_ =	strace s3  }
0x95: {  	s3 =	sld [smem:$0x3FFD];
	_ =	sdelay $0x3  }
0x96: {  	_ =	strace s3  }
0x97: {  	_ =	strace $0x8FFFFFFF  }
0x98: {  	s19 =	sld [smem:$0x3FDB];
	_ =	sdelay $0x1  }
0x99: {  	s4 =	simm.s32 $_scs_section_size  }
0x9a: {  	s5 =	simm.s32 $_size__tile_overlayer_lowered;
	s6 =	simm.s32 $_tile_overlayer_lowered  }
0x9b: {  	s22 =	simm.s32 $0x1BFF;
	s21 =	sshll.u32 s6, $0x1;
	s3 =	sadd.s32 s4, s19  }
0x9c: {  	s7 =	simm.s32 $0x0;
	s20 =	sshll.u32 s5, $0x1;
	s5 =	sadd.s32 s21, s3  }
0x9d: {  	[timem:s7], [sflag:s22] =	dma.local [hbm:s5], s20  }
0x9e: {  	_ =	swait.ge [sflag:s22], s20  }
0x9f: {  	s4 =	ssub.s32 $0x0, s20;
	[sflag:s22] =	ssyncset.done $0x0  }
0xa0: {  	[sflag:s22] =	ssyncadd.s32 s4;
	_ =	sdelay $0x1  }
0xa1: {  	s23 =	simm.s32 $0x1B8B  }
0xa2: {  	_ =	swait.ge [sflag:s23], $0x1  }
0xa3: {  	[sflag:s23] =	ssyncset.done $0x0  }
0xa4: {  	s25 =	simm.s32 $0x1B8E;
	s24 =	sld [smem:$0x3FFE];
	[sflag:s23] =	ssyncadd.s32 $0xFFFFFFFF  }
0xa5: {  	s26 =	simm.s32 $execute0_lowered;
	[smem:$0x3FD2] =	sst s25  }
0xa6: {  	s5 =	sshll.u32 s26, $0x1;
	_ =	strace $0x80000046;
	[dreg:$0x1] =	wrdreg $0xFFFFFFFF  }
0xa7: {  	s28 =	simm.s32 $_size_execute0_lowered;
	s3 =	sadd.s32 s3, s5;
	[dreg:$0x0] =	wrdreg $0x0  }
0xa8: {  	s5 =	sshll.u32 s28, $0x1;
	[dreg:$0x2] =	wrdreg s3  }
0xa9: {  	[dreg:$0x3] =	wrdreg s5  }
0xaa: {  	[dreg:$0x4] =	wrdreg $0xC0  }
0xab: {  	_ =	task [dreg:s7], $0x5FFFF  }
0xac: {  	[dreg:$0x1] =	wrdreg $0xFFFFFFFF  }
0xad: {  	[dreg:$0x0] =	wrdreg $0x60  }
0xae: {  	[dreg:$0x2] =	wrdreg s2  }
0xaf: {  	[dreg:$0x3] =	wrdreg s24  }
0xb0: {  	[dreg:$0x4] =	wrdreg $0x93000  }
0xb1: {  	[dreg:$0x5] =	wrdreg $0x9  }
0xb2: {  	_ =	task.clear_ibuf [dreg:s7], $0x6FFFF;
	_ =	strace $0x90000046  }
0xb3: {  	s29 =	simm.s32 $0x9;
	_ =	strace $0x80000048  }
0xb4: {  	_ =	swait.ge [sflag:s29], $0x1  }
0xb5: {  	[sflag:s29] =	ssyncadd.s32 $0xFFFFFFFF  }
0xb6: {  	_ =	strace $0x90000048  }
0xb7: {  	_ =	sfence  }
0xb8: {  	s30 =	sld [smem:$0x0];
	_ =	sdelay $0x2  }
0xb9: {  	s31 =	sshll.u32 s1, $0xD;
	s1 =	sshrl.u32 s1, $0x2  }
0xba: {  	s3 =	sand.u32 $0x4000, s31;
	s1 =	sadd.s32 s1, s30  }
0xbb: {  	s0 =	sor.u32 s3, s0;
	s1 =	sshll.u32 s1, $0x11  }
0xbc: {  	s0 =	sor.u32 s1, s0  }
0xbd: {  	s0 =	sadd.s32 $0x8F2B, s0  }
0xbe: {  	[sflag:s0] =	ssyncadd.remote.s32 $0x1  }
0xbf: {  	_ =	sfence.sel $0xFFFF  }
0xc0: {  	[dreg:$0x0] =	wrdreg $0xFFFFFFFF;
	(pc) =	sbr.abs _section_cstart, $3  }
0xc1: {  	[dreg:$0x1] =	wrdreg $0xFFFFFFFF  }
0xc2: {  	_ =	task.clear_ibuf [dreg:s7], $0x2FFFF;
	_ =	strace $0x9FFFFFFF  }
0xc3: {  	(tm) =	ssettm $0x7FFFFFFF  }
tec
execute0_lowered:
.L_overlay_start_1:
0x0: {  	(tag) =	ssettag $0x1  }
0x1: {  	s1 =	rddreg [dreg:$0x0]  }
0x2: {  	s0 =	rddreg [dreg:$0x1]  }
0x3: {  	s2 =	rddreg [dreg:$0x2];
	s3 =	simm.s32 $0x0;
	s4 =	srdreg.scid  }
0x4: {  	s12 =	stileid.u32;
	s28 =	simm.s32 $0x2B00;
	s29 =	simm.s32 $0x1  }
0x5: {  	s4 =	sand.u32 $0x1, s4;
	s5 =	sshll.u32 s12, $0x1;
	s11 =	smul.u32 $0x13800, s12  }
0x6: {  	[smem:$0x7FF] =	sst s3;
	s24 =	smul.u32 $0x4E000, s12;
	s6 =	sor.u32 s4, s5  }
0x7: {  	s26 =	sadd.s32 $0xC600, s0;
	s19 =	sadd.s32 $0x138000, s2;
	s8 =	smul.u32 $0x2710, s6  }
0x8: {  	_ =	strace $0x80000047;
	s7 =	ssub.s32 $0x2, s4;
	[dreg:$0x4] =	wrdreg s26  }
0x9: {  	s20 =	smul.u32 $0x138800, s4;
	[dreg:$0x5] =	wrdreg s19;
	s8 =	sshrl.u32 s8, $0x3  }
0xa: {  	s6 =	sadd.s32 $0x2800, s0;
	s9 =	sshrl.u32 s7, $0x1;
	s14 =	sadd.s32 s26, s8  }
0xb: {  	s15 =	sadd.s32 s6, s8;
	s16 =	sadd.s32 $0xA, s8;
	[dreg:$0x6] =	wrdreg s14  }
0xc: {  	s7 =	ssub.s32 s7, s9;
	[dreg:$0x7] =	wrdreg s15;
	s10 =	sadd.s32 s26, s16  }
0xd: {  	s17 =	sadd.s32 $0x14, s8;
	s9 =	sadd.s32 s6, s16;
	[dreg:$0x8] =	wrdreg s10  }
0xe: {  	s21 =	sadd.s32 $0x1E, s8;
	s18 =	sadd.s32 s26, s17;
	[dreg:$0x9] =	wrdreg s9  }
0xf: {  	s8 =	sadd.s32 $0x28, s8;
	s13 =	sadd.s32 s26, s21;
	[dreg:$0xa] =	wrdreg s18  }
0x10: {  	s0 =	sadd.s32 $0x16400, s0;
	s5 =	sadd.s32 s26, s8;
	[dreg:$0xc] =	wrdreg s13  }
0x11: {  	s23 =	sadd.s32 s11, s20;
	s22 =	sadd.s32 s6, s8;
	[dreg:$0xe] =	wrdreg s5  }
0x12: {  	s8 =	sshrl.u32 s23, $0x3;
	s9 =	sadd.s32 s6, s17;
	[dreg:$0xf] =	wrdreg s22  }
0x13: {  	s10 =	sadd.s32 s6, s21;
	[dreg:$0xb] =	wrdreg s9;
	s9 =	sshrl.u32 s20, $0x3  }
0x14: {  	[dreg:$0xd] =	wrdreg s10;
	s9 =	sadd.s32 s0, s9;
	s0 =	sadd.s32 s0, s8  }
0x15: {  	s10 =	sshrl.u32 s24, $0x2;
	s8 =	smax.u32 s7, $0x1;
	[dreg:$0x10] =	wrdreg s0  }
0x16: {  	s30 =	simm.s32 $0x9;
	s5 =	sadd.s32 s10, s2;
	[dreg:$0x13] =	wrdreg s8  }
0x17: {  	s25 =	smul.u32 $0x4E20, s12;
	s26 =	sadd.s32 $0x27000, s9;
	[dreg:$0x11] =	wrdreg s5  }
0x18: {  	p0 =	sne.s32 s12, $0x0;
	s9 =	sadd.s32 $0x1800, s5;
	[dreg:$0x12] =	wrdreg s26  }
0x19: {  	s4 =	smul.u32 $0x2710, s4;
	s12 =	sadd.s32 $0x3000, s5;
	[dreg:$0x14] =	wrdreg s9  }
0x1a: {  	s31 =	simm.s32 $0x5300;
	s13 =	sadd.s32 $0x4800, s5;
	[dreg:$0x15] =	wrdreg s12  }
0x1b: {  	s10 =	sadd.s32 s4, s25;
	s14 =	sadd.s32 $0x6000, s5;
	[dreg:$0x16] =	wrdreg s13  }
0x1c: {  	s4 =	sadd.s32 $0x230, s10;
	s15 =	sadd.s32 $0x7800, s5;
	[dreg:$0x17] =	wrdreg s14  }
0x1d: {  	s11 =	sadd.s32 $0x1E0, s10;
	s16 =	sadd.s32 $0x9000, s5;
	[dreg:$0x18] =	wrdreg s15  }
0x1e: {  	s0 =	sadd.s32 $0x190, s10;
	s17 =	sadd.s32 $0xA800, s5;
	[dreg:$0x19] =	wrdreg s16  }
0x1f: {  	s18 =	sadd.s32 $0xC000, s5;
	s20 =	sadd.s32 $0xD800, s5;
	[dreg:$0x1a] =	wrdreg s17  }
0x20: {  	s21 =	sadd.s32 $0xF000, s5;
	s22 =	sadd.s32 $0x10800, s5;
	[dreg:$0x1b] =	wrdreg s18  }
0x21: {  	s8 =	simm.s32 $0x3;
	s23 =	sshrl.u32 s4, $0x3;
	[dreg:$0x1c] =	wrdreg s20  }
0x22: {  	s24 =	sshrl.u32 s11, $0x3;
	s25 =	sshrl.u32 s0, $0x3;
	[dreg:$0x1d] =	wrdreg s21  }
0x23: {  	[dreg:$0x1e] =	wrdreg s22;
	s26 =	sadd.s32 $0x12000, s5;
	s12 =	simm.s32 $0x7B00  }
0x24: {  	s13 =	simm.s32 $0x180;
	s14 =	simm.s32 $0x80;
	s15 =	simm.s32 $0x200  }
0x25: {  	s16 =	simm.s32 $0x4;
	s17 =	simm.s32 $0x7;
	s18 =	simm.s32 $0x50  }
0x26: {  	s20 =	simm.s32 $0x300;
	s21 =	simm.s32 $0x100;
	s22 =	simm.s32 $0x280  }
0x27: {  	s0 =	simm.s32 $0x2;
	s4 =	simm.s32 $0x5;
	s9 =	simm.s32 $0x6  }
0x28: {  	v0 =	vimm.f32 $0.0e+00;
	s11 =	simm.s32 $0x0;
	[dreg:$0x1f] =	wrdreg s26;
	s26 =	simm.s32 $0x8  }
.LBB2_1:
0x29: {  	s7 =	simm.s32 $0x70;
	s10 =	simm.s32 $0x3C0  }
.LBB2_2:
0x2a: {  	p1 =	sne.s32 s10, $0x5FC0;
	[tilespmem:s7+$0x7B00] =	vst v0  }
0x2b: {  	[tilespmem:s7+$0x7A90] =	vst v0  }
0x2c: {  	[tilespmem:s7+$0x7AA0] =	vst v0  }
.Ltmp0:
0x2d: {  	[tilespmem:s7+$0x7AB0] =	vst v0;
	(pc) =	sbr.rel @p1 .LBB2_2-.Ltmp0, $4  }
0x2e: {  	[tilespmem:s7+$0x7AC0] =	vst v0  }
0x2f: {  	[tilespmem:s7+$0x7AD0] =	vst v0  }
0x30: {  	[tilespmem:s7+$0x7AE0] =	vst v0  }
0x31: {  	[tilespmem:s7+$0x7AF0] =	vst v0;
	s7 =	sshra.s32 s10, $0x2;
	s10 =	sadd.s32 $0x200, s10  }
0x32: {  	[tilespmem:s7+$0x7B00] =	vst v0  }
0x33: {  	[tilespmem:s7+$0x7A90] =	vst v0  }
0x34: {  	[tilespmem:s7+$0x7AA0] =	vst v0  }
0x35: {  	[tilespmem:s7+$0x7AB0] =	vst v0  }
0x36: {  	[tilespmem:s7+$0x7AC0] =	vst v0  }
0x37: {  	[tilespmem:s7+$0x7AD0] =	vst v0  }
0x38: {  	[tilespmem:s7+$0x7AE0] =	vst v0  }
0x39: {  	[tilespmem:s7+$0x7AF0] =	vst v0;
	s5 =	rddreg [dreg:$0x11]  }
0x3a: {  	[spmem:s5] =	stream.linear.scatter [tilespmem:s12], [sflag:$0x4], $0x1800, $0x38;
	[tilespmem:$0x1CB80] =	vst v63  }
0x3b: {  	s7 =	rddreg [dreg:$0x14]  }
0x3c: {  	[spmem:s7] =	stream.linear.scatter [tilespmem:s12], [sflag:$0x4], $0x1800, $0x38;
	[tilespmem:$0x1CB80] =	vst v63  }
0x3d: {  	s10 =	rddreg [dreg:$0x15]  }
0x3e: {  	[spmem:s10] =	stream.linear.scatter [tilespmem:s12], [sflag:$0x4], $0x1800, $0x38;
	[tilespmem:$0x1CB80] =	vst v63  }
0x3f: {  	s7 =	rddreg [dreg:$0x16]  }
0x40: {  	[spmem:s7] =	stream.linear.scatter [tilespmem:s12], [sflag:$0x4], $0x1800, $0x38;
	[tilespmem:$0x1CB80] =	vst v63  }
0x41: {  	s10 =	rddreg [dreg:$0x17]  }
0x42: {  	[spmem:s10] =	stream.linear.scatter [tilespmem:s12], [sflag:$0x4], $0x1800, $0x38;
	[tilespmem:$0x1CB80] =	vst v63  }
0x43: {  	s7 =	rddreg [dreg:$0x18]  }
0x44: {  	[spmem:s7] =	stream.linear.scatter [tilespmem:s12], [sflag:$0x4], $0x1800, $0x38;
	[tilespmem:$0x1CB80] =	vst v63  }
0x45: {  	s10 =	rddreg [dreg:$0x19]  }
0x46: {  	[spmem:s10] =	stream.linear.scatter [tilespmem:s12], [sflag:$0x4], $0x1800, $0x38;
	[tilespmem:$0x1CB80] =	vst v63  }
0x47: {  	s7 =	rddreg [dreg:$0x1a]  }
0x48: {  	[spmem:s7] =	stream.linear.scatter [tilespmem:s12], [sflag:$0x4], $0x1800, $0x38;
	[tilespmem:$0x1CB80] =	vst v63  }
0x49: {  	s10 =	rddreg [dreg:$0x1b]  }
0x4a: {  	[spmem:s10] =	stream.linear.scatter [tilespmem:s12], [sflag:$0x4], $0x1800, $0x38;
	[tilespmem:$0x1CB80] =	vst v63  }
0x4b: {  	s7 =	rddreg [dreg:$0x1c]  }
0x4c: {  	[spmem:s7] =	stream.linear.scatter [tilespmem:s12], [sflag:$0x4], $0x1800, $0x38;
	[tilespmem:$0x1CB80] =	vst v63  }
0x4d: {  	s10 =	rddreg [dreg:$0x1d]  }
0x4e: {  	[spmem:s10] =	stream.linear.scatter [tilespmem:s12], [sflag:$0x4], $0x1800, $0x38;
	[tilespmem:$0x1CB80] =	vst v63  }
0x4f: {  	s7 =	rddreg [dreg:$0x1e]  }
0x50: {  	[spmem:s7] =	stream.linear.scatter [tilespmem:s12], [sflag:$0x4], $0x1800, $0x38;
	[tilespmem:$0x1CB80] =	vst v63  }
0x51: {  	s10 =	rddreg [dreg:$0x1f]  }
0x52: {  	[spmem:s10] =	stream.linear.scatter [tilespmem:s12], [sflag:$0x4], $0x1800, $0x38;
	[tilespmem:$0x1CB80] =	vst v63  }
0x53: {  	s7 =	simm.s32 @!p0 $0x7B00  }
0x54: {  	[spmem:s19] =	stream.linear.scatter @!p0 [tilespmem:s7], [sflag:$0x5], $0x800, $0x38;
	[tilespmem:$0x1CB80] =	vst v63  }
0x55: {  	s7 =	rddreg [dreg:$0x6]  }
0x56: {  	[tilespmem:s3], [sflag:$0x7] =	stream.linear.gather [hbm4b:s7+s3], $0x50, $0x38;
	[tilespmem:$0x1CB80] =	vst v63  }
0x57: {  	s10 =	rddreg [dreg:$0x7]  }
0x58: {  	[tilespmem:s13], [sflag:$0x7] =	stream.linear.gather [hbm4b:s10+s3], $0x50, $0x38;
	[tilespmem:$0x1CB80] =	vst v63  }
0x59: {  	s19 =	rddreg [dreg:$0x8]  }
0x5a: {  	[tilespmem:s14], [sflag:$0x8] =	stream.linear.gather [hbm4b:s19+s3], $0x50, $0x38;
	[tilespmem:$0x1CB80] =	vst v63  }
0x5b: {  	s7 =	rddreg [dreg:$0x9]  }
0x5c: {  	[tilespmem:s15], [sflag:$0x8] =	stream.linear.gather [hbm4b:s7+s3], $0x50, $0x38;
	[tilespmem:$0x1CB80] =	vst v63  }
0x5d: {  	_ =	swait.ge [sflag:s16], $0x1800  }
0x5e: {  	[sflag:s16] =	ssyncset.done $0x0  }
0x5f: {  	[sflag:s16] =	ssyncadd.s32 $0xFFFFE800  }
0x60: {  	_ =	swait.ge [sflag:s16], $0x1800  }
0x61: {  	[sflag:s16] =	ssyncset.done $0x0  }
0x62: {  	[sflag:s16] =	ssyncadd.s32 $0xFFFFE800  }
0x63: {  	_ =	swait.ge [sflag:s16], $0x1800  }
0x64: {  	[sflag:s16] =	ssyncset.done $0x0  }
0x65: {  	[sflag:s16] =	ssyncadd.s32 $0xFFFFE800  }
0x66: {  	_ =	swait.ge [sflag:s16], $0x1800  }
0x67: {  	[sflag:s16] =	ssyncset.done $0x0  }
0x68: {  	[sflag:s16] =	ssyncadd.s32 $0xFFFFE800  }
0x69: {  	_ =	swait.ge [sflag:s16], $0x1800  }
0x6a: {  	[sflag:s16] =	ssyncset.done $0x0  }
0x6b: {  	[sflag:s16] =	ssyncadd.s32 $0xFFFFE800  }
0x6c: {  	_ =	swait.ge [sflag:s16], $0x1800  }
0x6d: {  	[sflag:s16] =	ssyncset.done $0x0  }
0x6e: {  	[sflag:s16] =	ssyncadd.s32 $0xFFFFE800  }
0x6f: {  	_ =	swait.ge [sflag:s16], $0x1800  }
0x70: {  	[sflag:s16] =	ssyncset.done $0x0  }
0x71: {  	[sflag:s16] =	ssyncadd.s32 $0xFFFFE800  }
0x72: {  	_ =	swait.ge [sflag:s16], $0x1800  }
0x73: {  	[sflag:s16] =	ssyncset.done $0x0  }
0x74: {  	[sflag:s16] =	ssyncadd.s32 $0xFFFFE800  }
0x75: {  	_ =	swait.ge [sflag:s16], $0x1800  }
0x76: {  	[sflag:s16] =	ssyncset.done $0x0  }
0x77: {  	[sflag:s16] =	ssyncadd.s32 $0xFFFFE800  }
0x78: {  	_ =	swait.ge [sflag:s16], $0x1800  }
0x79: {  	[sflag:s16] =	ssyncset.done $0x0  }
0x7a: {  	[sflag:s16] =	ssyncadd.s32 $0xFFFFE800  }
0x7b: {  	_ =	swait.ge [sflag:s16], $0x1800  }
0x7c: {  	[sflag:s16] =	ssyncset.done $0x0  }
0x7d: {  	[sflag:s16] =	ssyncadd.s32 $0xFFFFE800  }
0x7e: {  	_ =	swait.ge [sflag:s16], $0x1800  }
0x7f: {  	[sflag:s16] =	ssyncset.done $0x0  }
0x80: {  	[sflag:s16] =	ssyncadd.s32 $0xFFFFE800  }
0x81: {  	_ =	swait.ge [sflag:s16], $0x1800  }
0x82: {  	[sflag:s16] =	ssyncset.done $0x0  }
0x83: {  	s7 =	simm.s32 @!p0 $0x5;
	[sflag:s16] =	ssyncadd.s32 $0xFFFFE800  }
0x84: {  	_ =	swait.ge @!p0 [sflag:s7], $0x800  }
0x85: {  	[sflag:s7] =	ssyncset.done @!p0 $0x0  }
0x86: {  	[sflag:s7] =	ssyncadd.s32 @!p0 $0xFFFFF800  }
0x87: {  	_ =	swait.ge [sflag:s17], $0x50  }
0x88: {  	[sflag:s17] =	ssyncset.done $0x0  }
0x89: {  	[sflag:s17] =	ssyncadd.s32 $0xFFFFFFB0  }
0x8a: {  	_ =	swait.ge [sflag:s17], $0x50  }
0x8b: {  	[sflag:s17] =	ssyncset.done $0x0  }
0x8c: {  	[sflag:s17] =	ssyncadd.s32 $0xFFFFFFB0  }
0x8d: {  	[tilespmem:s20], [sflag:$0x1] =	stream.indirect.gather [hbm4b:s1+s18], $0x80, s3, s18, $0xb8;
	[tilespmem:$0x1CB80] =	vst v63  }
0x8e: {  	[bflag:$0x0] =	sbarrier.arrive $0xFFFF  }
0x8f: {  	s10 =	rddreg [dreg:$0xa]  }
0x90: {  	[tilespmem:s21], [sflag:$0x9] =	stream.linear.gather [hbm4b:s10+s3], $0x50, $0x38;
	[tilespmem:$0x1CB80] =	vst v63  }
0x91: {  	s19 =	rddreg [dreg:$0xb]  }
0x92: {  	[tilespmem:s22], [sflag:$0x9] =	stream.linear.gather [hbm4b:s19+s3], $0x50, $0x38;
	[tilespmem:$0x1CB80] =	vst v63  }
0x93: {  	_ =	swait.ge [sflag:s26], $0x50  }
0x94: {  	[sflag:s26] =	ssyncset.done $0x0  }
0x95: {  	[sflag:s26] =	ssyncadd.s32 $0xFFFFFFB0  }
0x96: {  	_ =	swait.ge [sflag:s26], $0x50  }
0x97: {  	[sflag:s26] =	ssyncset.done $0x0  }
0x98: {  	[sflag:s26] =	ssyncadd.s32 $0xFFFFFFB0  }
0x99: {  	[tilespmem:s28], [sflag:$0x2] =	stream.indirect.gather [hbm4b:s1+s18], $0x80, s14, s18, $0xb8;
	[tilespmem:$0x1CB80] =	vst v63  }
0x9a: {  	_ =	swait.ge [sflag:s29], $0x2800  }
0x9b: {  	[sflag:s29] =	ssyncset.done $0x0  }
0x9c: {  	[sflag:s29] =	ssyncadd.s32 $0xFFFFD800  }
0x9d: {  	[spmem:s2] =	stream.indirect.scatter.add.f32 [tilespmem:s20], [sflag:$0x4], $0x80, s13, s18, $0xb8;
	[tilespmem:$0x1CB80] =	vst v63  }
0x9e: {  	_ =	swait.ge [sflag:s16], $0x2800  }
0x9f: {  	[sflag:s16] =	ssyncset.done $0x0  }
0xa0: {  	s7 =	rddreg [dreg:$0xc];
	[sflag:s16] =	ssyncadd.s32 $0xFFFFD800  }
0xa1: {  	[tilespmem:s3], [sflag:$0x7] =	stream.linear.gather [hbm4b:s7+s3], $0x50, $0x38;
	[tilespmem:$0x1CB80] =	vst v63  }
0xa2: {  	s10 =	rddreg [dreg:$0xd]  }
0xa3: {  	[tilespmem:s13], [sflag:$0x7] =	stream.linear.gather [hbm4b:s10+s3], $0x50, $0x38;
	[tilespmem:$0x1CB80] =	vst v63  }
0xa4: {  	_ =	swait.ge [sflag:s30], $0x50  }
0xa5: {  	[sflag:s30] =	ssyncset.done $0x0  }
0xa6: {  	[sflag:s30] =	ssyncadd.s32 $0xFFFFFFB0  }
0xa7: {  	_ =	swait.ge [sflag:s30], $0x50  }
0xa8: {  	[sflag:s30] =	ssyncset.done $0x0  }
0xa9: {  	[sflag:s30] =	ssyncadd.s32 $0xFFFFFFB0  }
0xaa: {  	[tilespmem:s31], [sflag:$0x3] =	stream.indirect.gather [hbm4b:s1+s18], $0x80, s21, s18, $0xb8;
	[tilespmem:$0x1CB80] =	vst v63  }
0xab: {  	_ =	swait.ge [sflag:s0], $0x2800  }
0xac: {  	[sflag:s0] =	ssyncset.done $0x0  }
0xad: {  	[sflag:s0] =	ssyncadd.s32 $0xFFFFD800  }
0xae: {  	[spmem:s2] =	stream.indirect.scatter.add.f32 [tilespmem:s28], [sflag:$0x5], $0x80, s15, s18, $0xb8;
	[tilespmem:$0x1CB80] =	vst v63  }
0xaf: {  	_ =	swait.ge [sflag:s4], $0x2800  }
0xb0: {  	[sflag:s4] =	ssyncset.done $0x0  }
0xb1: {  	s19 =	rddreg [dreg:$0xe];
	[sflag:s4] =	ssyncadd.s32 $0xFFFFD800  }
0xb2: {  	[tilespmem:s14], [sflag:$0x8] =	stream.linear.gather [hbm4b:s19+s3], $0x50, $0x38;
	[tilespmem:$0x1CB80] =	vst v63  }
0xb3: {  	s7 =	rddreg [dreg:$0xf]  }
0xb4: {  	[tilespmem:s15], [sflag:$0x8] =	stream.linear.gather [hbm4b:s7+s3], $0x50, $0x38;
	[tilespmem:$0x1CB80] =	vst v63  }
0xb5: {  	_ =	swait.ge [sflag:s17], $0x50  }
0xb6: {  	[sflag:s17] =	ssyncset.done $0x0  }
0xb7: {  	[sflag:s17] =	ssyncadd.s32 $0xFFFFFFB0  }
0xb8: {  	_ =	swait.ge [sflag:s17], $0x50  }
0xb9: {  	[sflag:s17] =	ssyncset.done $0x0  }
0xba: {  	[sflag:s17] =	ssyncadd.s32 $0xFFFFFFB0  }
0xbb: {  	[tilespmem:s20], [sflag:$0x1] =	stream.indirect.gather [hbm4b:s1+s18], $0x80, s3, s18, $0xb8;
	[tilespmem:$0x1CB80] =	vst v63  }
0xbc: {  	_ =	swait.ge [sflag:s8], $0x2800  }
0xbd: {  	[sflag:s8] =	ssyncset.done $0x0  }
0xbe: {  	[sflag:s8] =	ssyncadd.s32 $0xFFFFD800  }
0xbf: {  	[spmem:s2] =	stream.indirect.scatter.add.f32 [tilespmem:s31], [sflag:$0x6], $0x80, s22, s18, $0xb8;
	[tilespmem:$0x1CB80] =	vst v63  }
0xc0: {  	_ =	swait.ge [sflag:s9], $0x2800  }
0xc1: {  	[sflag:s9] =	ssyncset.done $0x0;
	s5 =	rddreg [dreg:$0x4]  }
0xc2: {  	[sflag:s9] =	ssyncadd.s32 $0xFFFFD800;
	s10 =	sadd.s32 s5, s25  }
0xc3: {  	[tilespmem:s21], [sflag:$0x9] =	stream.linear.gather [hbm4b:s10+s3], $0x50, $0x38;
	[tilespmem:$0x1CB80] =	vst v63  }
0xc4: {  	s19 =	sadd.s32 s6, s25  }
0xc5: {  	[tilespmem:s22], [sflag:$0x9] =	stream.linear.gather [hbm4b:s19+s3], $0x50, $0x38;
	[tilespmem:$0x1CB80] =	vst v63  }
0xc6: {  	_ =	swait.ge [sflag:s26], $0x50  }
0xc7: {  	[sflag:s26] =	ssyncset.done $0x0  }
0xc8: {  	[sflag:s26] =	ssyncadd.s32 $0xFFFFFFB0  }
0xc9: {  	_ =	swait.ge [sflag:s26], $0x50  }
0xca: {  	[sflag:s26] =	ssyncset.done $0x0  }
0xcb: {  	[sflag:s26] =	ssyncadd.s32 $0xFFFFFFB0  }
0xcc: {  	[tilespmem:s28], [sflag:$0x2] =	stream.indirect.gather [hbm4b:s1+s18], $0x80, s14, s18, $0xb8;
	[tilespmem:$0x1CB80] =	vst v63  }
0xcd: {  	_ =	swait.ge [sflag:s29], $0x2800  }
0xce: {  	[sflag:s29] =	ssyncset.done $0x0  }
0xcf: {  	[sflag:s29] =	ssyncadd.s32 $0xFFFFD800  }
0xd0: {  	[spmem:s2] =	stream.indirect.scatter.add.f32 [tilespmem:s20], [sflag:$0x4], $0x80, s13, s18, $0xb8;
	[tilespmem:$0x1CB80] =	vst v63  }
0xd1: {  	_ =	swait.ge [sflag:s16], $0x2800  }
0xd2: {  	[sflag:s16] =	ssyncset.done $0x0  }
0xd3: {  	s10 =	sadd.s32 s5, s24;
	[sflag:s16] =	ssyncadd.s32 $0xFFFFD800  }
0xd4: {  	[tilespmem:s3], [sflag:$0x7] =	stream.linear.gather [hbm4b:s10+s3], $0x50, $0x38;
	[tilespmem:$0x1CB80] =	vst v63  }
0xd5: {  	s19 =	sadd.s32 s6, s24  }
0xd6: {  	[tilespmem:s13], [sflag:$0x7] =	stream.linear.gather [hbm4b:s19+s3], $0x50, $0x38;
	[tilespmem:$0x1CB80] =	vst v63  }
0xd7: {  	_ =	swait.ge [sflag:s30], $0x50  }
0xd8: {  	[sflag:s30] =	ssyncset.done $0x0  }
0xd9: {  	[sflag:s30] =	ssyncadd.s32 $0xFFFFFFB0  }
0xda: {  	_ =	swait.ge [sflag:s30], $0x50  }
0xdb: {  	[sflag:s30] =	ssyncset.done $0x0  }
0xdc: {  	[sflag:s30] =	ssyncadd.s32 $0xFFFFFFB0  }
0xdd: {  	[tilespmem:s31], [sflag:$0x3] =	stream.indirect.gather [hbm4b:s1+s18], $0x80, s21, s18, $0xb8;
	[tilespmem:$0x1CB80] =	vst v63  }
0xde: {  	_ =	swait.ge [sflag:s0], $0x2800  }
0xdf: {  	[sflag:s0] =	ssyncset.done $0x0  }
0xe0: {  	[sflag:s0] =	ssyncadd.s32 $0xFFFFD800  }
0xe1: {  	[spmem:s2] =	stream.indirect.scatter.add.f32 [tilespmem:s28], [sflag:$0x5], $0x80, s15, s18, $0xb8;
	[tilespmem:$0x1CB80] =	vst v63  }
0xe2: {  	_ =	swait.ge [sflag:s4], $0x2800  }
0xe3: {  	[sflag:s4] =	ssyncset.done $0x0  }
0xe4: {  	s10 =	sadd.s32 s5, s23;
	[sflag:s4] =	ssyncadd.s32 $0xFFFFD800  }
0xe5: {  	[tilespmem:s14], [sflag:$0x8] =	stream.linear.gather [hbm4b:s10+s3], $0x50, $0x38;
	[tilespmem:$0x1CB80] =	vst v63  }
0xe6: {  	s19 =	sadd.s32 s6, s23  }
0xe7: {  	[tilespmem:s15], [sflag:$0x8] =	stream.linear.gather [hbm4b:s19+s3], $0x50, $0x38;
	[tilespmem:$0x1CB80] =	vst v63  }
0xe8: {  	_ =	swait.ge [sflag:s17], $0x50  }
0xe9: {  	[sflag:s17] =	ssyncset.done $0x0  }
0xea: {  	[sflag:s17] =	ssyncadd.s32 $0xFFFFFFB0  }
0xeb: {  	_ =	swait.ge [sflag:s17], $0x50  }
0xec: {  	[sflag:s17] =	ssyncset.done $0x0  }
0xed: {  	[sflag:s17] =	ssyncadd.s32 $0xFFFFFFB0  }
0xee: {  	[tilespmem:s20], [sflag:$0x1] =	stream.indirect.gather [hbm4b:s1+s18], $0x80, s3, s18, $0xb8;
	[tilespmem:$0x1CB80] =	vst v63  }
0xef: {  	_ =	swait.ge [sflag:s8], $0x2800  }
0xf0: {  	s7 =	sadd.s32 $0x1E, s6;
	[sflag:s8] =	ssyncset.done $0x0  }
0xf1: {  	s10 =	simm.s32 $0x27;
	s19 =	sadd.s32 $0x1E, s5;
	[sflag:s8] =	ssyncadd.s32 $0xFFFFD800  }
.LBB2_4:
0xf2: {  	[spmem:s2] =	stream.indirect.scatter.add.f32 [tilespmem:s31], [sflag:$0x6], $0x80, s22, s18, $0xb8;
	[tilespmem:$0x1CB80] =	vst v63  }
0xf3: {  	p1 =	sne.s32 s10, $0x1;
	s10 =	sadd.s32 $0xFFFFFFFF, s10;
	_ =	swait.ge [sflag:s9], $0x2800  }
0xf4: {  	[sflag:s9] =	ssyncset.done $0x0  }
0xf5: {  	s5 =	sadd.s32 s19, s25;
	[sflag:s9] =	ssyncadd.s32 $0xFFFFD800  }
0xf6: {  	[tilespmem:s21], [sflag:$0x9] =	stream.linear.gather [hbm4b:s5+s3], $0x50, $0x38;
	[tilespmem:$0x1CB80] =	vst v63  }
0xf7: {  	s5 =	sadd.s32 s7, s25  }
0xf8: {  	[tilespmem:s22], [sflag:$0x9] =	stream.linear.gather [hbm4b:s5+s3], $0x50, $0x38;
	[tilespmem:$0x1CB80] =	vst v63  }
0xf9: {  	_ =	swait.ge [sflag:s26], $0x50  }
0xfa: {  	[sflag:s26] =	ssyncset.done $0x0  }
0xfb: {  	[sflag:s26] =	ssyncadd.s32 $0xFFFFFFB0  }
0xfc: {  	_ =	swait.ge [sflag:s26], $0x50  }
0xfd: {  	[sflag:s26] =	ssyncset.done $0x0  }
0xfe: {  	[sflag:s26] =	ssyncadd.s32 $0xFFFFFFB0  }
0xff: {  	[tilespmem:s28], [sflag:$0x2] =	stream.indirect.gather [hbm4b:s1+s18], $0x80, s14, s18, $0xb8;
	[tilespmem:$0x1CB80] =	vst v63  }
0x100: {  	_ =	swait.ge [sflag:s29], $0x2800  }
0x101: {  	[sflag:s29] =	ssyncset.done $0x0  }
0x102: {  	[sflag:s29] =	ssyncadd.s32 $0xFFFFD800  }
0x103: {  	[spmem:s2] =	stream.indirect.scatter.add.f32 [tilespmem:s20], [sflag:$0x4], $0x80, s13, s18, $0xb8;
	[tilespmem:$0x1CB80] =	vst v63  }
0x104: {  	_ =	swait.ge [sflag:s16], $0x2800  }
0x105: {  	[sflag:s16] =	ssyncset.done $0x0  }
0x106: {  	s5 =	sadd.s32 s19, s24;
	[sflag:s16] =	ssyncadd.s32 $0xFFFFD800  }
0x107: {  	[tilespmem:s3], [sflag:$0x7] =	stream.linear.gather [hbm4b:s5+s3], $0x50, $0x38;
	[tilespmem:$0x1CB80] =	vst v63  }
0x108: {  	s5 =	sadd.s32 s7, s24  }
0x109: {  	[tilespmem:s13], [sflag:$0x7] =	stream.linear.gather [hbm4b:s5+s3], $0x50, $0x38;
	[tilespmem:$0x1CB80] =	vst v63  }
0x10a: {  	_ =	swait.ge [sflag:s30], $0x50  }
0x10b: {  	[sflag:s30] =	ssyncset.done $0x0  }
0x10c: {  	[sflag:s30] =	ssyncadd.s32 $0xFFFFFFB0  }
0x10d: {  	_ =	swait.ge [sflag:s30], $0x50  }
0x10e: {  	[sflag:s30] =	ssyncset.done $0x0  }
0x10f: {  	[sflag:s30] =	ssyncadd.s32 $0xFFFFFFB0  }
0x110: {  	[tilespmem:s31], [sflag:$0x3] =	stream.indirect.gather [hbm4b:s1+s18], $0x80, s21, s18, $0xb8;
	[tilespmem:$0x1CB80] =	vst v63  }
0x111: {  	_ =	swait.ge [sflag:s0], $0x2800  }
0x112: {  	[sflag:s0] =	ssyncset.done $0x0  }
0x113: {  	[sflag:s0] =	ssyncadd.s32 $0xFFFFD800  }
0x114: {  	[spmem:s2] =	stream.indirect.scatter.add.f32 [tilespmem:s28], [sflag:$0x5], $0x80, s15, s18, $0xb8;
	[tilespmem:$0x1CB80] =	vst v63  }
0x115: {  	_ =	swait.ge [sflag:s4], $0x2800  }
0x116: {  	[sflag:s4] =	ssyncset.done $0x0  }
0x117: {  	s5 =	sadd.s32 s19, s23;
	[sflag:s4] =	ssyncadd.s32 $0xFFFFD800  }
0x118: {  	[tilespmem:s14], [sflag:$0x8] =	stream.linear.gather [hbm4b:s5+s3], $0x50, $0x38;
	[tilespmem:$0x1CB80] =	vst v63  }
0x119: {  	s5 =	sadd.s32 s7, s23  }
0x11a: {  	[tilespmem:s15], [sflag:$0x8] =	stream.linear.gather [hbm4b:s5+s3], $0x50, $0x38;
	[tilespmem:$0x1CB80] =	vst v63  }
0x11b: {  	_ =	swait.ge [sflag:s17], $0x50  }
0x11c: {  	[sflag:s17] =	ssyncset.done $0x0  }
0x11d: {  	[sflag:s17] =	ssyncadd.s32 $0xFFFFFFB0  }
0x11e: {  	_ =	swait.ge [sflag:s17], $0x50  }
0x11f: {  	[sflag:s17] =	ssyncset.done $0x0  }
.Ltmp1:
0x120: {  	[sflag:s17] =	ssyncadd.s32 $0xFFFFFFB0;
	(pc) =	sbr.rel @p1 .LBB2_4-.Ltmp1, $4  }
0x121: {  	[tilespmem:s20], [sflag:$0x1] =	stream.indirect.gather [hbm4b:s1+s18], $0x80, s3, s18, $0xb8;
	[tilespmem:$0x1CB80] =	vst v63  }
0x122: {  	_ =	swait.ge [sflag:s8], $0x2800  }
0x123: {  	[sflag:s8] =	ssyncset.done $0x0  }
0x124: {  	s19 =	sadd.s32 $0x1E, s19;
	s7 =	sadd.s32 $0x1E, s7;
	[sflag:s8] =	ssyncadd.s32 $0xFFFFD800  }
0x125: {  	[spmem:s2] =	stream.indirect.scatter.add.f32 [tilespmem:s31], [sflag:$0x6], $0x80, s22, s18, $0xb8;
	[tilespmem:$0x1CB80] =	vst v63  }
0x126: {  	_ =	swait.ge [sflag:s9], $0x2800  }
0x127: {  	[sflag:s9] =	ssyncset.done $0x0  }
0x128: {  	[sflag:s9] =	ssyncadd.s32 $0xFFFFD800  }
0x129: {  	_ =	swait.ge [sflag:s26], $0x50  }
0x12a: {  	[sflag:s26] =	ssyncset.done $0x0  }
0x12b: {  	[sflag:s26] =	ssyncadd.s32 $0xFFFFFFB0  }
0x12c: {  	_ =	swait.ge [sflag:s26], $0x50  }
0x12d: {  	[sflag:s26] =	ssyncset.done $0x0  }
0x12e: {  	[sflag:s26] =	ssyncadd.s32 $0xFFFFFFB0  }
0x12f: {  	[tilespmem:s28], [sflag:$0x2] =	stream.indirect.gather [hbm4b:s1+s18], $0x80, s14, s18, $0xb8;
	[tilespmem:$0x1CB80] =	vst v63  }
0x130: {  	_ =	swait.ge [sflag:s29], $0x2800  }
0x131: {  	[sflag:s29] =	ssyncset.done $0x0  }
0x132: {  	[sflag:s29] =	ssyncadd.s32 $0xFFFFD800  }
0x133: {  	[spmem:s2] =	stream.indirect.scatter.add.f32 [tilespmem:s20], [sflag:$0x4], $0x80, s13, s18, $0xb8;
	[tilespmem:$0x1CB80] =	vst v63  }
0x134: {  	_ =	swait.ge [sflag:s16], $0x2800  }
0x135: {  	[sflag:s16] =	ssyncset.done $0x0  }
0x136: {  	[sflag:s16] =	ssyncadd.s32 $0xFFFFD800  }
0x137: {  	_ =	swait.ge [sflag:s0], $0x2800  }
0x138: {  	[sflag:s0] =	ssyncset.done $0x0  }
0x139: {  	[sflag:s0] =	ssyncadd.s32 $0xFFFFD800  }
0x13a: {  	[spmem:s2] =	stream.indirect.scatter.add.f32 [tilespmem:s28], [sflag:$0x5], $0x80, s15, s18, $0xb8;
	[tilespmem:$0x1CB80] =	vst v63  }
0x13b: {  	_ =	swait.ge [sflag:s4], $0x2800  }
0x13c: {  	[sflag:s4] =	ssyncset.done $0x0  }
0x13d: {  	[sflag:s4] =	ssyncadd.s32 $0xFFFFD800  }
0x13e: {  	s5 =	stileid.u32;
	[bflag:$0x0] =	sbarrier.arrive $0xFFFF  }
0x13f: {  	s19 =	simm.s32 $0xA;
	s5 =	sshll.u32 s5, $0x6;
	s7 =	rddreg [dreg:$0x11]  }
0x140: {  	s5 =	sor.u32 $0x1C0A, s5;
	s10 =	rddreg [dreg:$0x10];
	s7 =	sshrl.u32 s7, $0x3  }
0x141: {  	[hbm:s10], [sflag:s5] =	dma.local [spmem:s7], $0x2700  }
0x142: {  	_ =	swait.ge [sflag:s19], $0x2700  }
0x143: {  	[sflag:s19] =	ssyncset.done $0x0  }
0x144: {  	[sflag:s19] =	ssyncadd.s32 $0xFFFFD900;
	s19 =	rddreg [dreg:$0x5]  }
0x145: {  	s10 =	rddreg [dreg:$0x12];
	s7 =	sshrl.u32 @!p0 s19, $0x3  }
0x146: {  	[hbm:s10], [sflag:s5] =	dma.local @!p0 [spmem:s7], $0x100  }
0x147: {  	s5 =	simm.s32 @!p0 $0xA  }
0x148: {  	_ =	swait.ge @!p0 [sflag:s5], $0x100  }
0x149: {  	s11 =	sadd.s32 $0x1, s11;
	s10 =	rddreg [dreg:$0x13]  }
0x14a: {  	p1 =	sne.s32 s11, s10  }
.Ltmp2:
0x14b: {  	_ = 	snop;
	(pc) =	sbr.rel @p1 .LBB2_1-.Ltmp2, $3  }
0x14c: {  	_ =	sdelay $0x1  }
0x14d: {  	[sflag:s5] =	ssyncset.done @!p0 $0x0  }
0x14e: {  	[sflag:s5] =	ssyncadd.s32 @!p0 $0xFFFFFF00  }
0x14f: {  	_ =	sfence.sel $0x180000  }
0x150: {  	[bflag:$0x0] =	sbarrier.arrive $0xFFFF  }
0x151: {  	_ =	strace $0x90000047  }
0x152: {  	[bflag:$0x2] =	sbarrier.arrive $0xFFFF  }
0x153: {  	s0 =	rddreg [dreg:$0x3]  }
0x154: {  	s0 =	sadd.s32 @!p0 $0x100000, s0  }
0x155: {  	[sflag:s0] =	ssyncadd.tile.s32 @!p0 $0x1;
	_ =	shalt  }
.Lfunc_end2:
_tile_overlayer_lowered:
.L_overlay_start_2:
0x156: {  	(tag) =	ssettag $0x2  }
0x157: {  	s0 =	rddreg [dreg:$0x0];
	s2 =	stileid.u32  }
0x158: {  	s1 =	rddreg [dreg:$0x1];
	p0 =	sne.s32 s2, $0x0  }
0x159: {  	s3 =	rddreg [dreg:$0x2];
	[bflag:$0x3] =	sbarrier.arrive $0xFFFF;
	s2 =	simm.s32 @!p0 $0x1C0A  }
0x15a: {  	[timem:s3], [sflag:s2] =	dma.local @!p0 [hbm:s0], s1  }
0x15b: {  	s0 =	simm.s32 @!p0 $0xA  }
0x15c: {  	_ =	swait.ge @!p0 [sflag:s0], s1  }
0x15d: {  	s1 =	ssub.s32 @!p0 $0x0, s1;
	[sflag:s0] =	ssyncset.done @!p0 $0x0  }
0x15e: {  	[sflag:s0] =	ssyncadd.s32 @!p0 s1  }
0x15f: {  	[bflag:$0x3] =	sbarrier.arrive $0xFFFF  }
0x160: {  	_ =	shalt  }

</sc_bundles>
